<compile_context>
chip_gen: v7x
topology: tpu7x:2x2x1
jax: 0.10.2.dev20260603
libtpu: 0.0.44.dev20260713+nightly
codegen_flags: <defaults>
</compile_context>

<pallas_src>
import jax
import jax.numpy as jnp
from jax import lax
from jax.experimental import pallas as pl
from jax.experimental.pallas import tpu as pltpu
from jax.experimental.pallas import tpu_sc as plsc

E = 8
K = 2
D = 768
M = 1024
T = 2048
BLK = 256
NB = T * K // BLK + E
R = NB * BLK

NC = 2
NS = 16
NW = NC * NS
TPW = T // NW



def _router_body(x_ref, wgt_ref, tok_ref, w0b_ref, w1b_ref, be_ref, xb16_ref):
    x = x_ref[...]
    wgt = wgt_ref[...]
    lg = lax.dot_general(wgt, x, (((0,), (1,)), ((), ())),
                         preferred_element_type=jnp.float32)
    eidx = lax.broadcasted_iota(jnp.int32, (E, T), 0)
    m1 = jnp.max(lg, axis=0, keepdims=True)
    i1 = jnp.min(jnp.where(lg == m1, eidx, E), axis=0, keepdims=True)
    oh1 = eidx == i1
    lg2 = jnp.where(oh1, jnp.float32(-jnp.inf), lg)
    m2 = jnp.max(lg2, axis=0, keepdims=True)
    i2 = jnp.min(jnp.where(lg2 == m2, eidx, E), axis=0, keepdims=True)
    oh2 = eidx == i2
    w1 = 1.0 / (1.0 + jnp.exp(m2 - m1))
    w2 = 1.0 - w1
    oh1f = oh1.astype(jnp.float32)
    oh2f = oh2.astype(jnp.float32)
    a = oh1f + oh2f
    CB = 256
    excl_chunks = []
    for c in range(T // CB):
        r_i = lax.broadcasted_iota(jnp.int32, (T, CB), 0)
        c_i = lax.broadcasted_iota(jnp.int32, (T, CB), 1) + c * CB
        tri = (r_i < c_i).astype(jnp.float32)
        excl_chunks.append(
            lax.dot_general(a, tri, (((1,), (0,)), ((), ())),
                            preferred_element_type=jnp.float32))
    excl = jnp.concatenate(excl_chunks, axis=1)
    counts = jnp.sum(a, axis=1, keepdims=True)
    pc = jnp.maximum(jnp.ceil(counts * (1.0 / BLK)), 1.0) * BLK
    low = (lax.broadcasted_iota(jnp.int32, (E, E), 1)
           < lax.broadcasted_iota(jnp.int32, (E, E), 0)).astype(jnp.float32)
    pad_off = lax.dot_general(low, pc, (((1,), (0,)), ((), ())),
                              preferred_element_type=jnp.float32)
    rank0 = jnp.sum(oh1f * excl, axis=0, keepdims=True)
    rank1 = jnp.sum(oh2f * excl, axis=0, keepdims=True)
    off0 = jnp.sum(oh1f * pad_off, axis=0, keepdims=True)
    off1 = jnp.sum(oh2f * pad_off, axis=0, keepdims=True)
    row0 = (off0 + rank0).astype(jnp.int32)
    row1 = (off1 + rank1).astype(jnp.int32)
    tok_ref[...] = jnp.concatenate([row0, row1] * 4, axis=0)
    ones16 = jnp.ones((1, 16), jnp.float32)
    w0b_ref[...] = lax.dot_general(w1, ones16, (((0,), (0,)), ((), ())),
                                   preferred_element_type=jnp.float32)
    w1b_ref[...] = lax.dot_general(w2, ones16, (((0,), (0,)), ((), ())),
                                   preferred_element_type=jnp.float32)
    offb = pad_off * (1.0 / BLK)
    nbi = lax.broadcasted_iota(jnp.int32, (E, NB), 1).astype(jnp.float32)
    bes = jnp.sum((nbi >= offb).astype(jnp.float32), axis=0, keepdims=True) - 1.0
    fst = jnp.sum((nbi == offb).astype(jnp.float32), axis=0, keepdims=True)
    be_ref[...] = jnp.concatenate([bes, fst] * 4, axis=0).astype(jnp.int32)
    bits = lax.bitcast_convert_type(x, jnp.int32)
    rnd = bits + 0x7FFF + lax.shift_right_logical(bits, 16) % 2
    hi = lax.shift_right_logical(rnd, 16)
    xb16_ref[...] = (hi[:, : D // 2] & 0xFFFF) | (hi[:, D // 2:] << 16)


def _router(x, wgt):
    return pl.pallas_call(
        _router_body,
        out_shape=(
            jax.ShapeDtypeStruct((8, T), jnp.int32),
            jax.ShapeDtypeStruct((T, 16), jnp.float32),
            jax.ShapeDtypeStruct((T, 16), jnp.float32),
            jax.ShapeDtypeStruct((8, NB), jnp.int32),
            jax.ShapeDtypeStruct((T, D // 2), jnp.int32),
        ),
    )(x, wgt)



def _dispatch_body(x_hbm, tok_hbm, xs_hbm, xv, i0v, i1v, sem0, sem1):
    wid = lax.axis_index("s") * NC + lax.axis_index("c")
    base = wid * TPW
    pltpu.sync_copy(x_hbm.at[pl.ds(base, TPW)], xv)
    pltpu.sync_copy(tok_hbm.at[0, pl.ds(base, TPW)], i0v)
    pltpu.sync_copy(tok_hbm.at[1, pl.ds(base, TPW)], i1v)
    c0 = pltpu.async_copy(xv, xs_hbm.at[i0v], sem0)
    c1 = pltpu.async_copy(xv, xs_hbm.at[i1v], sem1)
    c0.wait()
    c1.wait()


def _dispatch(x, tok):
    return pl.kernel(
        _dispatch_body,
        out_type=jax.ShapeDtypeStruct((R, D // 2), jnp.int32),
        mesh=plsc.VectorSubcoreMesh(core_axis_name="c", subcore_axis_name="s",
                                    num_cores=NC, num_subcores=NS),
        scratch_types=[
            pltpu.VMEM((TPW, D // 2), jnp.int32),
            pltpu.VMEM((TPW,), jnp.int32),
            pltpu.VMEM((TPW,), jnp.int32),
            pltpu.SemaphoreType.DMA,
            pltpu.SemaphoreType.DMA,
        ],
    )(x, tok)



def _mlp_body(be_ref, xs_ref, wi0_hbm, wi1_hbm, wo_hbm, out_ref,
              w0a, w1a, woa, w0b, w1b, wob, sema, semb):
    i = pl.program_id(0)
    e = be_ref[0, i]
    first = be_ref[1, i]

    def _start(eidx, b0, b1, bo, sem):
        pltpu.make_async_copy(wi0_hbm.at[eidx], b0, sem).start()
        pltpu.make_async_copy(wi1_hbm.at[eidx], b1, sem).start()
        pltpu.make_async_copy(wo_hbm.at[eidx], bo, sem).start()

    def _wait(b0, b1, bo, sem):
        pltpu.make_async_copy(wi0_hbm.at[0], b0, sem).wait()
        pltpu.make_async_copy(wi1_hbm.at[0], b1, sem).wait()
        pltpu.make_async_copy(wo_hbm.at[0], bo, sem).wait()

    @pl.when(i == 0)
    def _warm():
        _start(0, w0a, w1a, woa, sema)
        _start(1, w0b, w1b, wob, semb)

    ep = e + 1

    @pl.when((first == 1) & (i > 0) & (e < 7) & (lax.rem(ep, 2) == 0))
    def _prefa():
        _start(ep, w0a, w1a, woa, sema)

    @pl.when((first == 1) & (i > 0) & (e < 7) & (lax.rem(ep, 2) == 1))
    def _prefb():
        _start(ep, w0b, w1b, wob, semb)

    @pl.when((first == 1) & (lax.rem(e, 2) == 0))
    def _waita():
        _wait(w0a, w1a, woa, sema)

    @pl.when((first == 1) & (lax.rem(e, 2) == 1))
    def _waitb():
        _wait(w0b, w1b, wob, semb)

    p = xs_ref[...]
    xlo = lax.bitcast_convert_type(p << 16, jnp.float32)
    xhi = lax.bitcast_convert_type(p & jnp.int32(-65536), jnp.float32)
    xb = jnp.concatenate([xlo, xhi], axis=1)

    def _emit(b0, b1, bo):
        h0 = jnp.dot(xb, b0[...], preferred_element_type=jnp.float32)
        h1 = jnp.dot(xb, b1[...], preferred_element_type=jnp.float32)
        act = h0 / (1.0 + jnp.exp(-h0)) * h1
        y = jnp.dot(act, bo[...], preferred_element_type=jnp.float32)
        b = lax.bitcast_convert_type(y, jnp.int32)
        r = b + 0x7FFF + lax.shift_right_logical(b, 16) % 2
        h = lax.shift_right_logical(r, 16)
        out_ref[...] = (h[:, : D // 2] & 0xFFFF) | (h[:, D // 2:] << 16)

    @pl.when(lax.rem(e, 2) == 0)
    def _compa():
        _emit(w0a, w1a, woa)

    @pl.when(lax.rem(e, 2) == 1)
    def _compb():
        _emit(w0b, w1b, wob)


def _mlp(be, xs, wi_0, wi_1, wo):
    grid_spec = pltpu.PrefetchScalarGridSpec(
        num_scalar_prefetch=1,
        grid=(NB,),
        in_specs=[
            pl.BlockSpec((BLK, D // 2), lambda i, be: (i, 0)),
            pl.BlockSpec(memory_space=pl.ANY),
            pl.BlockSpec(memory_space=pl.ANY),
            pl.BlockSpec(memory_space=pl.ANY),
        ],
        out_specs=pl.BlockSpec((BLK, D // 2), lambda i, be: (i, 0)),
        scratch_shapes=[
            pltpu.VMEM((D, M), jnp.float32),
            pltpu.VMEM((D, M), jnp.float32),
            pltpu.VMEM((M, D), jnp.float32),
            pltpu.VMEM((D, M), jnp.float32),
            pltpu.VMEM((D, M), jnp.float32),
            pltpu.VMEM((M, D), jnp.float32),
            pltpu.SemaphoreType.DMA,
            pltpu.SemaphoreType.DMA,
        ],
    )
    return pl.pallas_call(
        _mlp_body,
        grid_spec=grid_spec,
        out_shape=jax.ShapeDtypeStruct((R, D // 2), jnp.int32),
    )(be, xs, wi_0, wi_1, wo)



def _combine_body(ys_hbm, tok_hbm, w0_hbm, w1_hbm, out_hbm,
                  i0v, i1v, w0v, w1v, g0v, g1v, ov, sem0, sem1):
    wid = lax.axis_index("s") * NC + lax.axis_index("c")
    base = wid * TPW
    pltpu.sync_copy(tok_hbm.at[0, pl.ds(base, TPW)], i0v)
    pltpu.sync_copy(tok_hbm.at[1, pl.ds(base, TPW)], i1v)
    pltpu.sync_copy(w0_hbm.at[pl.ds(base, TPW)], w0v)
    pltpu.sync_copy(w1_hbm.at[pl.ds(base, TPW)], w1v)
    g0 = pltpu.async_copy(ys_hbm.at[i0v], g0v, sem0)
    g1 = pltpu.async_copy(ys_hbm.at[i1v], g1v, sem1)
    g0.wait()
    g1.wait()

    m16 = jnp.int32(-65536)

    @plsc.parallel_loop(0, TPW, step=1)
    def _tbody(t):
        wa = w0v[t, pl.ds(0, 16)]
        wb = w1v[t, pl.ds(0, 16)]
        for j in range(D // 32):
            sl = pl.ds(j * 16, 16)
            v0 = g0v[t, sl]
            v1 = g1v[t, sl]
            lo0 = lax.bitcast_convert_type(v0 << 16, jnp.float32)
            hi0 = lax.bitcast_convert_type(v0 & m16, jnp.float32)
            lo1 = lax.bitcast_convert_type(v1 << 16, jnp.float32)
            hi1 = lax.bitcast_convert_type(v1 & m16, jnp.float32)
            ov[t, pl.ds(j * 16, 16)] = wa * lo0 + wb * lo1
            ov[t, pl.ds(D // 2 + j * 16, 16)] = wa * hi0 + wb * hi1

    pltpu.sync_copy(ov, out_hbm.at[pl.ds(base, TPW)])


def _combine(ys, tok, w0, w1):
    return pl.kernel(
        _combine_body,
        out_type=jax.ShapeDtypeStruct((T, D), jnp.float32),
        mesh=plsc.VectorSubcoreMesh(core_axis_name="c", subcore_axis_name="s",
                                    num_cores=NC, num_subcores=NS),
        scratch_types=[
            pltpu.VMEM((TPW,), jnp.int32),
            pltpu.VMEM((TPW,), jnp.int32),
            pltpu.VMEM((TPW, 16), jnp.float32),
            pltpu.VMEM((TPW, 16), jnp.float32),
            pltpu.VMEM((TPW, D // 2), jnp.int32),
            pltpu.VMEM((TPW, D // 2), jnp.int32),
            pltpu.VMEM((TPW, D), jnp.float32),
            pltpu.SemaphoreType.DMA,
            pltpu.SemaphoreType.DMA,
        ],
    )(ys, tok, w0, w1)



def kernel(x, w_gate, wi_0, wi_1, wo):
    tok, w0b, w1b, bes, xpk = _router(x, w_gate)
    xs = _dispatch(xpk, tok)
    ys = _mlp(bes, xs, wi_0, wi_1, wo)
    return _combine(ys, tok, w0b, w1b)

# --- scband reference (transcript-rebuilt; emitter-appended) ---
"""Pipeline reference for scband-routed-mo-e-32710470926991 (READ-ONLY COPY).

The authoritative reference and input builder live on the scoring server;
editing this copy changes nothing except your own understanding.
"""

import jax, jax.numpy as jnp
import numpy as np

NUM_EXPERTS = 8
TOP_K = 2
D_MODEL = 768
MLP_DIM = 1024
TOKENS = 2048  # batch=1 * seq=2048


def setup_inputs(seed: int = 0) -> dict:
    key = jax.random.key(seed)
    ks = jax.random.split(key, 5)
    x = jax.random.normal(ks[0], (TOKENS, D_MODEL), dtype=jnp.float32)
    # Router gate kernel (GateLogit): [d_model, num_experts], fan_in truncated_normal style init
    w_gate = jax.random.normal(ks[1], (D_MODEL, NUM_EXPERTS), dtype=jnp.float32) / np.sqrt(D_MODEL)
    # Expert kernels per RoutedMoE.generate_kernels:
    # wi_0, wi_1: (num_experts, emb_dim, mlp_dim); wo: (num_experts, mlp_dim, emb_dim)
    wi_0 = jax.random.normal(ks[2], (NUM_EXPERTS, D_MODEL, MLP_DIM), dtype=jnp.float32) / np.sqrt(D_MODEL)
    wi_1 = jax.random.normal(ks[3], (NUM_EXPERTS, D_MODEL, MLP_DIM), dtype=jnp.float32) / np.sqrt(D_MODEL)
    wo = jax.random.normal(ks[4], (NUM_EXPERTS, MLP_DIM, D_MODEL), dtype=jnp.float32) / np.sqrt(MLP_DIM)
    return {"x": x, "w_gate": w_gate, "wi_0": wi_0, "wi_1": wi_1, "wo": wo}


def reference(x, w_gate, wi_0, wi_1, wo):
    # GateLogit: dense projection to expert logits
    gate_logits = jnp.einsum('td,de->te', x, w_gate)
    # softmax scoring then top-k routing
    probs = jax.nn.softmax(gate_logits.astype(jnp.float32), axis=-1)
    top_k_weights, top_k_indices = jax.lax.top_k(probs, TOP_K)
    # renormalize top-k weights so they sum to 1 per token
    top_k_weights = top_k_weights / jnp.sum(top_k_weights, axis=-1, keepdims=True)
    # combine array [tokens, num_experts] (dense dispatch/combine, no capacity drop)
    combine = jnp.sum(
        jax.nn.one_hot(top_k_indices, NUM_EXPERTS, dtype=x.dtype) * top_k_weights[..., None],
        axis=1,
    )
    # Expert MLPs (gated SiLU, like Mixtral/DeepSeek style wi_0/wi_1/wo)
    h0 = jnp.einsum('td,edm->etm', x, wi_0)
    h1 = jnp.einsum('td,edm->etm', x, wi_1)
    act = jax.nn.silu(h0) * h1
    out_e = jnp.einsum('etm,emd->etd', act, wo)
    # weighted combine over experts
    out = jnp.einsum('te,etd->td', combine, out_e)
    return out

if __name__ == "__main__":
    import jax
    _d = setup_inputs()
    print(jax.jit(kernel)(*tuple(_d.values())))

</pallas_src>

<mosaic_0001>
#map = affine_map<(d0, d1) -> (0, 0)>
module attributes {stable_mosaic.version = 14 : i64} {
  func.func @_dispatch_body(%arg0: i32, %arg1: i32, %arg2: memref<2048x384xi32, #tpu.memory_space<hbm>>, %arg3: memref<8x2048xi32, #tpu.memory_space<hbm>>, %arg4: memref<6144x384xi32, #tpu.memory_space<hbm>>, %arg5: memref<64x384xi32, #tpu.memory_space<vmem>>, %arg6: memref<64xi32, #tpu.memory_space<vmem>>, %arg7: memref<64xi32, #tpu.memory_space<vmem>>, %arg8: memref<!tpu.dma_semaphore, #tpu.memory_space<semaphore_mem>>, %arg9: memref<!tpu.dma_semaphore, #tpu.memory_space<semaphore_mem>>) attributes {dimension_semantics = [#tpu.dimension_semantics<core_parallel>, #tpu.dimension_semantics<subcore_parallel>], iteration_bounds = array<i64: 2, 16>, scalar_prefetch = 0 : i64, scratch_operands = 5 : i64, tpu.core_type = #tpu.core_type<sc_vector_subcore>, window_params = [{transform_indices = #map}, {transform_indices = #map}, {transform_indices = #map}]} {
    %mul3A = arith.constant 2 : i32
    %mul3A_0 = arith.muli %arg1, %mul3A : i32
    %add3A = arith.addi %mul3A_0, %arg0 : i32
    %mul3A_1 = arith.constant 64 : i32
    %mul3A_2 = arith.muli %add3A, %mul3A_1 : i32
    "tpu.region"() ({
      %run_scoped3A_14 = tpu.sem_alloc : memref<!tpu.dma_semaphore, #tpu.memory_space<semaphore_mem>>
      %dma_start3A_15 = arith.constant 0 : i32
      %dma_start3A_16 = tpu.memref_slice %arg2[%mul3A_2, %dma_start3A_15] : memref<2048x384xi32, #tpu.memory_space<hbm>> -> memref<64x384xi32, #tpu.memory_space<hbm>>
      %dma_start3A_17 = arith.constant 0 : i32
      %dma_start3A_18 = tpu.memref_slice %arg2[%mul3A_2, %dma_start3A_17] : memref<2048x384xi32, #tpu.memory_space<hbm>> -> memref<64x384xi32, #tpu.memory_space<hbm>>
      tpu.enqueue_dma source(%dma_start3A_18 : memref<64x384xi32, #tpu.memory_space<hbm>>) target(%arg5 : memref<64x384xi32, #tpu.memory_space<vmem>>) target_semaphore(%run_scoped3A_14 : memref<!tpu.dma_semaphore, #tpu.memory_space<semaphore_mem>>)
      %dma_wait3A_19 = arith.constant 0 : i32
      %dma_wait3A_20 = tpu.memref_slice %arg2[%mul3A_2, %dma_wait3A_19] : memref<2048x384xi32, #tpu.memory_space<hbm>> -> memref<64x384xi32, #tpu.memory_space<hbm>>
      %dma_wait3A_21 = arith.constant 0 : i32
      %dma_wait3A_22 = tpu.memref_slice %arg2[%mul3A_2, %dma_wait3A_21] : memref<2048x384xi32, #tpu.memory_space<hbm>> -> memref<64x384xi32, #tpu.memory_space<hbm>>
      tpu.wait_dma2 semaphore(%run_scoped3A_14 : memref<!tpu.dma_semaphore, #tpu.memory_space<semaphore_mem>>) src(%dma_wait3A_22 : memref<64x384xi32, #tpu.memory_space<hbm>>) dst(%arg5 : memref<64x384xi32, #tpu.memory_space<vmem>>)
      tpu.yield
    }) : () -> ()
    %run_scoped3A = arith.constant 0 : i32
    "tpu.region"() ({
      %run_scoped3A_14 = tpu.sem_alloc : memref<!tpu.dma_semaphore, #tpu.memory_space<semaphore_mem>>
      %dma_start3A_15 = tpu.memref_slice %arg3[%run_scoped3A, %mul3A_2] : memref<8x2048xi32, #tpu.memory_space<hbm>> -> memref<1x64xi32, #tpu.memory_space<hbm>>
      %dma_start3A_16 = tpu.memref_squeeze %dma_start3A_15 : memref<1x64xi32, #tpu.memory_space<hbm>> -> memref<64xi32, #tpu.memory_space<hbm>>
      %dma_start3A_17 = tpu.memref_slice %arg3[%run_scoped3A, %mul3A_2] : memref<8x2048xi32, #tpu.memory_space<hbm>> -> memref<1x64xi32, #tpu.memory_space<hbm>>
      %dma_start3A_18 = tpu.memref_squeeze %dma_start3A_17 : memref<1x64xi32, #tpu.memory_space<hbm>> -> memref<64xi32, #tpu.memory_space<hbm>>
      tpu.enqueue_dma source(%dma_start3A_18 : memref<64xi32, #tpu.memory_space<hbm>>) target(%arg6 : memref<64xi32, #tpu.memory_space<vmem>>) target_semaphore(%run_scoped3A_14 : memref<!tpu.dma_semaphore, #tpu.memory_space<semaphore_mem>>)
      %dma_wait3A_19 = tpu.memref_slice %arg3[%run_scoped3A, %mul3A_2] : memref<8x2048xi32, #tpu.memory_space<hbm>> -> memref<1x64xi32, #tpu.memory_space<hbm>>
      %dma_wait3A_20 = tpu.memref_squeeze %dma_wait3A_19 : memref<1x64xi32, #tpu.memory_space<hbm>> -> memref<64xi32, #tpu.memory_space<hbm>>
      %dma_wait3A_21 = tpu.memref_slice %arg3[%run_scoped3A, %mul3A_2] : memref<8x2048xi32, #tpu.memory_space<hbm>> -> memref<1x64xi32, #tpu.memory_space<hbm>>
      %dma_wait3A_22 = tpu.memref_squeeze %dma_wait3A_21 : memref<1x64xi32, #tpu.memory_space<hbm>> -> memref<64xi32, #tpu.memory_space<hbm>>
      tpu.wait_dma2 semaphore(%run_scoped3A_14 : memref<!tpu.dma_semaphore, #tpu.memory_space<semaphore_mem>>) src(%dma_wait3A_22 : memref<64xi32, #tpu.memory_space<hbm>>) dst(%arg6 : memref<64xi32, #tpu.memory_space<vmem>>)
      tpu.yield
    }) : () -> ()
    %run_scoped3A_3 = arith.constant 1 : i32
    "tpu.region"() ({
      %run_scoped3A_14 = tpu.sem_alloc : memref<!tpu.dma_semaphore, #tpu.memory_space<semaphore_mem>>
      %dma_start3A_15 = tpu.memref_slice %arg3[%run_scoped3A_3, %mul3A_2] : memref<8x2048xi32, #tpu.memory_space<hbm>> -> memref<1x64xi32, #tpu.memory_space<hbm>>
      %dma_start3A_16 = tpu.memref_squeeze %dma_start3A_15 : memref<1x64xi32, #tpu.memory_space<hbm>> -> memref<64xi32, #tpu.memory_space<hbm>>
      %dma_start3A_17 = tpu.memref_slice %arg3[%run_scoped3A_3, %mul3A_2] : memref<8x2048xi32, #tpu.memory_space<hbm>> -> memref<1x64xi32, #tpu.memory_space<hbm>>
      %dma_start3A_18 = tpu.memref_squeeze %dma_start3A_17 : memref<1x64xi32, #tpu.memory_space<hbm>> -> memref<64xi32, #tpu.memory_space<hbm>>
      tpu.enqueue_dma source(%dma_start3A_18 : memref<64xi32, #tpu.memory_space<hbm>>) target(%arg7 : memref<64xi32, #tpu.memory_space<vmem>>) target_semaphore(%run_scoped3A_14 : memref<!tpu.dma_semaphore, #tpu.memory_space<semaphore_mem>>)
      %dma_wait3A_19 = tpu.memref_slice %arg3[%run_scoped3A_3, %mul3A_2] : memref<8x2048xi32, #tpu.memory_space<hbm>> -> memref<1x64xi32, #tpu.memory_space<hbm>>
      %dma_wait3A_20 = tpu.memref_squeeze %dma_wait3A_19 : memref<1x64xi32, #tpu.memory_space<hbm>> -> memref<64xi32, #tpu.memory_space<hbm>>
      %dma_wait3A_21 = tpu.memref_slice %arg3[%run_scoped3A_3, %mul3A_2] : memref<8x2048xi32, #tpu.memory_space<hbm>> -> memref<1x64xi32, #tpu.memory_space<hbm>>
      %dma_wait3A_22 = tpu.memref_squeeze %dma_wait3A_21 : memref<1x64xi32, #tpu.memory_space<hbm>> -> memref<64xi32, #tpu.memory_space<hbm>>
      tpu.wait_dma2 semaphore(%run_scoped3A_14 : memref<!tpu.dma_semaphore, #tpu.memory_space<semaphore_mem>>) src(%dma_wait3A_22 : memref<64xi32, #tpu.memory_space<hbm>>) dst(%arg7 : memref<64xi32, #tpu.memory_space<vmem>>)
      tpu.yield
    }) : () -> ()
    %dma_start3A = arith.constant 0 : i32
    %dma_start3A_4 = arith.constant 0 : i32
    %dma_start3A_5 = tpu.memref_slice %arg4[%dma_start3A, %dma_start3A_4] : memref<6144x384xi32, #tpu.memory_space<hbm>> -> memref<6144x384xi32, #tpu.memory_space<hbm>>
    tpu.enqueue_indirect_dma source(%arg5 : memref<64x384xi32, #tpu.memory_space<vmem>>) target(%dma_start3A_5 : memref<6144x384xi32, #tpu.memory_space<hbm>>) offsets(%arg6 : memref<64xi32, #tpu.memory_space<vmem>>) semaphore(%arg8 : memref<!tpu.dma_semaphore, #tpu.memory_space<semaphore_mem>>)
    %dma_start3A_6 = arith.constant 0 : i32
    %dma_start3A_7 = arith.constant 0 : i32
    %dma_start3A_8 = tpu.memref_slice %arg4[%dma_start3A_6, %dma_start3A_7] : memref<6144x384xi32, #tpu.memory_space<hbm>> -> memref<6144x384xi32, #tpu.memory_space<hbm>>
    tpu.enqueue_indirect_dma source(%arg5 : memref<64x384xi32, #tpu.memory_space<vmem>>) target(%dma_start3A_8 : memref<6144x384xi32, #tpu.memory_space<hbm>>) offsets(%arg7 : memref<64xi32, #tpu.memory_space<vmem>>) semaphore(%arg9 : memref<!tpu.dma_semaphore, #tpu.memory_space<semaphore_mem>>)
    %dma_wait3A = arith.constant 0 : i32
    %dma_wait3A_9 = arith.constant 0 : i32
    %dma_wait3A_10 = tpu.memref_slice %arg4[%dma_wait3A, %dma_wait3A_9] : memref<6144x384xi32, #tpu.memory_space<hbm>> -> memref<6144x384xi32, #tpu.memory_space<hbm>>
    tpu.wait_indirect_dma semaphore(%arg8 : memref<!tpu.dma_semaphore, #tpu.memory_space<semaphore_mem>>) src(%arg5 : memref<64x384xi32, #tpu.memory_space<vmem>>) dst(%dma_wait3A_10 : memref<6144x384xi32, #tpu.memory_space<hbm>>)
    %dma_wait3A_11 = arith.constant 0 : i32
    %dma_wait3A_12 = arith.constant 0 : i32
    %dma_wait3A_13 = tpu.memref_slice %arg4[%dma_wait3A_11, %dma_wait3A_12] : memref<6144x384xi32, #tpu.memory_space<hbm>> -> memref<6144x384xi32, #tpu.memory_space<hbm>>
    tpu.wait_indirect_dma semaphore(%arg9 : memref<!tpu.dma_semaphore, #tpu.memory_space<semaphore_mem>>) src(%arg5 : memref<64x384xi32, #tpu.memory_space<vmem>>) dst(%dma_wait3A_13 : memref<6144x384xi32, #tpu.memory_space<hbm>>)
    return
  }
}

#map = affine_map<(d0, d1) -> (0, 0)>
module attributes {stable_mosaic.version = 14 : i64} {
  func.func @_combine_body(%arg0: i32, %arg1: i32, %arg2: memref<6144x384xi32, #tpu.memory_space<hbm>>, %arg3: memref<8x2048xi32, #tpu.memory_space<hbm>>, %arg4: memref<2048x16xf32, #tpu.memory_space<hbm>>, %arg5: memref<2048x16xf32, #tpu.memory_space<hbm>>, %arg6: memref<2048x768xf32, #tpu.memory_space<hbm>>, %arg7: memref<64xi32, #tpu.memory_space<vmem>>, %arg8: memref<64xi32, #tpu.memory_space<vmem>>, %arg9: memref<64x16xf32, #tpu.memory_space<vmem>>, %arg10: memref<64x16xf32, #tpu.memory_space<vmem>>, %arg11: memref<64x384xi32, #tpu.memory_space<vmem>>, %arg12: memref<64x384xi32, #tpu.memory_space<vmem>>, %arg13: memref<64x768xf32, #tpu.memory_space<vmem>>, %arg14: memref<!tpu.dma_semaphore, #tpu.memory_space<semaphore_mem>>, %arg15: memref<!tpu.dma_semaphore, #tpu.memory_space<semaphore_mem>>) attributes {dimension_semantics = [#tpu.dimension_semantics<core_parallel>, #tpu.dimension_semantics<subcore_parallel>], iteration_bounds = array<i64: 2, 16>, scalar_prefetch = 0 : i64, scratch_operands = 9 : i64, tpu.core_type = #tpu.core_type<sc_vector_subcore>, window_params = [{transform_indices = #map}, {transform_indices = #map}, {transform_indices = #map}, {transform_indices = #map}, {transform_indices = #map}]} {
    %mul3A = arith.constant 2 : i32
    %mul3A_0 = arith.muli %arg1, %mul3A : i32
    %add3A = arith.addi %mul3A_0, %arg0 : i32
    %mul3A_1 = arith.constant 64 : i32
    %mul3A_2 = arith.muli %add3A, %mul3A_1 : i32
    %run_scoped3A = arith.constant 0 : i32
    "tpu.region"() ({
      %run_scoped3A_17 = tpu.sem_alloc : memref<!tpu.dma_semaphore, #tpu.memory_space<semaphore_mem>>
      %dma_start3A_18 = tpu.memref_slice %arg3[%run_scoped3A, %mul3A_2] : memref<8x2048xi32, #tpu.memory_space<hbm>> -> memref<1x64xi32, #tpu.memory_space<hbm>>
      %dma_start3A_19 = tpu.memref_squeeze %dma_start3A_18 : memref<1x64xi32, #tpu.memory_space<hbm>> -> memref<64xi32, #tpu.memory_space<hbm>>
      %dma_start3A_20 = tpu.memref_slice %arg3[%run_scoped3A, %mul3A_2] : memref<8x2048xi32, #tpu.memory_space<hbm>> -> memref<1x64xi32, #tpu.memory_space<hbm>>
      %dma_start3A_21 = tpu.memref_squeeze %dma_start3A_20 : memref<1x64xi32, #tpu.memory_space<hbm>> -> memref<64xi32, #tpu.memory_space<hbm>>
      tpu.enqueue_dma source(%dma_start3A_21 : memref<64xi32, #tpu.memory_space<hbm>>) target(%arg7 : memref<64xi32, #tpu.memory_space<vmem>>) target_semaphore(%run_scoped3A_17 : memref<!tpu.dma_semaphore, #tpu.memory_space<semaphore_mem>>)
      %dma_wait3A_22 = tpu.memref_slice %arg3[%run_scoped3A, %mul3A_2] : memref<8x2048xi32, #tpu.memory_space<hbm>> -> memref<1x64xi32, #tpu.memory_space<hbm>>
      %dma_wait3A_23 = tpu.memref_squeeze %dma_wait3A_22 : memref<1x64xi32, #tpu.memory_space<hbm>> -> memref<64xi32, #tpu.memory_space<hbm>>
      %dma_wait3A_24 = tpu.memref_slice %arg3[%run_scoped3A, %mul3A_2] : memref<8x2048xi32, #tpu.memory_space<hbm>> -> memref<1x64xi32, #tpu.memory_space<hbm>>
      %dma_wait3A_25 = tpu.memref_squeeze %dma_wait3A_24 : memref<1x64xi32, #tpu.memory_space<hbm>> -> memref<64xi32, #tpu.memory_space<hbm>>
      tpu.wait_dma2 semaphore(%run_scoped3A_17 : memref<!tpu.dma_semaphore, #tpu.memory_space<semaphore_mem>>) src(%dma_wait3A_25 : memref<64xi32, #tpu.memory_space<hbm>>) dst(%arg7 : memref<64xi32, #tpu.memory_space<vmem>>)
      tpu.yield
    }) : () -> ()
    %run_scoped3A_3 = arith.constant 1 : i32
    "tpu.region"() ({
      %run_scoped3A_17 = tpu.sem_alloc : memref<!tpu.dma_semaphore, #tpu.memory_space<semaphore_mem>>
      %dma_start3A_18 = tpu.memref_slice %arg3[%run_scoped3A_3, %mul3A_2] : memref<8x2048xi32, #tpu.memory_space<hbm>> -> memref<1x64xi32, #tpu.memory_space<hbm>>
      %dma_start3A_19 = tpu.memref_squeeze %dma_start3A_18 : memref<1x64xi32, #tpu.memory_space<hbm>> -> memref<64xi32, #tpu.memory_space<hbm>>
      %dma_start3A_20 = tpu.memref_slice %arg3[%run_scoped3A_3, %mul3A_2] : memref<8x2048xi32, #tpu.memory_space<hbm>> -> memref<1x64xi32, #tpu.memory_space<hbm>>
      %dma_start3A_21 = tpu.memref_squeeze %dma_start3A_20 : memref<1x64xi32, #tpu.memory_space<hbm>> -> memref<64xi32, #tpu.memory_space<hbm>>
      tpu.enqueue_dma source(%dma_start3A_21 : memref<64xi32, #tpu.memory_space<hbm>>) target(%arg8 : memref<64xi32, #tpu.memory_space<vmem>>) target_semaphore(%run_scoped3A_17 : memref<!tpu.dma_semaphore, #tpu.memory_space<semaphore_mem>>)
      %dma_wait3A_22 = tpu.memref_slice %arg3[%run_scoped3A_3, %mul3A_2] : memref<8x2048xi32, #tpu.memory_space<hbm>> -> memref<1x64xi32, #tpu.memory_space<hbm>>
      %dma_wait3A_23 = tpu.memref_squeeze %dma_wait3A_22 : memref<1x64xi32, #tpu.memory_space<hbm>> -> memref<64xi32, #tpu.memory_space<hbm>>
      %dma_wait3A_24 = tpu.memref_slice %arg3[%run_scoped3A_3, %mul3A_2] : memref<8x2048xi32, #tpu.memory_space<hbm>> -> memref<1x64xi32, #tpu.memory_space<hbm>>
      %dma_wait3A_25 = tpu.memref_squeeze %dma_wait3A_24 : memref<1x64xi32, #tpu.memory_space<hbm>> -> memref<64xi32, #tpu.memory_space<hbm>>
      tpu.wait_dma2 semaphore(%run_scoped3A_17 : memref<!tpu.dma_semaphore, #tpu.memory_space<semaphore_mem>>) src(%dma_wait3A_25 : memref<64xi32, #tpu.memory_space<hbm>>) dst(%arg8 : memref<64xi32, #tpu.memory_space<vmem>>)
      tpu.yield
    }) : () -> ()
    "tpu.region"() ({
      %run_scoped3A_17 = tpu.sem_alloc : memref<!tpu.dma_semaphore, #tpu.memory_space<semaphore_mem>>
      %dma_start3A_18 = arith.constant 0 : i32
      %dma_start3A_19 = tpu.memref_slice %arg4[%mul3A_2, %dma_start3A_18] : memref<2048x16xf32, #tpu.memory_space<hbm>> -> memref<64x16xf32, #tpu.memory_space<hbm>>
      %dma_start3A_20 = arith.constant 0 : i32
      %dma_start3A_21 = tpu.memref_slice %arg4[%mul3A_2, %dma_start3A_20] : memref<2048x16xf32, #tpu.memory_space<hbm>> -> memref<64x16xf32, #tpu.memory_space<hbm>>
      tpu.enqueue_dma source(%dma_start3A_21 : memref<64x16xf32, #tpu.memory_space<hbm>>) target(%arg9 : memref<64x16xf32, #tpu.memory_space<vmem>>) target_semaphore(%run_scoped3A_17 : memref<!tpu.dma_semaphore, #tpu.memory_space<semaphore_mem>>)
      %dma_wait3A_22 = arith.constant 0 : i32
      %dma_wait3A_23 = tpu.memref_slice %arg4[%mul3A_2, %dma_wait3A_22] : memref<2048x16xf32, #tpu.memory_space<hbm>> -> memref<64x16xf32, #tpu.memory_space<hbm>>
      %dma_wait3A_24 = arith.constant 0 : i32
      %dma_wait3A_25 = tpu.memref_slice %arg4[%mul3A_2, %dma_wait3A_24] : memref<2048x16xf32, #tpu.memory_space<hbm>> -> memref<64x16xf32, #tpu.memory_space<hbm>>
      tpu.wait_dma2 semaphore(%run_scoped3A_17 : memref<!tpu.dma_semaphore, #tpu.memory_space<semaphore_mem>>) src(%dma_wait3A_25 : memref<64x16xf32, #tpu.memory_space<hbm>>) dst(%arg9 : memref<64x16xf32, #tpu.memory_space<vmem>>)
      tpu.yield
    }) : () -> ()
    "tpu.region"() ({
      %run_scoped3A_17 = tpu.sem_alloc : memref<!tpu.dma_semaphore, #tpu.memory_space<semaphore_mem>>
      %dma_start3A_18 = arith.constant 0 : i32
      %dma_start3A_19 = tpu.memref_slice %arg5[%mul3A_2, %dma_start3A_18] : memref<2048x16xf32, #tpu.memory_space<hbm>> -> memref<64x16xf32, #tpu.memory_space<hbm>>
      %dma_start3A_20 = arith.constant 0 : i32
      %dma_start3A_21 = tpu.memref_slice %arg5[%mul3A_2, %dma_start3A_20] : memref<2048x16xf32, #tpu.memory_space<hbm>> -> memref<64x16xf32, #tpu.memory_space<hbm>>
      tpu.enqueue_dma source(%dma_start3A_21 : memref<64x16xf32, #tpu.memory_space<hbm>>) target(%arg10 : memref<64x16xf32, #tpu.memory_space<vmem>>) target_semaphore(%run_scoped3A_17 : memref<!tpu.dma_semaphore, #tpu.memory_space<semaphore_mem>>)
      %dma_wait3A_22 = arith.constant 0 : i32
      %dma_wait3A_23 = tpu.memref_slice %arg5[%mul3A_2, %dma_wait3A_22] : memref<2048x16xf32, #tpu.memory_space<hbm>> -> memref<64x16xf32, #tpu.memory_space<hbm>>
      %dma_wait3A_24 = arith.constant 0 : i32
      %dma_wait3A_25 = tpu.memref_slice %arg5[%mul3A_2, %dma_wait3A_24] : memref<2048x16xf32, #tpu.memory_space<hbm>> -> memref<64x16xf32, #tpu.memory_space<hbm>>
      tpu.wait_dma2 semaphore(%run_scoped3A_17 : memref<!tpu.dma_semaphore, #tpu.memory_space<semaphore_mem>>) src(%dma_wait3A_25 : memref<64x16xf32, #tpu.memory_space<hbm>>) dst(%arg10 : memref<64x16xf32, #tpu.memory_space<vmem>>)
      tpu.yield
    }) : () -> ()
    %dma_start3A = arith.constant 0 : i32
    %dma_start3A_4 = arith.constant 0 : i32
    %dma_start3A_5 = tpu.memref_slice %arg2[%dma_start3A, %dma_start3A_4] : memref<6144x384xi32, #tpu.memory_space<hbm>> -> memref<6144x384xi32, #tpu.memory_space<hbm>>
    tpu.enqueue_indirect_dma source(%dma_start3A_5 : memref<6144x384xi32, #tpu.memory_space<hbm>>) target(%arg11 : memref<64x384xi32, #tpu.memory_space<vmem>>) offsets(%arg7 : memref<64xi32, #tpu.memory_space<vmem>>) semaphore(%arg14 : memref<!tpu.dma_semaphore, #tpu.memory_space<semaphore_mem>>)
    %dma_start3A_6 = arith.constant 0 : i32
    %dma_start3A_7 = arith.constant 0 : i32
    %dma_start3A_8 = tpu.memref_slice %arg2[%dma_start3A_6, %dma_start3A_7] : memref<6144x384xi32, #tpu.memory_space<hbm>> -> memref<6144x384xi32, #tpu.memory_space<hbm>>
    tpu.enqueue_indirect_dma source(%dma_start3A_8 : memref<6144x384xi32, #tpu.memory_space<hbm>>) target(%arg12 : memref<64x384xi32, #tpu.memory_space<vmem>>) offsets(%arg8 : memref<64xi32, #tpu.memory_space<vmem>>) semaphore(%arg15 : memref<!tpu.dma_semaphore, #tpu.memory_space<semaphore_mem>>)
    %dma_wait3A = arith.constant 0 : i32
    %dma_wait3A_9 = arith.constant 0 : i32
    %dma_wait3A_10 = tpu.memref_slice %arg2[%dma_wait3A, %dma_wait3A_9] : memref<6144x384xi32, #tpu.memory_space<hbm>> -> memref<6144x384xi32, #tpu.memory_space<hbm>>
    tpu.wait_indirect_dma semaphore(%arg14 : memref<!tpu.dma_semaphore, #tpu.memory_space<semaphore_mem>>) src(%dma_wait3A_10 : memref<6144x384xi32, #tpu.memory_space<hbm>>) dst(%arg11 : memref<64x384xi32, #tpu.memory_space<vmem>>)
    %dma_wait3A_11 = arith.constant 0 : i32
    %dma_wait3A_12 = arith.constant 0 : i32
    %dma_wait3A_13 = tpu.memref_slice %arg2[%dma_wait3A_11, %dma_wait3A_12] : memref<6144x384xi32, #tpu.memory_space<hbm>> -> memref<6144x384xi32, #tpu.memory_space<hbm>>
    tpu.wait_indirect_dma semaphore(%arg15 : memref<!tpu.dma_semaphore, #tpu.memory_space<semaphore_mem>>) src(%dma_wait3A_13 : memref<6144x384xi32, #tpu.memory_space<hbm>>) dst(%arg12 : memref<64x384xi32, #tpu.memory_space<vmem>>)
    %parallel_loop3A = arith.constant 0 : i32
    %parallel_loop3A_14 = arith.constant 64 : i32
    %parallel_loop3A_15 = arith.constant 1 : i32
    %parallel_loop3A_16 = arith.constant -65536 : i32
    scf.for %parallel_loop3A_17 = %parallel_loop3A to %parallel_loop3A_14 step %parallel_loop3A_15  : i32 {
      %parallel_loop3A_18 = arith.index_cast %parallel_loop3A_17 : i32 to index
      %parallel_loop3A_19 = arith.constant 0 : index
      %parallel_loop3A_20 = tpu.vector_load %arg9[%parallel_loop3A_18, %parallel_loop3A_19] {strides = array<i32>} : memref<64x16xf32, #tpu.memory_space<vmem>>, vector<1x16xf32>,
      %parallel_loop3A_21 = vector.shape_cast %parallel_loop3A_20 : vector<1x16xf32> to vector<16xf32>
      %parallel_loop3A_22 = arith.index_cast %parallel_loop3A_17 : i32 to index
      %parallel_loop3A_23 = arith.constant 0 : index
      %parallel_loop3A_24 = tpu.vector_load %arg10[%parallel_loop3A_22, %parallel_loop3A_23] {strides = array<i32>} : memref<64x16xf32, #tpu.memory_space<vmem>>, vector<1x16xf32>,
      %parallel_loop3A_25 = vector.shape_cast %parallel_loop3A_24 : vector<1x16xf32> to vector<16xf32>
      %parallel_loop3A_26 = arith.index_cast %parallel_loop3A_17 : i32 to index
      %parallel_loop3A_27 = arith.constant 0 : index
      %parallel_loop3A_28 = tpu.vector_load %arg11[%parallel_loop3A_26, %parallel_loop3A_27] {strides = array<i32>} : memref<64x384xi32, #tpu.memory_space<vmem>>, vector<1x16xi32>,
      %parallel_loop3A_29 = vector.shape_cast %parallel_loop3A_28 : vector<1x16xi32> to vector<16xi32>
      %parallel_loop3A_30 = arith.index_cast %parallel_loop3A_17 : i32 to index
      %parallel_loop3A_31 = arith.constant 0 : index
      %parallel_loop3A_32 = tpu.vector_load %arg12[%parallel_loop3A_30, %parallel_loop3A_31] {strides = array<i32>} : memref<64x384xi32, #tpu.memory_space<vmem>>, vector<1x16xi32>,
      %parallel_loop3A_33 = vector.shape_cast %parallel_loop3A_32 : vector<1x16xi32> to vector<16xi32>
      %parallel_loop3A_34 = arith.constant 16 : i32
      %parallel_loop3A_35 = vector.broadcast %parallel_loop3A_34 : i32 to vector<16xi32>
      %parallel_loop3A_36 = arith.shli %parallel_loop3A_29, %parallel_loop3A_35 : vector<16xi32>
      %parallel_loop3A_37 = tpu.bitcast %parallel_loop3A_36 : vector<16xi32> -> vector<16xf32>
      %parallel_loop3A_38 = vector.broadcast %parallel_loop3A_16 : i32 to vector<16xi32>
      %parallel_loop3A_39 = arith.andi %parallel_loop3A_29, %parallel_loop3A_38 : vector<16xi32>
      %parallel_loop3A_40 = tpu.bitcast %parallel_loop3A_39 : vector<16xi32> -> vector<16xf32>
      %parallel_loop3A_41 = arith.constant 16 : i32
      %parallel_loop3A_42 = vector.broadcast %parallel_loop3A_41 : i32 to vector<16xi32>
      %parallel_loop3A_43 = arith.shli %parallel_loop3A_33, %parallel_loop3A_42 : vector<16xi32>
      %parallel_loop3A_44 = tpu.bitcast %parallel_loop3A_43 : vector<16xi32> -> vector<16xf32>
      %parallel_loop3A_45 = vector.broadcast %parallel_loop3A_16 : i32 to vector<16xi32>
      %parallel_loop3A_46 = arith.andi %parallel_loop3A_33, %parallel_loop3A_45 : vector<16xi32>
      %parallel_loop3A_47 = tpu.bitcast %parallel_loop3A_46 : vector<16xi32> -> vector<16xf32>
      %parallel_loop3A_48 = arith.mulf %parallel_loop3A_21, %parallel_loop3A_37 : vector<16xf32>
      %parallel_loop3A_49 = arith.mulf %parallel_loop3A_25, %parallel_loop3A_44 : vector<16xf32>
      %parallel_loop3A_50 = arith.addf %parallel_loop3A_48, %parallel_loop3A_49 : vector<16xf32>
      %parallel_loop3A_51 = arith.index_cast %parallel_loop3A_17 : i32 to index
      %parallel_loop3A_52 = arith.constant 0 : index
      %parallel_loop3A_53 = tpu.vector_load %arg13[%parallel_loop3A_51, %parallel_loop3A_52] {strides = array<i32>} : memref<64x768xf32, #tpu.memory_space<vmem>>, vector<1x16xf32>,
      %parallel_loop3A_54 = vector.shape_cast %parallel_loop3A_53 : vector<1x16xf32> to vector<16xf32>
      %parallel_loop3A_55 = vector.shape_cast %parallel_loop3A_50 : vector<16xf32> to vector<1x16xf32>
      tpu.vector_store %arg13[%parallel_loop3A_51, %parallel_loop3A_52], %parallel_loop3A_55 {strides = array<i32>} : memref<64x768xf32, #tpu.memory_space<vmem>>, vector<1x16xf32>,
      %parallel_loop3A_56 = arith.mulf %parallel_loop3A_21, %parallel_loop3A_40 : vector<16xf32>
      %parallel_loop3A_57 = arith.mulf %parallel_loop3A_25, %parallel_loop3A_47 : vector<16xf32>
      %parallel_loop3A_58 = arith.addf %parallel_loop3A_56, %parallel_loop3A_57 : vector<16xf32>
      %parallel_loop3A_59 = arith.index_cast %parallel_loop3A_17 : i32 to index
      %parallel_loop3A_60 = arith.constant 384 : index
      %parallel_loop3A_61 = tpu.vector_load %arg13[%parallel_loop3A_59, %parallel_loop3A_60] {strides = array<i32>} : memref<64x768xf32, #tpu.memory_space<vmem>>, vector<1x16xf32>,
      %parallel_loop3A_62 = vector.shape_cast %parallel_loop3A_61 : vector<1x16xf32> to vector<16xf32>
      %parallel_loop3A_63 = vector.shape_cast %parallel_loop3A_58 : vector<16xf32> to vector<1x16xf32>
      tpu.vector_store %arg13[%parallel_loop3A_59, %parallel_loop3A_60], %parallel_loop3A_63 {strides = array<i32>} : memref<64x768xf32, #tpu.memory_space<vmem>>, vector<1x16xf32>,
      %parallel_loop3A_64 = arith.index_cast %parallel_loop3A_17 : i32 to index
      %parallel_loop3A_65 = arith.constant 16 : index
      %parallel_loop3A_66 = tpu.vector_load %arg11[%parallel_loop3A_64, %parallel_loop3A_65] {strides = array<i32>} : memref<64x384xi32, #tpu.memory_space<vmem>>, vector<1x16xi32>,
      %parallel_loop3A_67 = vector.shape_cast %parallel_loop3A_66 : vector<1x16xi32> to vector<16xi32>
      %parallel_loop3A_68 = arith.index_cast %parallel_loop3A_17 : i32 to index
      %parallel_loop3A_69 = arith.constant 16 : index
      %parallel_loop3A_70 = tpu.vector_load %arg12[%parallel_loop3A_68, %parallel_loop3A_69] {strides = array<i32>} : memref<64x384xi32, #tpu.memory_space<vmem>>, vector<1x16xi32>,
      %parallel_loop3A_71 = vector.shape_cast %parallel_loop3A_70 : vector<1x16xi32> to vector<16xi32>
      %parallel_loop3A_72 = arith.constant 16 : i32
      %parallel_loop3A_73 = vector.broadcast %parallel_loop3A_72 : i32 to vector<16xi32>
      %parallel_loop3A_74 = arith.shli %parallel_loop3A_67, %parallel_loop3A_73 : vector<16xi32>
      %parallel_loop3A_75 = tpu.bitcast %parallel_loop3A_74 : vector<16xi32> -> vector<16xf32>
      %parallel_loop3A_76 = vector.broadcast %parallel_loop3A_16 : i32 to vector<16xi32>
      %parallel_loop3A_77 = arith.andi %parallel_loop3A_67, %parallel_loop3A_76 : vector<16xi32>
      %parallel_loop3A_78 = tpu.bitcast %parallel_loop3A_77 : vector<16xi32> -> vector<16xf32>
      %parallel_loop3A_79 = arith.constant 16 : i32
      %parallel_loop3A_80 = vector.broadcast %parallel_loop3A_79 : i32 to vector<16xi32>
      %parallel_loop3A_81 = arith.shli %parallel_loop3A_71, %parallel_loop3A_80 : vector<16xi32>
      %parallel_loop3A_82 = tpu.bitcast %parallel_loop3A_81 : vector<16xi32> -> vector<16xf32>
      %parallel_loop3A_83 = vector.broadcast %parallel_loop3A_16 : i32 to vector<16xi32>
      %parallel_loop3A_84 = arith.andi %parallel_loop3A_71, %parallel_loop3A_83 : vector<16xi32>
      %parallel_loop3A_85 = tpu.bitcast %parallel_loop3A_84 : vector<16xi32> -> vector<16xf32>
      %parallel_loop3A_86 = arith.mulf %parallel_loop3A_21, %parallel_loop3A_75 : vector<16xf32>
      %parallel_loop3A_87 = arith.mulf %parallel_loop3A_25, %parallel_loop3A_82 : vector<16xf32>
      %parallel_loop3A_88 = arith.addf %parallel_loop3A_86, %parallel_loop3A_87 : vector<16xf32>
      %parallel_loop3A_89 = arith.index_cast %parallel_loop3A_17 : i32 to index
      %parallel_loop3A_90 = arith.constant 16 : index
      %parallel_loop3A_91 = tpu.vector_load %arg13[%parallel_loop3A_89, %parallel_loop3A_90] {strides = array<i32>} : memref<64x768xf32, #tpu.memory_space<vmem>>, vector<1x16xf32>,
      %parallel_loop3A_92 = vector.shape_cast %parallel_loop3A_91 : vector<1x16xf32> to vector<16xf32>
      %parallel_loop3A_93 = vector.shape_cast %parallel_loop3A_88 : vector<16xf32> to vector<1x16xf32>
      tpu.vector_store %arg13[%parallel_loop3A_89, %parallel_loop3A_90], %parallel_loop3A_93 {strides = array<i32>} : memref<64x768xf32, #tpu.memory_space<vmem>>, vector<1x16xf32>,
      %parallel_loop3A_94 = arith.mulf %parallel_loop3A_21, %parallel_loop3A_78 : vector<16xf32>
      %parallel_loop3A_95 = arith.mulf %parallel_loop3A_25, %parallel_loop3A_85 : vector<16xf32>
      %parallel_loop3A_96 = arith.addf %parallel_loop3A_94, %parallel_loop3A_95 : vector<16xf32>
      %parallel_loop3A_97 = arith.index_cast %parallel_loop3A_17 : i32 to index
      %parallel_loop3A_98 = arith.constant 400 : index
      %parallel_loop3A_99 = tpu.vector_load %arg13[%parallel_loop3A_97, %parallel_loop3A_98] {strides = array<i32>} : memref<64x768xf32, #tpu.memory_space<vmem>>, vector<1x16xf32>,
      %parallel_loop3A_100 = vector.shape_cast %parallel_loop3A_99 : vector<1x16xf32> to vector<16xf32>
      %parallel_loop3A_101 = vector.shape_cast %parallel_loop3A_96 : vector<16xf32> to vector<1x16xf32>
      tpu.vector_store %arg13[%parallel_loop3A_97, %parallel_loop3A_98], %parallel_loop3A_101 {strides = array<i32>} : memref<64x768xf32, #tpu.memory_space<vmem>>, vector<1x16xf32>,
      %parallel_loop3A_102 = arith.index_cast %parallel_loop3A_17 : i32 to index
      %parallel_loop3A_103 = arith.constant 32 : index
      %parallel_loop3A_104 = tpu.vector_load %arg11[%parallel_loop3A_102, %parallel_loop3A_103] {strides = array<i32>} : memref<64x384xi32, #tpu.memory_space<vmem>>, vector<1x16xi32>,
      %parallel_loop3A_105 = vector.shape_cast %parallel_loop3A_104 : vector<1x16xi32> to vector<16xi32>
      %parallel_loop3A_106 = arith.index_cast %parallel_loop3A_17 : i32 to index
      %parallel_loop3A_107 = arith.constant 32 : index
      %parallel_loop3A_108 = tpu.vector_load %arg12[%parallel_loop3A_106, %parallel_loop3A_107] {strides = array<i32>} : memref<64x384xi32, #tpu.memory_space<vmem>>, vector<1x16xi32>,
      %parallel_loop3A_109 = vector.shape_cast %parallel_loop3A_108 : vector<1x16xi32> to vector<16xi32>
      %parallel_loop3A_110 = arith.constant 16 : i32
      %parallel_loop3A_111 = vector.broadcast %parallel_loop3A_110 : i32 to vector<16xi32>
      %parallel_loop3A_112 = arith.shli %parallel_loop3A_105, %parallel_loop3A_111 : vector<16xi32>
      %parallel_loop3A_113 = tpu.bitcast %parallel_loop3A_112 : vector<16xi32> -> vector<16xf32>
      %parallel_loop3A_114 = vector.broadcast %parallel_loop3A_16 : i32 to vector<16xi32>
      %parallel_loop3A_115 = arith.andi %parallel_loop3A_105, %parallel_loop3A_114 : vector<16xi32>
      %parallel_loop3A_116 = tpu.bitcast %parallel_loop3A_115 : vector<16xi32> -> vector<16xf32>
      %parallel_loop3A_117 = arith.constant 16 : i32
      %parallel_loop3A_118 = vector.broadcast %parallel_loop3A_117 : i32 to vector<16xi32>
      %parallel_loop3A_119 = arith.shli %parallel_loop3A_109, %parallel_loop3A_118 : vector<16xi32>
      %parallel_loop3A_120 = tpu.bitcast %parallel_loop3A_119 : vector<16xi32> -> vector<16xf32>
      %parallel_loop3A_121 = vector.broadcast %parallel_loop3A_16 : i32 to vector<16xi32>
      %parallel_loop3A_122 = arith.andi %parallel_loop3A_109, %parallel_loop3A_121 : vector<16xi32>
      %parallel_loop3A_123 = tpu.bitcast %parallel_loop3A_122 : vector<16xi32> -> vector<16xf32>
      %parallel_loop3A_124 = arith.mulf %parallel_loop3A_21, %parallel_loop3A_113 : vector<16xf32>
      %parallel_loop3A_125 = arith.mulf %parallel_loop3A_25, %parallel_loop3A_120 : vector<16xf32>
      %parallel_loop3A_126 = arith.addf %parallel_loop3A_124, %parallel_loop3A_125 : vector<16xf32>
      %parallel_loop3A_127 = arith.index_cast %parallel_loop3A_17 : i32 to index
      %parallel_loop3A_128 = arith.constant 32 : index
      %parallel_loop3A_129 = tpu.vector_load %arg13[%parallel_loop3A_127, %parallel_loop3A_128] {strides = array<i32>} : memref<64x768xf32, #tpu.memory_space<vmem>>, vector<1x16xf32>,
      %parallel_loop3A_130 = vector.shape_cast %parallel_loop3A_129 : vector<1x16xf32> to vector<16xf32>
      %parallel_loop3A_131 = vector.shape_cast %parallel_loop3A_126 : vector<16xf32> to vector<1x16xf32>
      tpu.vector_store %arg13[%parallel_loop3A_127, %parallel_loop3A_128], %parallel_loop3A_131 {strides = array<i32>} : memref<64x768xf32, #tpu.memory_space<vmem>>, vector<1x16xf32>,
      %parallel_loop3A_132 = arith.mulf %parallel_loop3A_21, %parallel_loop3A_116 : vector<16xf32>
      %parallel_loop3A_133 = arith.mulf %parallel_loop3A_25, %parallel_loop3A_123 : vector<16xf32>
      %parallel_loop3A_134 = arith.addf %parallel_loop3A_132, %parallel_loop3A_133 : vector<16xf32>
      %parallel_loop3A_135 = arith.index_cast %parallel_loop3A_17 : i32 to index
      %parallel_loop3A_136 = arith.constant 416 : index
      %parallel_loop3A_137 = tpu.vector_load %arg13[%parallel_loop3A_135, %parallel_loop3A_136] {strides = array<i32>} : memref<64x768xf32, #tpu.memory_space<vmem>>, vector<1x16xf32>,
      %parallel_loop3A_138 = vector.shape_cast %parallel_loop3A_137 : vector<1x16xf32> to vector<16xf32>
      %parallel_loop3A_139 = vector.shape_cast %parallel_loop3A_134 : vector<16xf32> to vector<1x16xf32>
      tpu.vector_store %arg13[%parallel_loop3A_135, %parallel_loop3A_136], %parallel_loop3A_139 {strides = array<i32>} : memref<64x768xf32, #tpu.memory_space<vmem>>, vector<1x16xf32>,
      %parallel_loop3A_140 = arith.index_cast %parallel_loop3A_17 : i32 to index
      %parallel_loop3A_141 = arith.constant 48 : index
      %parallel_loop3A_142 = tpu.vector_load %arg11[%parallel_loop3A_140, %parallel_loop3A_141] {strides = array<i32>} : memref<64x384xi32, #tpu.memory_space<vmem>>, vector<1x16xi32>,
      %parallel_loop3A_143 = vector.shape_cast %parallel_loop3A_142 : vector<1x16xi32> to vector<16xi32>
      %parallel_loop3A_144 = arith.index_cast %parallel_loop3A_17 : i32 to index
      %parallel_loop3A_145 = arith.constant 48 : index
      %parallel_loop3A_146 = tpu.vector_load %arg12[%parallel_loop3A_144, %parallel_loop3A_145] {strides = array<i32>} : memref<64x384xi32, #tpu.memory_space<vmem>>, vector<1x16xi32>,
      %parallel_loop3A_147 = vector.shape_cast %parallel_loop3A_146 : vector<1x16xi32> to vector<16xi32>
      %parallel_loop3A_148 = arith.constant 16 : i32
      %parallel_loop3A_149 = vector.broadcast %parallel_loop3A_148 : i32 to vector<16xi32>
      %parallel_loop3A_150 = arith.shli %parallel_loop3A_143, %parallel_loop3A_149 : vector<16xi32>
      %parallel_loop3A_151 = tpu.bitcast %parallel_loop3A_150 : vector<16xi32> -> vector<16xf32>
      %parallel_loop3A_152 = vector.broadcast %parallel_loop3A_16 : i32 to vector<16xi32>
      %parallel_loop3A_153 = arith.andi %parallel_loop3A_143, %parallel_loop3A_152 : vector<16xi32>
      %parallel_loop3A_154 = tpu.bitcast %parallel_loop3A_153 : vector<16xi32> -> vector<16xf32>
      %parallel_loop3A_155 = arith.constant 16 : i32
      %parallel_loop3A_156 = vector.broadcast %parallel_loop3A_155 : i32 to vector<16xi32>
      %parallel_loop3A_157 = arith.shli %parallel_loop3A_147, %parallel_loop3A_156 : vector<16xi32>
      %parallel_loop3A_158 = tpu.bitcast %parallel_loop3A_157 : vector<16xi32> -> vector<16xf32>
      %parallel_loop3A_159 = vector.broadcast %parallel_loop3A_16 : i32 to vector<16xi32>
      %parallel_loop3A_160 = arith.andi %parallel_loop3A_147, %parallel_loop3A_159 : vector<16xi32>
      %parallel_loop3A_161 = tpu.bitcast %parallel_loop3A_160 : vector<16xi32> -> vector<16xf32>
      %parallel_loop3A_162 = arith.mulf %parallel_loop3A_21, %parallel_loop3A_151 : vector<16xf32>
      %parallel_loop3A_163 = arith.mulf %parallel_loop3A_25, %parallel_loop3A_158 : vector<16xf32>
      %parallel_loop3A_164 = arith.addf %parallel_loop3A_162, %parallel_loop3A_163 : vector<16xf32>
      %parallel_loop3A_165 = arith.index_cast %parallel_loop3A_17 : i32 to index
      %parallel_loop3A_166 = arith.constant 48 : index
      %parallel_loop3A_167 = tpu.vector_load %arg13[%parallel_loop3A_165, %parallel_loop3A_166] {strides = array<i32>} : memref<64x768xf32, #tpu.memory_space<vmem>>, vector<1x16xf32>,
      %parallel_loop3A_168 = vector.shape_cast %parallel_loop3A_167 : vector<1x16xf32> to vector<16xf32>
      %parallel_loop3A_169 = vector.shape_cast %parallel_loop3A_164 : vector<16xf32> to vector<1x16xf32>
      tpu.vector_store %arg13[%parallel_loop3A_165, %parallel_loop3A_166], %parallel_loop3A_169 {strides = array<i32>} : memref<64x768xf32, #tpu.memory_space<vmem>>, vector<1x16xf32>,
      %parallel_loop3A_170 = arith.mulf %parallel_loop3A_21, %parallel_loop3A_154 : vector<16xf32>
      %parallel_loop3A_171 = arith.mulf %parallel_loop3A_25, %parallel_loop3A_161 : vector<16xf32>
      %parallel_loop3A_172 = arith.addf %parallel_loop3A_170, %parallel_loop3A_171 : vector<16xf32>
      %parallel_loop3A_173 = arith.index_cast %parallel_loop3A_17 : i32 to index
      %parallel_loop3A_174 = arith.constant 432 : index
      %parallel_loop3A_175 = tpu.vector_load %arg13[%parallel_loop3A_173, %parallel_loop3A_174] {strides = array<i32>} : memref<64x768xf32, #tpu.memory_space<vmem>>, vector<1x16xf32>,
      %parallel_loop3A_176 = vector.shape_cast %parallel_loop3A_175 : vector<1x16xf32> to vector<16xf32>
      %parallel_loop3A_177 = vector.shape_cast %parallel_loop3A_172 : vector<16xf32> to vector<1x16xf32>
      tpu.vector_store %arg13[%parallel_loop3A_173, %parallel_loop3A_174], %parallel_loop3A_177 {strides = array<i32>} : memref<64x768xf32, #tpu.memory_space<vmem>>, vector<1x16xf32>,
      %parallel_loop3A_178 = arith.index_cast %parallel_loop3A_17 : i32 to index
      %parallel_loop3A_179 = arith.constant 64 : index
      %parallel_loop3A_180 = tpu.vector_load %arg11[%parallel_loop3A_178, %parallel_loop3A_179] {strides = array<i32>} : memref<64x384xi32, #tpu.memory_space<vmem>>, vector<1x16xi32>,
      %parallel_loop3A_181 = vector.shape_cast %parallel_loop3A_180 : vector<1x16xi32> to vector<16xi32>
      %parallel_loop3A_182 = arith.index_cast %parallel_loop3A_17 : i32 to index
      %parallel_loop3A_183 = arith.constant 64 : index
      %parallel_loop3A_184 = tpu.vector_load %arg12[%parallel_loop3A_182, %parallel_loop3A_183] {strides = array<i32>} : memref<64x384xi32, #tpu.memory_space<vmem>>, vector<1x16xi32>,
      %parallel_loop3A_185 = vector.shape_cast %parallel_loop3A_184 : vector<1x16xi32> to vector<16xi32>
      %parallel_loop3A_186 = arith.constant 16 : i32
      %parallel_loop3A_187 = vector.broadcast %parallel_loop3A_186 : i32 to vector<16xi32>
      %parallel_loop3A_188 = arith.shli %parallel_loop3A_181, %parallel_loop3A_187 : vector<16xi32>
      %parallel_loop3A_189 = tpu.bitcast %parallel_loop3A_188 : vector<16xi32> -> vector<16xf32>
      %parallel_loop3A_190 = vector.broadcast %parallel_loop3A_16 : i32 to vector<16xi32>
      %parallel_loop3A_191 = arith.andi %parallel_loop3A_181, %parallel_loop3A_190 : vector<16xi32>
      %parallel_loop3A_192 = tpu.bitcast %parallel_loop3A_191 : vector<16xi32> -> vector<16xf32>
      %parallel_loop3A_193 = arith.constant 16 : i32
      %parallel_loop3A_194 = vector.broadcast %parallel_loop3A_193 : i32 to vector<16xi32>
      %parallel_loop3A_195 = arith.shli %parallel_loop3A_185, %parallel_loop3A_194 : vector<16xi32>
      %parallel_loop3A_196 = tpu.bitcast %parallel_loop3A_195 : vector<16xi32> -> vector<16xf32>
      %parallel_loop3A_197 = vector.broadcast %parallel_loop3A_16 : i32 to vector<16xi32>
      %parallel_loop3A_198 = arith.andi %parallel_loop3A_185, %parallel_loop3A_197 : vector<16xi32>
      %parallel_loop3A_199 = tpu.bitcast %parallel_loop3A_198 : vector<16xi32> -> vector<16xf32>
      %parallel_loop3A_200 = arith.mulf %parallel_loop3A_21, %parallel_loop3A_189 : vector<16xf32>
      %parallel_loop3A_201 = arith.mulf %parallel_loop3A_25, %parallel_loop3A_196 : vector<16xf32>
      %parallel_loop3A_202 = arith.addf %parallel_loop3A_200, %parallel_loop3A_201 : vector<16xf32>
      %parallel_loop3A_203 = arith.index_cast %parallel_loop3A_17 : i32 to index
      %parallel_loop3A_204 = arith.constant 64 : index
      %parallel_loop3A_205 = tpu.vector_load %arg13[%parallel_loop3A_203, %parallel_loop3A_204] {strides = array<i32>} : memref<64x768xf32, #tpu.memory_space<vmem>>, vector<1x16xf32>,
      %parallel_loop3A_206 = vector.shape_cast %parallel_loop3A_205 : vector<1x16xf32> to vector<16xf32>
      %parallel_loop3A_207 = vector.shape_cast %parallel_loop3A_202 : vector<16xf32> to vector<1x16xf32>
      tpu.vector_store %arg13[%parallel_loop3A_203, %parallel_loop3A_204], %parallel_loop3A_207 {strides = array<i32>} : memref<64x768xf32, #tpu.memory_space<vmem>>, vector<1x16xf32>,
      %parallel_loop3A_208 = arith.mulf %parallel_loop3A_21, %parallel_loop3A_192 : vector<16xf32>
      %parallel_loop3A_209 = arith.mulf %parallel_loop3A_25, %parallel_loop3A_199 : vector<16xf32>
      %parallel_loop3A_210 = arith.addf %parallel_loop3A_208, %parallel_loop3A_209 : vector<16xf32>
      %parallel_loop3A_211 = arith.index_cast %parallel_loop3A_17 : i32 to index
      %parallel_loop3A_212 = arith.constant 448 : index
      %parallel_loop3A_213 = tpu.vector_load %arg13[%parallel_loop3A_211, %parallel_loop3A_212] {strides = array<i32>} : memref<64x768xf32, #tpu.memory_space<vmem>>, vector<1x16xf32>,
      %parallel_loop3A_214 = vector.shape_cast %parallel_loop3A_213 : vector<1x16xf32> to vector<16xf32>
      %parallel_loop3A_215 = vector.shape_cast %parallel_loop3A_210 : vector<16xf32> to vector<1x16xf32>
      tpu.vector_store %arg13[%parallel_loop3A_211, %parallel_loop3A_212], %parallel_loop3A_215 {strides = array<i32>} : memref<64x768xf32, #tpu.memory_space<vmem>>, vector<1x16xf32>,
      %parallel_loop3A_216 = arith.index_cast %parallel_loop3A_17 : i32 to index
      %parallel_loop3A_217 = arith.constant 80 : index
      %parallel_loop3A_218 = tpu.vector_load %arg11[%parallel_loop3A_216, %parallel_loop3A_217] {strides = array<i32>} : memref<64x384xi32, #tpu.memory_space<vmem>>, vector<1x16xi32>,
      %parallel_loop3A_219 = vector.shape_cast %parallel_loop3A_218 : vector<1x16xi32> to vector<16xi32>
      %parallel_loop3A_220 = arith.index_cast %parallel_loop3A_17 : i32 to index
      %parallel_loop3A_221 = arith.constant 80 : index
      %parallel_loop3A_222 = tpu.vector_load %arg12[%parallel_loop3A_220, %parallel_loop3A_221] {strides = array<i32>} : memref<64x384xi32, #tpu.memory_space<vmem>>, vector<1x16xi32>,
      %parallel_loop3A_223 = vector.shape_cast %parallel_loop3A_222 : vector<1x16xi32> to vector<16xi32>
      %parallel_loop3A_224 = arith.constant 16 : i32
      %parallel_loop3A_225 = vector.broadcast %parallel_loop3A_224 : i32 to vector<16xi32>
      %parallel_loop3A_226 = arith.shli %parallel_loop3A_219, %parallel_loop3A_225 : vector<16xi32>
      %parallel_loop3A_227 = tpu.bitcast %parallel_loop3A_226 : vector<16xi32> -> vector<16xf32>
      %parallel_loop3A_228 = vector.broadcast %parallel_loop3A_16 : i32 to vector<16xi32>
      %parallel_loop3A_229 = arith.andi %parallel_loop3A_219, %parallel_loop3A_228 : vector<16xi32>
      %parallel_loop3A_230 = tpu.bitcast %parallel_loop3A_229 : vector<16xi32> -> vector<16xf32>
      %parallel_loop3A_231 = arith.constant 16 : i32
      %parallel_loop3A_232 = vector.broadcast %parallel_loop3A_231 : i32 to vector<16xi32>
      %parallel_loop3A_233 = arith.shli %parallel_loop3A_223, %parallel_loop3A_232 : vector<16xi32>
      %parallel_loop3A_234 = tpu.bitcast %parallel_loop3A_233 : vector<16xi32> -> vector<16xf32>
      %parallel_loop3A_235 = vector.broadcast %parallel_loop3A_16 : i32 to vector<16xi32>
      %parallel_loop3A_236 = arith.andi %parallel_loop3A_223, %parallel_loop3A_235 : vector<16xi32>
      %parallel_loop3A_237 = tpu.bitcast %parallel_loop3A_236 : vector<16xi32> -> vector<16xf32>
      %parallel_loop3A_238 = arith.mulf %parallel_loop3A_21, %parallel_loop3A_227 : vector<16xf32>
      %parallel_loop3A_239 = arith.mulf %parallel_loop3A_25, %parallel_loop3A_234 : vector<16xf32>
      %parallel_loop3A_240 = arith.addf %parallel_loop3A_238, %parallel_loop3A_239 : vector<16xf32>
      %parallel_loop3A_241 = arith.index_cast %parallel_loop3A_17 : i32 to index
      %parallel_loop3A_242 = arith.constant 80 : index
      %parallel_loop3A_243 = tpu.vector_load %arg13[%parallel_loop3A_241, %parallel_loop3A_242] {strides = array<i32>} : memref<64x768xf32, #tpu.memory_space<vmem>>, vector<1x16xf32>,
      %parallel_loop3A_244 = vector.shape_cast %parallel_loop3A_243 : vector<1x16xf32> to vector<16xf32>
      %parallel_loop3A_245 = vector.shape_cast %parallel_loop3A_240 : vector<16xf32> to vector<1x16xf32>
      tpu.vector_store %arg13[%parallel_loop3A_241, %parallel_loop3A_242], %parallel_loop3A_245 {strides = array<i32>} : memref<64x768xf32, #tpu.memory_space<vmem>>, vector<1x16xf32>,
      %parallel_loop3A_246 = arith.mulf %parallel_loop3A_21, %parallel_loop3A_230 : vector<16xf32>
      %parallel_loop3A_247 = arith.mulf %parallel_loop3A_25, %parallel_loop3A_237 : vector<16xf32>
      %parallel_loop3A_248 = arith.addf %parallel_loop3A_246, %parallel_loop3A_247 : vector<16xf32>
      %parallel_loop3A_249 = arith.index_cast %parallel_loop3A_17 : i32 to index
      %parallel_loop3A_250 = arith.constant 464 : index
      %parallel_loop3A_251 = tpu.vector_load %arg13[%parallel_loop3A_249, %parallel_loop3A_250] {strides = array<i32>} : memref<64x768xf32, #tpu.memory_space<vmem>>, vector<1x16xf32>,
      %parallel_loop3A_252 = vector.shape_cast %parallel_loop3A_251 : vector<1x16xf32> to vector<16xf32>
      %parallel_loop3A_253 = vector.shape_cast %parallel_loop3A_248 : vector<16xf32> to vector<1x16xf32>
      tpu.vector_store %arg13[%parallel_loop3A_249, %parallel_loop3A_250], %parallel_loop3A_253 {strides = array<i32>} : memref<64x768xf32, #tpu.memory_space<vmem>>, vector<1x16xf32>,
      %parallel_loop3A_254 = arith.index_cast %parallel_loop3A_17 : i32 to index
      %parallel_loop3A_255 = arith.constant 96 : index
      %parallel_loop3A_256 = tpu.vector_load %arg11[%parallel_loop3A_254, %parallel_loop3A_255] {strides = array<i32>} : memref<64x384xi32, #tpu.memory_space<vmem>>, vector<1x16xi32>,
      %parallel_loop3A_257 = vector.shape_cast %parallel_loop3A_256 : vector<1x16xi32> to vector<16xi32>
      %parallel_loop3A_258 = arith.index_cast %parallel_loop3A_17 : i32 to index
      %parallel_loop3A_259 = arith.constant 96 : index
      %parallel_loop3A_260 = tpu.vector_load %arg12[%parallel_loop3A_258, %parallel_loop3A_259] {strides = array<i32>} : memref<64x384xi32, #tpu.memory_space<vmem>>, vector<1x16xi32>,
      %parallel_loop3A_261 = vector.shape_cast %parallel_loop3A_260 : vector<1x16xi32> to vector<16xi32>
      %parallel_loop3A_262 = arith.constant 16 : i32
      %parallel_loop3A_263 = vector.broadcast %parallel_loop3A_262 : i32 to vector<16xi32>
      %parallel_loop3A_264 = arith.shli %parallel_loop3A_257, %parallel_loop3A_263 : vector<16xi32>
      %parallel_loop3A_265 = tpu.bitcast %parallel_loop3A_264 : vector<16xi32> -> vector<16xf32>
      %parallel_loop3A_266 = vector.broadcast %parallel_loop3A_16 : i32 to vector<16xi32>
      %parallel_loop3A_267 = arith.andi %parallel_loop3A_257, %parallel_loop3A_266 : vector<16xi32>
      %parallel_loop3A_268 = tpu.bitcast %parallel_loop3A_267 : vector<16xi32> -> vector<16xf32>
      %parallel_loop3A_269 = arith.constant 16 : i32
      %parallel_loop3A_270 = vector.broadcast %parallel_loop3A_269 : i32 to vector<16xi32>
      %parallel_loop3A_271 = arith.shli %parallel_loop3A_261, %parallel_loop3A_270 : vector<16xi32>
      %parallel_loop3A_272 = tpu.bitcast %parallel_loop3A_271 : vector<16xi32> -> vector<16xf32>
      %parallel_loop3A_273 = vector.broadcast %parallel_loop3A_16 : i32 to vector<16xi32>
      %parallel_loop3A_274 = arith.andi %parallel_loop3A_261, %parallel_loop3A_273 : vector<16xi32>
      %parallel_loop3A_275 = tpu.bitcast %parallel_loop3A_274 : vector<16xi32> -> vector<16xf32>
      %parallel_loop3A_276 = arith.mulf %parallel_loop3A_21, %parallel_loop3A_265 : vector<16xf32>
      %parallel_loop3A_277 = arith.mulf %parallel_loop3A_25, %parallel_loop3A_272 : vector<16xf32>
      %parallel_loop3A_278 = arith.addf %parallel_loop3A_276, %parallel_loop3A_277 : vector<16xf32>
      %parallel_loop3A_279 = arith.index_cast %parallel_loop3A_17 : i32 to index
      %parallel_loop3A_280 = arith.constant 96 : index
      %parallel_loop3A_281 = tpu.vector_load %arg13[%parallel_loop3A_279, %parallel_loop3A_280] {strides = array<i32>} : memref<64x768xf32, #tpu.memory_space<vmem>>, vector<1x16xf32>,
      %parallel_loop3A_282 = vector.shape_cast %parallel_loop3A_281 : vector<1x16xf32> to vector<16xf32>
      %parallel_loop3A_283 = vector.shape_cast %parallel_loop3A_278 : vector<16xf32> to vector<1x16xf32>
      tpu.vector_store %arg13[%parallel_loop3A_279, %parallel_loop3A_280], %parallel_loop3A_283 {strides = array<i32>} : memref<64x768xf32, #tpu.memory_space<vmem>>, vector<1x16xf32>,
      %parallel_loop3A_284 = arith.mulf %parallel_loop3A_21, %parallel_loop3A_268 : vector<16xf32>
      %parallel_loop3A_285 = arith.mulf %parallel_loop3A_25, %parallel_loop3A_275 : vector<16xf32>
      %parallel_loop3A_286 = arith.addf %parallel_loop3A_284, %parallel_loop3A_285 : vector<16xf32>
      %parallel_loop3A_287 = arith.index_cast %parallel_loop3A_17 : i32 to index
      %parallel_loop3A_288 = arith.constant 480 : index
      %parallel_loop3A_289 = tpu.vector_load %arg13[%parallel_loop3A_287, %parallel_loop3A_288] {strides = array<i32>} : memref<64x768xf32, #tpu.memory_space<vmem>>, vector<1x16xf32>,
      %parallel_loop3A_290 = vector.shape_cast %parallel_loop3A_289 : vector<1x16xf32> to vector<16xf32>
      %parallel_loop3A_291 = vector.shape_cast %parallel_loop3A_286 : vector<16xf32> to vector<1x16xf32>
      tpu.vector_store %arg13[%parallel_loop3A_287, %parallel_loop3A_288], %parallel_loop3A_291 {strides = array<i32>} : memref<64x768xf32, #tpu.memory_space<vmem>>, vector<1x16xf32>,
      %parallel_loop3A_292 = arith.index_cast %parallel_loop3A_17 : i32 to index
      %parallel_loop3A_293 = arith.constant 112 : index
      %parallel_loop3A_294 = tpu.vector_load %arg11[%parallel_loop3A_292, %parallel_loop3A_293] {strides = array<i32>} : memref<64x384xi32, #tpu.memory_space<vmem>>, vector<1x16xi32>,
      %parallel_loop3A_295 = vector.shape_cast %parallel_loop3A_294 : vector<1x16xi32> to vector<16xi32>
      %parallel_loop3A_296 = arith.index_cast %parallel_loop3A_17 : i32 to index
      %parallel_loop3A_297 = arith.constant 112 : index
      %parallel_loop3A_298 = tpu.vector_load %arg12[%parallel_loop3A_296, %parallel_loop3A_297] {strides = array<i32>} : memref<64x384xi32, #tpu.memory_space<vmem>>, vector<1x16xi32>,
      %parallel_loop3A_299 = vector.shape_cast %parallel_loop3A_298 : vector<1x16xi32> to vector<16xi32>
      %parallel_loop3A_300 = arith.constant 16 : i32
      %parallel_loop3A_301 = vector.broadcast %parallel_loop3A_300 : i32 to vector<16xi32>
      %parallel_loop3A_302 = arith.shli %parallel_loop3A_295, %parallel_loop3A_301 : vector<16xi32>
      %parallel_loop3A_303 = tpu.bitcast %parallel_loop3A_302 : vector<16xi32> -> vector<16xf32>
      %parallel_loop3A_304 = vector.broadcast %parallel_loop3A_16 : i32 to vector<16xi32>
      %parallel_loop3A_305 = arith.andi %parallel_loop3A_295, %parallel_loop3A_304 : vector<16xi32>
      %parallel_loop3A_306 = tpu.bitcast %parallel_loop3A_305 : vector<16xi32> -> vector<16xf32>
      %parallel_loop3A_307 = arith.constant 16 : i32
      %parallel_loop3A_308 = vector.broadcast %parallel_loop3A_307 : i32 to vector<16xi32>
      %parallel_loop3A_309 = arith.shli %parallel_loop3A_299, %parallel_loop3A_308 : vector<16xi32>
      %parallel_loop3A_310 = tpu.bitcast %parallel_loop3A_309 : vector<16xi32> -> vector<16xf32>
      %parallel_loop3A_311 = vector.broadcast %parallel_loop3A_16 : i32 to vector<16xi32>
      %parallel_loop3A_312 = arith.andi %parallel_loop3A_299, %parallel_loop3A_311 : vector<16xi32>
      %parallel_loop3A_313 = tpu.bitcast %parallel_loop3A_312 : vector<16xi32> -> vector<16xf32>
      %parallel_loop3A_314 = arith.mulf %parallel_loop3A_21, %parallel_loop3A_303 : vector<16xf32>
      %parallel_loop3A_315 = arith.mulf %parallel_loop3A_25, %parallel_loop3A_310 : vector<16xf32>
      %parallel_loop3A_316 = arith.addf %parallel_loop3A_314, %parallel_loop3A_315 : vector<16xf32>
      %parallel_loop3A_317 = arith.index_cast %parallel_loop3A_17 : i32 to index
      %parallel_loop3A_318 = arith.constant 112 : index
      %parallel_loop3A_319 = tpu.vector_load %arg13[%parallel_loop3A_317, %parallel_loop3A_318] {strides = array<i32>} : memref<64x768xf32, #tpu.memory_space<vmem>>, vector<1x16xf32>,
      %parallel_loop3A_320 = vector.shape_cast %parallel_loop3A_319 : vector<1x16xf32> to vector<16xf32>
      %parallel_loop3A_321 = vector.shape_cast %parallel_loop3A_316 : vector<16xf32> to vector<1x16xf32>
      tpu.vector_store %arg13[%parallel_loop3A_317, %parallel_loop3A_318], %parallel_loop3A_321 {strides = array<i32>} : memref<64x768xf32, #tpu.memory_space<vmem>>, vector<1x16xf32>,
      %parallel_loop3A_322 = arith.mulf %parallel_loop3A_21, %parallel_loop3A_306 : vector<16xf32>
      %parallel_loop3A_323 = arith.mulf %parallel_loop3A_25, %parallel_loop3A_313 : vector<16xf32>
      %parallel_loop3A_324 = arith.addf %parallel_loop3A_322, %parallel_loop3A_323 : vector<16xf32>
      %parallel_loop3A_325 = arith.index_cast %parallel_loop3A_17 : i32 to index
      %parallel_loop3A_326 = arith.constant 496 : index
      %parallel_loop3A_327 = tpu.vector_load %arg13[%parallel_loop3A_325, %parallel_loop3A_326] {strides = array<i32>} : memref<64x768xf32, #tpu.memory_space<vmem>>, vector<1x16xf32>,
      %parallel_loop3A_328 = vector.shape_cast %parallel_loop3A_327 : vector<1x16xf32> to vector<16xf32>
      %parallel_loop3A_329 = vector.shape_cast %parallel_loop3A_324 : vector<16xf32> to vector<1x16xf32>
      tpu.vector_store %arg13[%parallel_loop3A_325, %parallel_loop3A_326], %parallel_loop3A_329 {strides = array<i32>} : memref<64x768xf32, #tpu.memory_space<vmem>>, vector<1x16xf32>,
      %parallel_loop3A_330 = arith.index_cast %parallel_loop3A_17 : i32 to index
      %parallel_loop3A_331 = arith.constant 128 : index
      %parallel_loop3A_332 = tpu.vector_load %arg11[%parallel_loop3A_330, %parallel_loop3A_331] {strides = array<i32>} : memref<64x384xi32, #tpu.memory_space<vmem>>, vector<1x16xi32>,
      %parallel_loop3A_333 = vector.shape_cast %parallel_loop3A_332 : vector<1x16xi32> to vector<16xi32>
      %parallel_loop3A_334 = arith.index_cast %parallel_loop3A_17 : i32 to index
      %parallel_loop3A_335 = arith.constant 128 : index
      %parallel_loop3A_336 = tpu.vector_load %arg12[%parallel_loop3A_334, %parallel_loop3A_335] {strides = array<i32>} : memref<64x384xi32, #tpu.memory_space<vmem>>, vector<1x16xi32>,
      %parallel_loop3A_337 = vector.shape_cast %parallel_loop3A_336 : vector<1x16xi32> to vector<16xi32>
      %parallel_loop3A_338 = arith.constant 16 : i32
      %parallel_loop3A_339 = vector.broadcast %parallel_loop3A_338 : i32 to vector<16xi32>
      %parallel_loop3A_340 = arith.shli %parallel_loop3A_333, %parallel_loop3A_339 : vector<16xi32>
      %parallel_loop3A_341 = tpu.bitcast %parallel_loop3A_340 : vector<16xi32> -> vector<16xf32>
      %parallel_loop3A_342 = vector.broadcast %parallel_loop3A_16 : i32 to vector<16xi32>
      %parallel_loop3A_343 = arith.andi %parallel_loop3A_333, %parallel_loop3A_342 : vector<16xi32>
      %parallel_loop3A_344 = tpu.bitcast %parallel_loop3A_343 : vector<16xi32> -> vector<16xf32>
      %parallel_loop3A_345 = arith.constant 16 : i32
      %parallel_loop3A_346 = vector.broadcast %parallel_loop3A_345 : i32 to vector<16xi32>
      %parallel_loop3A_347 = arith.shli %parallel_loop3A_337, %parallel_loop3A_346 : vector<16xi32>
      %parallel_loop3A_348 = tpu.bitcast %parallel_loop3A_347 : vector<16xi32> -> vector<16xf32>
      %parallel_loop3A_349 = vector.broadcast %parallel_loop3A_16 : i32 to vector<16xi32>
      %parallel_loop3A_350 = arith.andi %parallel_loop3A_337, %parallel_loop3A_349 : vector<16xi32>
      %parallel_loop3A_351 = tpu.bitcast %parallel_loop3A_350 : vector<16xi32> -> vector<16xf32>
      %parallel_loop3A_352 = arith.mulf %parallel_loop3A_21, %parallel_loop3A_341 : vector<16xf32>
      %parallel_loop3A_353 = arith.mulf %parallel_loop3A_25, %parallel_loop3A_348 : vector<16xf32>
      %parallel_loop3A_354 = arith.addf %parallel_loop3A_352, %parallel_loop3A_353 : vector<16xf32>
      %parallel_loop3A_355 = arith.index_cast %parallel_loop3A_17 : i32 to index
      %parallel_loop3A_356 = arith.constant 128 : index
      %parallel_loop3A_357 = tpu.vector_load %arg13[%parallel_loop3A_355, %parallel_loop3A_356] {strides = array<i32>} : memref<64x768xf32, #tpu.memory_space<vmem>>, vector<1x16xf32>,
      %parallel_loop3A_358 = vector.shape_cast %parallel_loop3A_357 : vector<1x16xf32> to vector<16xf32>
      %parallel_loop3A_359 = vector.shape_cast %parallel_loop3A_354 : vector<16xf32> to vector<1x16xf32>
      tpu.vector_store %arg13[%parallel_loop3A_355, %parallel_loop3A_356], %parallel_loop3A_359 {strides = array<i32>} : memref<64x768xf32, #tpu.memory_space<vmem>>, vector<1x16xf32>,
      %parallel_loop3A_360 = arith.mulf %parallel_loop3A_21, %parallel_loop3A_344 : vector<16xf32>
      %parallel_loop3A_361 = arith.mulf %parallel_loop3A_25, %parallel_loop3A_351 : vector<16xf32>
      %parallel_loop3A_362 = arith.addf %parallel_loop3A_360, %parallel_loop3A_361 : vector<16xf32>
      %parallel_loop3A_363 = arith.index_cast %parallel_loop3A_17 : i32 to index
      %parallel_loop3A_364 = arith.constant 512 : index
      %parallel_loop3A_365 = tpu.vector_load %arg13[%parallel_loop3A_363, %parallel_loop3A_364] {strides = array<i32>} : memref<64x768xf32, #tpu.memory_space<vmem>>, vector<1x16xf32>,
      %parallel_loop3A_366 = vector.shape_cast %parallel_loop3A_365 : vector<1x16xf32> to vector<16xf32>
      %parallel_loop3A_367 = vector.shape_cast %parallel_loop3A_362 : vector<16xf32> to vector<1x16xf32>
      tpu.vector_store %arg13[%parallel_loop3A_363, %parallel_loop3A_364], %parallel_loop3A_367 {strides = array<i32>} : memref<64x768xf32, #tpu.memory_space<vmem>>, vector<1x16xf32>,
      %parallel_loop3A_368 = arith.index_cast %parallel_loop3A_17 : i32 to index
      %parallel_loop3A_369 = arith.constant 144 : index
      %parallel_loop3A_370 = tpu.vector_load %arg11[%parallel_loop3A_368, %parallel_loop3A_369] {strides = array<i32>} : memref<64x384xi32, #tpu.memory_space<vmem>>, vector<1x16xi32>,
      %parallel_loop3A_371 = vector.shape_cast %parallel_loop3A_370 : vector<1x16xi32> to vector<16xi32>
      %parallel_loop3A_372 = arith.index_cast %parallel_loop3A_17 : i32 to index
      %parallel_loop3A_373 = arith.constant 144 : index
      %parallel_loop3A_374 = tpu.vector_load %arg12[%parallel_loop3A_372, %parallel_loop3A_373] {strides = array<i32>} : memref<64x384xi32, #tpu.memory_space<vmem>>, vector<1x16xi32>,
      %parallel_loop3A_375 = vector.shape_cast %parallel_loop3A_374 : vector<1x16xi32> to vector<16xi32>
      %parallel_loop3A_376 = arith.constant 16 : i32
      %parallel_loop3A_377 = vector.broadcast %parallel_loop3A_376 : i32 to vector<16xi32>
      %parallel_loop3A_378 = arith.shli %parallel_loop3A_371, %parallel_loop3A_377 : vector<16xi32>
      %parallel_loop3A_379 = tpu.bitcast %parallel_loop3A_378 : vector<16xi32> -> vector<16xf32>
      %parallel_loop3A_380 = vector.broadcast %parallel_loop3A_16 : i32 to vector<16xi32>
      %parallel_loop3A_381 = arith.andi %parallel_loop3A_371, %parallel_loop3A_380 : vector<16xi32>
      %parallel_loop3A_382 = tpu.bitcast %parallel_loop3A_381 : vector<16xi32> -> vector<16xf32>
      %parallel_loop3A_383 = arith.constant 16 : i32
      %parallel_loop3A_384 = vector.broadcast %parallel_loop3A_383 : i32 to vector<16xi32>
      %parallel_loop3A_385 = arith.shli %parallel_loop3A_375, %parallel_loop3A_384 : vector<16xi32>
      %parallel_loop3A_386 = tpu.bitcast %parallel_loop3A_385 : vector<16xi32> -> vector<16xf32>
      %parallel_loop3A_387 = vector.broadcast %parallel_loop3A_16 : i32 to vector<16xi32>
      %parallel_loop3A_388 = arith.andi %parallel_loop3A_375, %parallel_loop3A_387 : vector<16xi32>
      %parallel_loop3A_389 = tpu.bitcast %parallel_loop3A_388 : vector<16xi32> -> vector<16xf32>
      %parallel_loop3A_390 = arith.mulf %parallel_loop3A_21, %parallel_loop3A_379 : vector<16xf32>
      %parallel_loop3A_391 = arith.mulf %parallel_loop3A_25, %parallel_loop3A_386 : vector<16xf32>
      %parallel_loop3A_392 = arith.addf %parallel_loop3A_390, %parallel_loop3A_391 : vector<16xf32>
      %parallel_loop3A_393 = arith.index_cast %parallel_loop3A_17 : i32 to index
      %parallel_loop3A_394 = arith.constant 144 : index
      %parallel_loop3A_395 = tpu.vector_load %arg13[%parallel_loop3A_393, %parallel_loop3A_394] {strides = array<i32>} : memref<64x768xf32, #tpu.memory_space<vmem>>, vector<1x16xf32>,
      %parallel_loop3A_396 = vector.shape_cast %parallel_loop3A_395 : vector<1x16xf32> to vector<16xf32>
      %parallel_loop3A_397 = vector.shape_cast %parallel_loop3A_392 : vector<16xf32> to vector<1x16xf32>
      tpu.vector_store %arg13[%parallel_loop3A_393, %parallel_loop3A_394], %parallel_loop3A_397 {strides = array<i32>} : memref<64x768xf32, #tpu.memory_space<vmem>>, vector<1x16xf32>,
      %parallel_loop3A_398 = arith.mulf %parallel_loop3A_21, %parallel_loop3A_382 : vector<16xf32>
      %parallel_loop3A_399 = arith.mulf %parallel_loop3A_25, %parallel_loop3A_389 : vector<16xf32>
      %parallel_loop3A_400 = arith.addf %parallel_loop3A_398, %parallel_loop3A_399 : vector<16xf32>
      %parallel_loop3A_401 = arith.index_cast %parallel_loop3A_17 : i32 to index
      %parallel_loop3A_402 = arith.constant 528 : index
      %parallel_loop3A_403 = tpu.vector_load %arg13[%parallel_loop3A_401, %parallel_loop3A_402] {strides = array<i32>} : memref<64x768xf32, #tpu.memory_space<vmem>>, vector<1x16xf32>,
      %parallel_loop3A_404 = vector.shape_cast %parallel_loop3A_403 : vector<1x16xf32> to vector<16xf32>
      %parallel_loop3A_405 = vector.shape_cast %parallel_loop3A_400 : vector<16xf32> to vector<1x16xf32>
      tpu.vector_store %arg13[%parallel_loop3A_401, %parallel_loop3A_402], %parallel_loop3A_405 {strides = array<i32>} : memref<64x768xf32, #tpu.memory_space<vmem>>, vector<1x16xf32>,
      %parallel_loop3A_406 = arith.index_cast %parallel_loop3A_17 : i32 to index
      %parallel_loop3A_407 = arith.constant 160 : index
      %parallel_loop3A_408 = tpu.vector_load %arg11[%parallel_loop3A_406, %parallel_loop3A_407] {strides = array<i32>} : memref<64x384xi32, #tpu.memory_space<vmem>>, vector<1x16xi32>,
      %parallel_loop3A_409 = vector.shape_cast %parallel_loop3A_408 : vector<1x16xi32> to vector<16xi32>
      %parallel_loop3A_410 = arith.index_cast %parallel_loop3A_17 : i32 to index
      %parallel_loop3A_411 = arith.constant 160 : index
      %parallel_loop3A_412 = tpu.vector_load %arg12[%parallel_loop3A_410, %parallel_loop3A_411] {strides = array<i32>} : memref<64x384xi32, #tpu.memory_space<vmem>>, vector<1x16xi32>,
      %parallel_loop3A_413 = vector.shape_cast %parallel_loop3A_412 : vector<1x16xi32> to vector<16xi32>
      %parallel_loop3A_414 = arith.constant 16 : i32
      %parallel_loop3A_415 = vector.broadcast %parallel_loop3A_414 : i32 to vector<16xi32>
      %parallel_loop3A_416 = arith.shli %parallel_loop3A_409, %parallel_loop3A_415 : vector<16xi32>
      %parallel_loop3A_417 = tpu.bitcast %parallel_loop3A_416 : vector<16xi32> -> vector<16xf32>
      %parallel_loop3A_418 = vector.broadcast %parallel_loop3A_16 : i32 to vector<16xi32>
      %parallel_loop3A_419 = arith.andi %parallel_loop3A_409, %parallel_loop3A_418 : vector<16xi32>
      %parallel_loop3A_420 = tpu.bitcast %parallel_loop3A_419 : vector<16xi32> -> vector<16xf32>
      %parallel_loop3A_421 = arith.constant 16 : i32
      %parallel_loop3A_422 = vector.broadcast %parallel_loop3A_421 : i32 to vector<16xi32>
      %parallel_loop3A_423 = arith.shli %parallel_loop3A_413, %parallel_loop3A_422 : vector<16xi32>
      %parallel_loop3A_424 = tpu.bitcast %parallel_loop3A_423 : vector<16xi32> -> vector<16xf32>
      %parallel_loop3A_425 = vector.broadcast %parallel_loop3A_16 : i32 to vector<16xi32>
      %parallel_loop3A_426 = arith.andi %parallel_loop3A_413, %parallel_loop3A_425 : vector<16xi32>
      %parallel_loop3A_427 = tpu.bitcast %parallel_loop3A_426 : vector<16xi32> -> vector<16xf32>
      %parallel_loop3A_428 = arith.mulf %parallel_loop3A_21, %parallel_loop3A_417 : vector<16xf32>
      %parallel_loop3A_429 = arith.mulf %parallel_loop3A_25, %parallel_loop3A_424 : vector<16xf32>
      %parallel_loop3A_430 = arith.addf %parallel_loop3A_428, %parallel_loop3A_429 : vector<16xf32>
      %parallel_loop3A_431 = arith.index_cast %parallel_loop3A_17 : i32 to index
      %parallel_loop3A_432 = arith.constant 160 : index
      %parallel_loop3A_433 = tpu.vector_load %arg13[%parallel_loop3A_431, %parallel_loop3A_432] {strides = array<i32>} : memref<64x768xf32, #tpu.memory_space<vmem>>, vector<1x16xf32>,
      %parallel_loop3A_434 = vector.shape_cast %parallel_loop3A_433 : vector<1x16xf32> to vector<16xf32>
      %parallel_loop3A_435 = vector.shape_cast %parallel_loop3A_430 : vector<16xf32> to vector<1x16xf32>
      tpu.vector_store %arg13[%parallel_loop3A_431, %parallel_loop3A_432], %parallel_loop3A_435 {strides = array<i32>} : memref<64x768xf32, #tpu.memory_space<vmem>>, vector<1x16xf32>,
      %parallel_loop3A_436 = arith.mulf %parallel_loop3A_21, %parallel_loop3A_420 : vector<16xf32>
      %parallel_loop3A_437 = arith.mulf %parallel_loop3A_25, %parallel_loop3A_427 : vector<16xf32>
      %parallel_loop3A_438 = arith.addf %parallel_loop3A_436, %parallel_loop3A_437 : vector<16xf32>
      %parallel_loop3A_439 = arith.index_cast %parallel_loop3A_17 : i32 to index
      %parallel_loop3A_440 = arith.constant 544 : index
      %parallel_loop3A_441 = tpu.vector_load %arg13[%parallel_loop3A_439, %parallel_loop3A_440] {strides = array<i32>} : memref<64x768xf32, #tpu.memory_space<vmem>>, vector<1x16xf32>,
      %parallel_loop3A_442 = vector.shape_cast %parallel_loop3A_441 : vector<1x16xf32> to vector<16xf32>
      %parallel_loop3A_443 = vector.shape_cast %parallel_loop3A_438 : vector<16xf32> to vector<1x16xf32>
      tpu.vector_store %arg13[%parallel_loop3A_439, %parallel_loop3A_440], %parallel_loop3A_443 {strides = array<i32>} : memref<64x768xf32, #tpu.memory_space<vmem>>, vector<1x16xf32>,
      %parallel_loop3A_444 = arith.index_cast %parallel_loop3A_17 : i32 to index
      %parallel_loop3A_445 = arith.constant 176 : index
      %parallel_loop3A_446 = tpu.vector_load %arg11[%parallel_loop3A_444, %parallel_loop3A_445] {strides = array<i32>} : memref<64x384xi32, #tpu.memory_space<vmem>>, vector<1x16xi32>,
      %parallel_loop3A_447 = vector.shape_cast %parallel_loop3A_446 : vector<1x16xi32> to vector<16xi32>
      %parallel_loop3A_448 = arith.index_cast %parallel_loop3A_17 : i32 to index
      %parallel_loop3A_449 = arith.constant 176 : index
      %parallel_loop3A_450 = tpu.vector_load %arg12[%parallel_loop3A_448, %parallel_loop3A_449] {strides = array<i32>} : memref<64x384xi32, #tpu.memory_space<vmem>>, vector<1x16xi32>,
      %parallel_loop3A_451 = vector.shape_cast %parallel_loop3A_450 : vector<1x16xi32> to vector<16xi32>
      %parallel_loop3A_452 = arith.constant 16 : i32
      %parallel_loop3A_453 = vector.broadcast %parallel_loop3A_452 : i32 to vector<16xi32>
      %parallel_loop3A_454 = arith.shli %parallel_loop3A_447, %parallel_loop3A_453 : vector<16xi32>
      %parallel_loop3A_455 = tpu.bitcast %parallel_loop3A_454 : vector<16xi32> -> vector<16xf32>
      %parallel_loop3A_456 = vector.broadcast %parallel_loop3A_16 : i32 to vector<16xi32>
      %parallel_loop3A_457 = arith.andi %parallel_loop3A_447, %parallel_loop3A_456 : vector<16xi32>
      %parallel_loop3A_458 = tpu.bitcast %parallel_loop3A_457 : vector<16xi32> -> vector<16xf32>
      %parallel_loop3A_459 = arith.constant 16 : i32
      %parallel_loop3A_460 = vector.broadcast %parallel_loop3A_459 : i32 to vector<16xi32>
      %parallel_loop3A_461 = arith.shli %parallel_loop3A_451, %parallel_loop3A_460 : vector<16xi32>
      %parallel_loop3A_462 = tpu.bitcast %parallel_loop3A_461 : vector<16xi32> -> vector<16xf32>
      %parallel_loop3A_463 = vector.broadcast %parallel_loop3A_16 : i32 to vector<16xi32>
      %parallel_loop3A_464 = arith.andi %parallel_loop3A_451, %parallel_loop3A_463 : vector<16xi32>
      %parallel_loop3A_465 = tpu.bitcast %parallel_loop3A_464 : vector<16xi32> -> vector<16xf32>
      %parallel_loop3A_466 = arith.mulf %parallel_loop3A_21, %parallel_loop3A_455 : vector<16xf32>
      %parallel_loop3A_467 = arith.mulf %parallel_loop3A_25, %parallel_loop3A_462 : vector<16xf32>
      %parallel_loop3A_468 = arith.addf %parallel_loop3A_466, %parallel_loop3A_467 : vector<16xf32>
      %parallel_loop3A_469 = arith.index_cast %parallel_loop3A_17 : i32 to index
      %parallel_loop3A_470 = arith.constant 176 : index
      %parallel_loop3A_471 = tpu.vector_load %arg13[%parallel_loop3A_469, %parallel_loop3A_470] {strides = array<i32>} : memref<64x768xf32, #tpu.memory_space<vmem>>, vector<1x16xf32>,
      %parallel_loop3A_472 = vector.shape_cast %parallel_loop3A_471 : vector<1x16xf32> to vector<16xf32>
      %parallel_loop3A_473 = vector.shape_cast %parallel_loop3A_468 : vector<16xf32> to vector<1x16xf32>
      tpu.vector_store %arg13[%parallel_loop3A_469, %parallel_loop3A_470], %parallel_loop3A_473 {strides = array<i32>} : memref<64x768xf32, #tpu.memory_space<vmem>>, vector<1x16xf32>,
      %parallel_loop3A_474 = arith.mulf %parallel_loop3A_21, %parallel_loop3A_458 : vector<16xf32>
      %parallel_loop3A_475 = arith.mulf %parallel_loop3A_25, %parallel_loop3A_465 : vector<16xf32>
      %parallel_loop3A_476 = arith.addf %parallel_loop3A_474, %parallel_loop3A_475 : vector<16xf32>
      %parallel_loop3A_477 = arith.index_cast %parallel_loop3A_17 : i32 to index
      %parallel_loop3A_478 = arith.constant 560 : index
      %parallel_loop3A_479 = tpu.vector_load %arg13[%parallel_loop3A_477, %parallel_loop3A_478] {strides = array<i32>} : memref<64x768xf32, #tpu.memory_space<vmem>>, vector<1x16xf32>,
      %parallel_loop3A_480 = vector.shape_cast %parallel_loop3A_479 : vector<1x16xf32> to vector<16xf32>
      %parallel_loop3A_481 = vector.shape_cast %parallel_loop3A_476 : vector<16xf32> to vector<1x16xf32>
      tpu.vector_store %arg13[%parallel_loop3A_477, %parallel_loop3A_478], %parallel_loop3A_481 {strides = array<i32>} : memref<64x768xf32, #tpu.memory_space<vmem>>, vector<1x16xf32>,
      %parallel_loop3A_482 = arith.index_cast %parallel_loop3A_17 : i32 to index
      %parallel_loop3A_483 = arith.constant 192 : index
      %parallel_loop3A_484 = tpu.vector_load %arg11[%parallel_loop3A_482, %parallel_loop3A_483] {strides = array<i32>} : memref<64x384xi32, #tpu.memory_space<vmem>>, vector<1x16xi32>,
      %parallel_loop3A_485 = vector.shape_cast %parallel_loop3A_484 : vector<1x16xi32> to vector<16xi32>
      %parallel_loop3A_486 = arith.index_cast %parallel_loop3A_17 : i32 to index
      %parallel_loop3A_487 = arith.constant 192 : index
      %parallel_loop3A_488 = tpu.vector_load %arg12[%parallel_loop3A_486, %parallel_loop3A_487] {strides = array<i32>} : memref<64x384xi32, #tpu.memory_space<vmem>>, vector<1x16xi32>,
      %parallel_loop3A_489 = vector.shape_cast %parallel_loop3A_488 : vector<1x16xi32> to vector<16xi32>
      %parallel_loop3A_490 = arith.constant 16 : i32
      %parallel_loop3A_491 = vector.broadcast %parallel_loop3A_490 : i32 to vector<16xi32>
      %parallel_loop3A_492 = arith.shli %parallel_loop3A_485, %parallel_loop3A_491 : vector<16xi32>
      %parallel_loop3A_493 = tpu.bitcast %parallel_loop3A_492 : vector<16xi32> -> vector<16xf32>
      %parallel_loop3A_494 = vector.broadcast %parallel_loop3A_16 : i32 to vector<16xi32>
      %parallel_loop3A_495 = arith.andi %parallel_loop3A_485, %parallel_loop3A_494 : vector<16xi32>
      %parallel_loop3A_496 = tpu.bitcast %parallel_loop3A_495 : vector<16xi32> -> vector<16xf32>
      %parallel_loop3A_497 = arith.constant 16 : i32
      %parallel_loop3A_498 = vector.broadcast %parallel_loop3A_497 : i32 to vector<16xi32>
      %parallel_loop3A_499 = arith.shli %parallel_loop3A_489, %parallel_loop3A_498 : vector<16xi32>
      %parallel_loop3A_500 = tpu.bitcast %parallel_loop3A_499 : vector<16xi32> -> vector<16xf32>
      %parallel_loop3A_501 = vector.broadcast %parallel_loop3A_16 : i32 to vector<16xi32>
      %parallel_loop3A_502 = arith.andi %parallel_loop3A_489, %parallel_loop3A_501 : vector<16xi32>
      %parallel_loop3A_503 = tpu.bitcast %parallel_loop3A_502 : vector<16xi32> -> vector<16xf32>
      %parallel_loop3A_504 = arith.mulf %parallel_loop3A_21, %parallel_loop3A_493 : vector<16xf32>
      %parallel_loop3A_505 = arith.mulf %parallel_loop3A_25, %parallel_loop3A_500 : vector<16xf32>
      %parallel_loop3A_506 = arith.addf %parallel_loop3A_504, %parallel_loop3A_505 : vector<16xf32>
      %parallel_loop3A_507 = arith.index_cast %parallel_loop3A_17 : i32 to index
      %parallel_loop3A_508 = arith.constant 192 : index
      %parallel_loop3A_509 = tpu.vector_load %arg13[%parallel_loop3A_507, %parallel_loop3A_508] {strides = array<i32>} : memref<64x768xf32, #tpu.memory_space<vmem>>, vector<1x16xf32>,
      %parallel_loop3A_510 = vector.shape_cast %parallel_loop3A_509 : vector<1x16xf32> to vector<16xf32>
      %parallel_loop3A_511 = vector.shape_cast %parallel_loop3A_506 : vector<16xf32> to vector<1x16xf32>
      tpu.vector_store %arg13[%parallel_loop3A_507, %parallel_loop3A_508], %parallel_loop3A_511 {strides = array<i32>} : memref<64x768xf32, #tpu.memory_space<vmem>>, vector<1x16xf32>,
      %parallel_loop3A_512 = arith.mulf %parallel_loop3A_21, %parallel_loop3A_496 : vector<16xf32>
      %parallel_loop3A_513 = arith.mulf %parallel_loop3A_25, %parallel_loop3A_503 : vector<16xf32>
      %parallel_loop3A_514 = arith.addf %parallel_loop3A_512, %parallel_loop3A_513 : vector<16xf32>
      %parallel_loop3A_515 = arith.index_cast %parallel_loop3A_17 : i32 to index
      %parallel_loop3A_516 = arith.constant 576 : index
      %parallel_loop3A_517 = tpu.vector_load %arg13[%parallel_loop3A_515, %parallel_loop3A_516] {strides = array<i32>} : memref<64x768xf32, #tpu.memory_space<vmem>>, vector<1x16xf32>,
      %parallel_loop3A_518 = vector.shape_cast %parallel_loop3A_517 : vector<1x16xf32> to vector<16xf32>
      %parallel_loop3A_519 = vector.shape_cast %parallel_loop3A_514 : vector<16xf32> to vector<1x16xf32>
      tpu.vector_store %arg13[%parallel_loop3A_515, %parallel_loop3A_516], %parallel_loop3A_519 {strides = array<i32>} : memref<64x768xf32, #tpu.memory_space<vmem>>, vector<1x16xf32>,
      %parallel_loop3A_520 = arith.index_cast %parallel_loop3A_17 : i32 to index
      %parallel_loop3A_521 = arith.constant 208 : index
      %parallel_loop3A_522 = tpu.vector_load %arg11[%parallel_loop3A_520, %parallel_loop3A_521] {strides = array<i32>} : memref<64x384xi32, #tpu.memory_space<vmem>>, vector<1x16xi32>,
      %parallel_loop3A_523 = vector.shape_cast %parallel_loop3A_522 : vector<1x16xi32> to vector<16xi32>
      %parallel_loop3A_524 = arith.index_cast %parallel_loop3A_17 : i32 to index
      %parallel_loop3A_525 = arith.constant 208 : index
      %parallel_loop3A_526 = tpu.vector_load %arg12[%parallel_loop3A_524, %parallel_loop3A_525] {strides = array<i32>} : memref<64x384xi32, #tpu.memory_space<vmem>>, vector<1x16xi32>,
      %parallel_loop3A_527 = vector.shape_cast %parallel_loop3A_526 : vector<1x16xi32> to vector<16xi32>
      %parallel_loop3A_528 = arith.constant 16 : i32
      %parallel_loop3A_529 = vector.broadcast %parallel_loop3A_528 : i32 to vector<16xi32>
      %parallel_loop3A_530 = arith.shli %parallel_loop3A_523, %parallel_loop3A_529 : vector<16xi32>
      %parallel_loop3A_531 = tpu.bitcast %parallel_loop3A_530 : vector<16xi32> -> vector<16xf32>
      %parallel_loop3A_532 = vector.broadcast %parallel_loop3A_16 : i32 to vector<16xi32>
      %parallel_loop3A_533 = arith.andi %parallel_loop3A_523, %parallel_loop3A_532 : vector<16xi32>
      %parallel_loop3A_534 = tpu.bitcast %parallel_loop3A_533 : vector<16xi32> -> vector<16xf32>
      %parallel_loop3A_535 = arith.constant 16 : i32
      %parallel_loop3A_536 = vector.broadcast %parallel_loop3A_535 : i32 to vector<16xi32>
      %parallel_loop3A_537 = arith.shli %parallel_loop3A_527, %parallel_loop3A_536 : vector<16xi32>
      %parallel_loop3A_538 = tpu.bitcast %parallel_loop3A_537 : vector<16xi32> -> vector<16xf32>
      %parallel_loop3A_539 = vector.broadcast %parallel_loop3A_16 : i32 to vector<16xi32>
      %parallel_loop3A_540 = arith.andi %parallel_loop3A_527, %parallel_loop3A_539 : vector<16xi32>
      %parallel_loop3A_541 = tpu.bitcast %parallel_loop3A_540 : vector<16xi32> -> vector<16xf32>
      %parallel_loop3A_542 = arith.mulf %parallel_loop3A_21, %parallel_loop3A_531 : vector<16xf32>
      %parallel_loop3A_543 = arith.mulf %parallel_loop3A_25, %parallel_loop3A_538 : vector<16xf32>
      %parallel_loop3A_544 = arith.addf %parallel_loop3A_542, %parallel_loop3A_543 : vector<16xf32>
      %parallel_loop3A_545 = arith.index_cast %parallel_loop3A_17 : i32 to index
      %parallel_loop3A_546 = arith.constant 208 : index
      %parallel_loop3A_547 = tpu.vector_load %arg13[%parallel_loop3A_545, %parallel_loop3A_546] {strides = array<i32>} : memref<64x768xf32, #tpu.memory_space<vmem>>, vector<1x16xf32>,
      %parallel_loop3A_548 = vector.shape_cast %parallel_loop3A_547 : vector<1x16xf32> to vector<16xf32>
      %parallel_loop3A_549 = vector.shape_cast %parallel_loop3A_544 : vector<16xf32> to vector<1x16xf32>
      tpu.vector_store %arg13[%parallel_loop3A_545, %parallel_loop3A_546], %parallel_loop3A_549 {strides = array<i32>} : memref<64x768xf32, #tpu.memory_space<vmem>>, vector<1x16xf32>,
      %parallel_loop3A_550 = arith.mulf %parallel_loop3A_21, %parallel_loop3A_534 : vector<16xf32>
      %parallel_loop3A_551 = arith.mulf %parallel_loop3A_25, %parallel_loop3A_541 : vector<16xf32>
      %parallel_loop3A_552 = arith.addf %parallel_loop3A_550, %parallel_loop3A_551 : vector<16xf32>
      %parallel_loop3A_553 = arith.index_cast %parallel_loop3A_17 : i32 to index
      %parallel_loop3A_554 = arith.constant 592 : index
      %parallel_loop3A_555 = tpu.vector_load %arg13[%parallel_loop3A_553, %parallel_loop3A_554] {strides = array<i32>} : memref<64x768xf32, #tpu.memory_space<vmem>>, vector<1x16xf32>,
      %parallel_loop3A_556 = vector.shape_cast %parallel_loop3A_555 : vector<1x16xf32> to vector<16xf32>
      %parallel_loop3A_557 = vector.shape_cast %parallel_loop3A_552 : vector<16xf32> to vector<1x16xf32>
      tpu.vector_store %arg13[%parallel_loop3A_553, %parallel_loop3A_554], %parallel_loop3A_557 {strides = array<i32>} : memref<64x768xf32, #tpu.memory_space<vmem>>, vector<1x16xf32>,
      %parallel_loop3A_558 = arith.index_cast %parallel_loop3A_17 : i32 to index
      %parallel_loop3A_559 = arith.constant 224 : index
      %parallel_loop3A_560 = tpu.vector_load %arg11[%parallel_loop3A_558, %parallel_loop3A_559] {strides = array<i32>} : memref<64x384xi32, #tpu.memory_space<vmem>>, vector<1x16xi32>,
      %parallel_loop3A_561 = vector.shape_cast %parallel_loop3A_560 : vector<1x16xi32> to vector<16xi32>
      %parallel_loop3A_562 = arith.index_cast %parallel_loop3A_17 : i32 to index
      %parallel_loop3A_563 = arith.constant 224 : index
      %parallel_loop3A_564 = tpu.vector_load %arg12[%parallel_loop3A_562, %parallel_loop3A_563] {strides = array<i32>} : memref<64x384xi32, #tpu.memory_space<vmem>>, vector<1x16xi32>,
      %parallel_loop3A_565 = vector.shape_cast %parallel_loop3A_564 : vector<1x16xi32> to vector<16xi32>
      %parallel_loop3A_566 = arith.constant 16 : i32
      %parallel_loop3A_567 = vector.broadcast %parallel_loop3A_566 : i32 to vector<16xi32>
      %parallel_loop3A_568 = arith.shli %parallel_loop3A_561, %parallel_loop3A_567 : vector<16xi32>
      %parallel_loop3A_569 = tpu.bitcast %parallel_loop3A_568 : vector<16xi32> -> vector<16xf32>
      %parallel_loop3A_570 = vector.broadcast %parallel_loop3A_16 : i32 to vector<16xi32>
      %parallel_loop3A_571 = arith.andi %parallel_loop3A_561, %parallel_loop3A_570 : vector<16xi32>
      %parallel_loop3A_572 = tpu.bitcast %parallel_loop3A_571 : vector<16xi32> -> vector<16xf32>
      %parallel_loop3A_573 = arith.constant 16 : i32
      %parallel_loop3A_574 = vector.broadcast %parallel_loop3A_573 : i32 to vector<16xi32>
      %parallel_loop3A_575 = arith.shli %parallel_loop3A_565, %parallel_loop3A_574 : vector<16xi32>
      %parallel_loop3A_576 = tpu.bitcast %parallel_loop3A_575 : vector<16xi32> -> vector<16xf32>
      %parallel_loop3A_577 = vector.broadcast %parallel_loop3A_16 : i32 to vector<16xi32>
      %parallel_loop3A_578 = arith.andi %parallel_loop3A_565, %parallel_loop3A_577 : vector<16xi32>
      %parallel_loop3A_579 = tpu.bitcast %parallel_loop3A_578 : vector<16xi32> -> vector<16xf32>
      %parallel_loop3A_580 = arith.mulf %parallel_loop3A_21, %parallel_loop3A_569 : vector<16xf32>
      %parallel_loop3A_581 = arith.mulf %parallel_loop3A_25, %parallel_loop3A_576 : vector<16xf32>
      %parallel_loop3A_582 = arith.addf %parallel_loop3A_580, %parallel_loop3A_581 : vector<16xf32>
      %parallel_loop3A_583 = arith.index_cast %parallel_loop3A_17 : i32 to index
      %parallel_loop3A_584 = arith.constant 224 : index
      %parallel_loop3A_585 = tpu.vector_load %arg13[%parallel_loop3A_583, %parallel_loop3A_584] {strides = array<i32>} : memref<64x768xf32, #tpu.memory_space<vmem>>, vector<1x16xf32>,
      %parallel_loop3A_586 = vector.shape_cast %parallel_loop3A_585 : vector<1x16xf32> to vector<16xf32>
      %parallel_loop3A_587 = vector.shape_cast %parallel_loop3A_582 : vector<16xf32> to vector<1x16xf32>
      tpu.vector_store %arg13[%parallel_loop3A_583, %parallel_loop3A_584], %parallel_loop3A_587 {strides = array<i32>} : memref<64x768xf32, #tpu.memory_space<vmem>>, vector<1x16xf32>,
      %parallel_loop3A_588 = arith.mulf %parallel_loop3A_21, %parallel_loop3A_572 : vector<16xf32>
      %parallel_loop3A_589 = arith.mulf %parallel_loop3A_25, %parallel_loop3A_579 : vector<16xf32>
      %parallel_loop3A_590 = arith.addf %parallel_loop3A_588, %parallel_loop3A_589 : vector<16xf32>
      %parallel_loop3A_591 = arith.index_cast %parallel_loop3A_17 : i32 to index
      %parallel_loop3A_592 = arith.constant 608 : index
      %parallel_loop3A_593 = tpu.vector_load %arg13[%parallel_loop3A_591, %parallel_loop3A_592] {strides = array<i32>} : memref<64x768xf32, #tpu.memory_space<vmem>>, vector<1x16xf32>,
      %parallel_loop3A_594 = vector.shape_cast %parallel_loop3A_593 : vector<1x16xf32> to vector<16xf32>
      %parallel_loop3A_595 = vector.shape_cast %parallel_loop3A_590 : vector<16xf32> to vector<1x16xf32>
      tpu.vector_store %arg13[%parallel_loop3A_591, %parallel_loop3A_592], %parallel_loop3A_595 {strides = array<i32>} : memref<64x768xf32, #tpu.memory_space<vmem>>, vector<1x16xf32>,
      %parallel_loop3A_596 = arith.index_cast %parallel_loop3A_17 : i32 to index
      %parallel_loop3A_597 = arith.constant 240 : index
      %parallel_loop3A_598 = tpu.vector_load %arg11[%parallel_loop3A_596, %parallel_loop3A_597] {strides = array<i32>} : memref<64x384xi32, #tpu.memory_space<vmem>>, vector<1x16xi32>,
      %parallel_loop3A_599 = vector.shape_cast %parallel_loop3A_598 : vector<1x16xi32> to vector<16xi32>
      %parallel_loop3A_600 = arith.index_cast %parallel_loop3A_17 : i32 to index
      %parallel_loop3A_601 = arith.constant 240 : index
      %parallel_loop3A_602 = tpu.vector_load %arg12[%parallel_loop3A_600, %parallel_loop3A_601] {strides = array<i32>} : memref<64x384xi32, #tpu.memory_space<vmem>>, vector<1x16xi32>,
      %parallel_loop3A_603 = vector.shape_cast %parallel_loop3A_602 : vector<1x16xi32> to vector<16xi32>
      %parallel_loop3A_604 = arith.constant 16 : i32
      %parallel_loop3A_605 = vector.broadcast %parallel_loop3A_604 : i32 to vector<16xi32>
      %parallel_loop3A_606 = arith.shli %parallel_loop3A_599, %parallel_loop3A_605 : vector<16xi32>
      %parallel_loop3A_607 = tpu.bitcast %parallel_loop3A_606 : vector<16xi32> -> vector<16xf32>
      %parallel_loop3A_608 = vector.broadcast %parallel_loop3A_16 : i32 to vector<16xi32>
      %parallel_loop3A_609 = arith.andi %parallel_loop3A_599, %parallel_loop3A_608 : vector<16xi32>
      %parallel_loop3A_610 = tpu.bitcast %parallel_loop3A_609 : vector<16xi32> -> vector<16xf32>
      %parallel_loop3A_611 = arith.constant 16 : i32
      %parallel_loop3A_612 = vector.broadcast %parallel_loop3A_611 : i32 to vector<16xi32>
      %parallel_loop3A_613 = arith.shli %parallel_loop3A_603, %parallel_loop3A_612 : vector<16xi32>
      %parallel_loop3A_614 = tpu.bitcast %parallel_loop3A_613 : vector<16xi32> -> vector<16xf32>
      %parallel_loop3A_615 = vector.broadcast %parallel_loop3A_16 : i32 to vector<16xi32>
      %parallel_loop3A_616 = arith.andi %parallel_loop3A_603, %parallel_loop3A_615 : vector<16xi32>
      %parallel_loop3A_617 = tpu.bitcast %parallel_loop3A_616 : vector<16xi32> -> vector<16xf32>
      %parallel_loop3A_618 = arith.mulf %parallel_loop3A_21, %parallel_loop3A_607 : vector<16xf32>
      %parallel_loop3A_619 = arith.mulf %parallel_loop3A_25, %parallel_loop3A_614 : vector<16xf32>
      %parallel_loop3A_620 = arith.addf %parallel_loop3A_618, %parallel_loop3A_619 : vector<16xf32>
      %parallel_loop3A_621 = arith.index_cast %parallel_loop3A_17 : i32 to index
      %parallel_loop3A_622 = arith.constant 240 : index
      %parallel_loop3A_623 = tpu.vector_load %arg13[%parallel_loop3A_621, %parallel_loop3A_622] {strides = array<i32>} : memref<64x768xf32, #tpu.memory_space<vmem>>, vector<1x16xf32>,
      %parallel_loop3A_624 = vector.shape_cast %parallel_loop3A_623 : vector<1x16xf32> to vector<16xf32>
      %parallel_loop3A_625 = vector.shape_cast %parallel_loop3A_620 : vector<16xf32> to vector<1x16xf32>
      tpu.vector_store %arg13[%parallel_loop3A_621, %parallel_loop3A_622], %parallel_loop3A_625 {strides = array<i32>} : memref<64x768xf32, #tpu.memory_space<vmem>>, vector<1x16xf32>,
      %parallel_loop3A_626 = arith.mulf %parallel_loop3A_21, %parallel_loop3A_610 : vector<16xf32>
      %parallel_loop3A_627 = arith.mulf %parallel_loop3A_25, %parallel_loop3A_617 : vector<16xf32>
      %parallel_loop3A_628 = arith.addf %parallel_loop3A_626, %parallel_loop3A_627 : vector<16xf32>
      %parallel_loop3A_629 = arith.index_cast %parallel_loop3A_17 : i32 to index
      %parallel_loop3A_630 = arith.constant 624 : index
      %parallel_loop3A_631 = tpu.vector_load %arg13[%parallel_loop3A_629, %parallel_loop3A_630] {strides = array<i32>} : memref<64x768xf32, #tpu.memory_space<vmem>>, vector<1x16xf32>,
      %parallel_loop3A_632 = vector.shape_cast %parallel_loop3A_631 : vector<1x16xf32> to vector<16xf32>
      %parallel_loop3A_633 = vector.shape_cast %parallel_loop3A_628 : vector<16xf32> to vector<1x16xf32>
      tpu.vector_store %arg13[%parallel_loop3A_629, %parallel_loop3A_630], %parallel_loop3A_633 {strides = array<i32>} : memref<64x768xf32, #tpu.memory_space<vmem>>, vector<1x16xf32>,
      %parallel_loop3A_634 = arith.index_cast %parallel_loop3A_17 : i32 to index
      %parallel_loop3A_635 = arith.constant 256 : index
      %parallel_loop3A_636 = tpu.vector_load %arg11[%parallel_loop3A_634, %parallel_loop3A_635] {strides = array<i32>} : memref<64x384xi32, #tpu.memory_space<vmem>>, vector<1x16xi32>,
      %parallel_loop3A_637 = vector.shape_cast %parallel_loop3A_636 : vector<1x16xi32> to vector<16xi32>
      %parallel_loop3A_638 = arith.index_cast %parallel_loop3A_17 : i32 to index
      %parallel_loop3A_639 = arith.constant 256 : index
      %parallel_loop3A_640 = tpu.vector_load %arg12[%parallel_loop3A_638, %parallel_loop3A_639] {strides = array<i32>} : memref<64x384xi32, #tpu.memory_space<vmem>>, vector<1x16xi32>,
      %parallel_loop3A_641 = vector.shape_cast %parallel_loop3A_640 : vector<1x16xi32> to vector<16xi32>
      %parallel_loop3A_642 = arith.constant 16 : i32
      %parallel_loop3A_643 = vector.broadcast %parallel_loop3A_642 : i32 to vector<16xi32>
      %parallel_loop3A_644 = arith.shli %parallel_loop3A_637, %parallel_loop3A_643 : vector<16xi32>
      %parallel_loop3A_645 = tpu.bitcast %parallel_loop3A_644 : vector<16xi32> -> vector<16xf32>
      %parallel_loop3A_646 = vector.broadcast %parallel_loop3A_16 : i32 to vector<16xi32>
      %parallel_loop3A_647 = arith.andi %parallel_loop3A_637, %parallel_loop3A_646 : vector<16xi32>
      %parallel_loop3A_648 = tpu.bitcast %parallel_loop3A_647 : vector<16xi32> -> vector<16xf32>
      %parallel_loop3A_649 = arith.constant 16 : i32
      %parallel_loop3A_650 = vector.broadcast %parallel_loop3A_649 : i32 to vector<16xi32>
      %parallel_loop3A_651 = arith.shli %parallel_loop3A_641, %parallel_loop3A_650 : vector<16xi32>
      %parallel_loop3A_652 = tpu.bitcast %parallel_loop3A_651 : vector<16xi32> -> vector<16xf32>
      %parallel_loop3A_653 = vector.broadcast %parallel_loop3A_16 : i32 to vector<16xi32>
      %parallel_loop3A_654 = arith.andi %parallel_loop3A_641, %parallel_loop3A_653 : vector<16xi32>
      %parallel_loop3A_655 = tpu.bitcast %parallel_loop3A_654 : vector<16xi32> -> vector<16xf32>
      %parallel_loop3A_656 = arith.mulf %parallel_loop3A_21, %parallel_loop3A_645 : vector<16xf32>
      %parallel_loop3A_657 = arith.mulf %parallel_loop3A_25, %parallel_loop3A_652 : vector<16xf32>
      %parallel_loop3A_658 = arith.addf %parallel_loop3A_656, %parallel_loop3A_657 : vector<16xf32>
      %parallel_loop3A_659 = arith.index_cast %parallel_loop3A_17 : i32 to index
      %parallel_loop3A_660 = arith.constant 256 : index
      %parallel_loop3A_661 = tpu.vector_load %arg13[%parallel_loop3A_659, %parallel_loop3A_660] {strides = array<i32>} : memref<64x768xf32, #tpu.memory_space<vmem>>, vector<1x16xf32>,
      %parallel_loop3A_662 = vector.shape_cast %parallel_loop3A_661 : vector<1x16xf32> to vector<16xf32>
      %parallel_loop3A_663 = vector.shape_cast %parallel_loop3A_658 : vector<16xf32> to vector<1x16xf32>
      tpu.vector_store %arg13[%parallel_loop3A_659, %parallel_loop3A_660], %parallel_loop3A_663 {strides = array<i32>} : memref<64x768xf32, #tpu.memory_space<vmem>>, vector<1x16xf32>,
      %parallel_loop3A_664 = arith.mulf %parallel_loop3A_21, %parallel_loop3A_648 : vector<16xf32>
      %parallel_loop3A_665 = arith.mulf %parallel_loop3A_25, %parallel_loop3A_655 : vector<16xf32>
      %parallel_loop3A_666 = arith.addf %parallel_loop3A_664, %parallel_loop3A_665 : vector<16xf32>
      %parallel_loop3A_667 = arith.index_cast %parallel_loop3A_17 : i32 to index
      %parallel_loop3A_668 = arith.constant 640 : index
      %parallel_loop3A_669 = tpu.vector_load %arg13[%parallel_loop3A_667, %parallel_loop3A_668] {strides = array<i32>} : memref<64x768xf32, #tpu.memory_space<vmem>>, vector<1x16xf32>,
      %parallel_loop3A_670 = vector.shape_cast %parallel_loop3A_669 : vector<1x16xf32> to vector<16xf32>
      %parallel_loop3A_671 = vector.shape_cast %parallel_loop3A_666 : vector<16xf32> to vector<1x16xf32>
      tpu.vector_store %arg13[%parallel_loop3A_667, %parallel_loop3A_668], %parallel_loop3A_671 {strides = array<i32>} : memref<64x768xf32, #tpu.memory_space<vmem>>, vector<1x16xf32>,
      %parallel_loop3A_672 = arith.index_cast %parallel_loop3A_17 : i32 to index
      %parallel_loop3A_673 = arith.constant 272 : index
      %parallel_loop3A_674 = tpu.vector_load %arg11[%parallel_loop3A_672, %parallel_loop3A_673] {strides = array<i32>} : memref<64x384xi32, #tpu.memory_space<vmem>>, vector<1x16xi32>,
      %parallel_loop3A_675 = vector.shape_cast %parallel_loop3A_674 : vector<1x16xi32> to vector<16xi32>
      %parallel_loop3A_676 = arith.index_cast %parallel_loop3A_17 : i32 to index
      %parallel_loop3A_677 = arith.constant 272 : index
      %parallel_loop3A_678 = tpu.vector_load %arg12[%parallel_loop3A_676, %parallel_loop3A_677] {strides = array<i32>} : memref<64x384xi32, #tpu.memory_space<vmem>>, vector<1x16xi32>,
      %parallel_loop3A_679 = vector.shape_cast %parallel_loop3A_678 : vector<1x16xi32> to vector<16xi32>
      %parallel_loop3A_680 = arith.constant 16 : i32
      %parallel_loop3A_681 = vector.broadcast %parallel_loop3A_680 : i32 to vector<16xi32>
      %parallel_loop3A_682 = arith.shli %parallel_loop3A_675, %parallel_loop3A_681 : vector<16xi32>
      %parallel_loop3A_683 = tpu.bitcast %parallel_loop3A_682 : vector<16xi32> -> vector<16xf32>
      %parallel_loop3A_684 = vector.broadcast %parallel_loop3A_16 : i32 to vector<16xi32>
      %parallel_loop3A_685 = arith.andi %parallel_loop3A_675, %parallel_loop3A_684 : vector<16xi32>
      %parallel_loop3A_686 = tpu.bitcast %parallel_loop3A_685 : vector<16xi32> -> vector<16xf32>
      %parallel_loop3A_687 = arith.constant 16 : i32
      %parallel_loop3A_688 = vector.broadcast %parallel_loop3A_687 : i32 to vector<16xi32>
      %parallel_loop3A_689 = arith.shli %parallel_loop3A_679, %parallel_loop3A_688 : vector<16xi32>
      %parallel_loop3A_690 = tpu.bitcast %parallel_loop3A_689 : vector<16xi32> -> vector<16xf32>
      %parallel_loop3A_691 = vector.broadcast %parallel_loop3A_16 : i32 to vector<16xi32>
      %parallel_loop3A_692 = arith.andi %parallel_loop3A_679, %parallel_loop3A_691 : vector<16xi32>
      %parallel_loop3A_693 = tpu.bitcast %parallel_loop3A_692 : vector<16xi32> -> vector<16xf32>
      %parallel_loop3A_694 = arith.mulf %parallel_loop3A_21, %parallel_loop3A_683 : vector<16xf32>
      %parallel_loop3A_695 = arith.mulf %parallel_loop3A_25, %parallel_loop3A_690 : vector<16xf32>
      %parallel_loop3A_696 = arith.addf %parallel_loop3A_694, %parallel_loop3A_695 : vector<16xf32>
      %parallel_loop3A_697 = arith.index_cast %parallel_loop3A_17 : i32 to index
      %parallel_loop3A_698 = arith.constant 272 : index
      %parallel_loop3A_699 = tpu.vector_load %arg13[%parallel_loop3A_697, %parallel_loop3A_698] {strides = array<i32>} : memref<64x768xf32, #tpu.memory_space<vmem>>, vector<1x16xf32>,
      %parallel_loop3A_700 = vector.shape_cast %parallel_loop3A_699 : vector<1x16xf32> to vector<16xf32>
      %parallel_loop3A_701 = vector.shape_cast %parallel_loop3A_696 : vector<16xf32> to vector<1x16xf32>
      tpu.vector_store %arg13[%parallel_loop3A_697, %parallel_loop3A_698], %parallel_loop3A_701 {strides = array<i32>} : memref<64x768xf32, #tpu.memory_space<vmem>>, vector<1x16xf32>,
      %parallel_loop3A_702 = arith.mulf %parallel_loop3A_21, %parallel_loop3A_686 : vector<16xf32>
      %parallel_loop3A_703 = arith.mulf %parallel_loop3A_25, %parallel_loop3A_693 : vector<16xf32>
      %parallel_loop3A_704 = arith.addf %parallel_loop3A_702, %parallel_loop3A_703 : vector<16xf32>
      %parallel_loop3A_705 = arith.index_cast %parallel_loop3A_17 : i32 to index
      %parallel_loop3A_706 = arith.constant 656 : index
      %parallel_loop3A_707 = tpu.vector_load %arg13[%parallel_loop3A_705, %parallel_loop3A_706] {strides = array<i32>} : memref<64x768xf32, #tpu.memory_space<vmem>>, vector<1x16xf32>,
      %parallel_loop3A_708 = vector.shape_cast %parallel_loop3A_707 : vector<1x16xf32> to vector<16xf32>
      %parallel_loop3A_709 = vector.shape_cast %parallel_loop3A_704 : vector<16xf32> to vector<1x16xf32>
      tpu.vector_store %arg13[%parallel_loop3A_705, %parallel_loop3A_706], %parallel_loop3A_709 {strides = array<i32>} : memref<64x768xf32, #tpu.memory_space<vmem>>, vector<1x16xf32>,
      %parallel_loop3A_710 = arith.index_cast %parallel_loop3A_17 : i32 to index
      %parallel_loop3A_711 = arith.constant 288 : index
      %parallel_loop3A_712 = tpu.vector_load %arg11[%parallel_loop3A_710, %parallel_loop3A_711] {strides = array<i32>} : memref<64x384xi32, #tpu.memory_space<vmem>>, vector<1x16xi32>,
      %parallel_loop3A_713 = vector.shape_cast %parallel_loop3A_712 : vector<1x16xi32> to vector<16xi32>
      %parallel_loop3A_714 = arith.index_cast %parallel_loop3A_17 : i32 to index
      %parallel_loop3A_715 = arith.constant 288 : index
      %parallel_loop3A_716 = tpu.vector_load %arg12[%parallel_loop3A_714, %parallel_loop3A_715] {strides = array<i32>} : memref<64x384xi32, #tpu.memory_space<vmem>>, vector<1x16xi32>,
      %parallel_loop3A_717 = vector.shape_cast %parallel_loop3A_716 : vector<1x16xi32> to vector<16xi32>
      %parallel_loop3A_718 = arith.constant 16 : i32
      %parallel_loop3A_719 = vector.broadcast %parallel_loop3A_718 : i32 to vector<16xi32>
      %parallel_loop3A_720 = arith.shli %parallel_loop3A_713, %parallel_loop3A_719 : vector<16xi32>
      %parallel_loop3A_721 = tpu.bitcast %parallel_loop3A_720 : vector<16xi32> -> vector<16xf32>
      %parallel_loop3A_722 = vector.broadcast %parallel_loop3A_16 : i32 to vector<16xi32>
      %parallel_loop3A_723 = arith.andi %parallel_loop3A_713, %parallel_loop3A_722 : vector<16xi32>
      %parallel_loop3A_724 = tpu.bitcast %parallel_loop3A_723 : vector<16xi32> -> vector<16xf32>
      %parallel_loop3A_725 = arith.constant 16 : i32
      %parallel_loop3A_726 = vector.broadcast %parallel_loop3A_725 : i32 to vector<16xi32>
      %parallel_loop3A_727 = arith.shli %parallel_loop3A_717, %parallel_loop3A_726 : vector<16xi32>
      %parallel_loop3A_728 = tpu.bitcast %parallel_loop3A_727 : vector<16xi32> -> vector<16xf32>
      %parallel_loop3A_729 = vector.broadcast %parallel_loop3A_16 : i32 to vector<16xi32>
      %parallel_loop3A_730 = arith.andi %parallel_loop3A_717, %parallel_loop3A_729 : vector<16xi32>
      %parallel_loop3A_731 = tpu.bitcast %parallel_loop3A_730 : vector<16xi32> -> vector<16xf32>
      %parallel_loop3A_732 = arith.mulf %parallel_loop3A_21, %parallel_loop3A_721 : vector<16xf32>
      %parallel_loop3A_733 = arith.mulf %parallel_loop3A_25, %parallel_loop3A_728 : vector<16xf32>
      %parallel_loop3A_734 = arith.addf %parallel_loop3A_732, %parallel_loop3A_733 : vector<16xf32>
      %parallel_loop3A_735 = arith.index_cast %parallel_loop3A_17 : i32 to index
      %parallel_loop3A_736 = arith.constant 288 : index
      %parallel_loop3A_737 = tpu.vector_load %arg13[%parallel_loop3A_735, %parallel_loop3A_736] {strides = array<i32>} : memref<64x768xf32, #tpu.memory_space<vmem>>, vector<1x16xf32>,
      %parallel_loop3A_738 = vector.shape_cast %parallel_loop3A_737 : vector<1x16xf32> to vector<16xf32>
      %parallel_loop3A_739 = vector.shape_cast %parallel_loop3A_734 : vector<16xf32> to vector<1x16xf32>
      tpu.vector_store %arg13[%parallel_loop3A_735, %parallel_loop3A_736], %parallel_loop3A_739 {strides = array<i32>} : memref<64x768xf32, #tpu.memory_space<vmem>>, vector<1x16xf32>,
      %parallel_loop3A_740 = arith.mulf %parallel_loop3A_21, %parallel_loop3A_724 : vector<16xf32>
      %parallel_loop3A_741 = arith.mulf %parallel_loop3A_25, %parallel_loop3A_731 : vector<16xf32>
      %parallel_loop3A_742 = arith.addf %parallel_loop3A_740, %parallel_loop3A_741 : vector<16xf32>
      %parallel_loop3A_743 = arith.index_cast %parallel_loop3A_17 : i32 to index
      %parallel_loop3A_744 = arith.constant 672 : index
      %parallel_loop3A_745 = tpu.vector_load %arg13[%parallel_loop3A_743, %parallel_loop3A_744] {strides = array<i32>} : memref<64x768xf32, #tpu.memory_space<vmem>>, vector<1x16xf32>,
      %parallel_loop3A_746 = vector.shape_cast %parallel_loop3A_745 : vector<1x16xf32> to vector<16xf32>
      %parallel_loop3A_747 = vector.shape_cast %parallel_loop3A_742 : vector<16xf32> to vector<1x16xf32>
      tpu.vector_store %arg13[%parallel_loop3A_743, %parallel_loop3A_744], %parallel_loop3A_747 {strides = array<i32>} : memref<64x768xf32, #tpu.memory_space<vmem>>, vector<1x16xf32>,
      %parallel_loop3A_748 = arith.index_cast %parallel_loop3A_17 : i32 to index
      %parallel_loop3A_749 = arith.constant 304 : index
      %parallel_loop3A_750 = tpu.vector_load %arg11[%parallel_loop3A_748, %parallel_loop3A_749] {strides = array<i32>} : memref<64x384xi32, #tpu.memory_space<vmem>>, vector<1x16xi32>,
      %parallel_loop3A_751 = vector.shape_cast %parallel_loop3A_750 : vector<1x16xi32> to vector<16xi32>
      %parallel_loop3A_752 = arith.index_cast %parallel_loop3A_17 : i32 to index
      %parallel_loop3A_753 = arith.constant 304 : index
      %parallel_loop3A_754 = tpu.vector_load %arg12[%parallel_loop3A_752, %parallel_loop3A_753] {strides = array<i32>} : memref<64x384xi32, #tpu.memory_space<vmem>>, vector<1x16xi32>,
      %parallel_loop3A_755 = vector.shape_cast %parallel_loop3A_754 : vector<1x16xi32> to vector<16xi32>
      %parallel_loop3A_756 = arith.constant 16 : i32
      %parallel_loop3A_757 = vector.broadcast %parallel_loop3A_756 : i32 to vector<16xi32>
      %parallel_loop3A_758 = arith.shli %parallel_loop3A_751, %parallel_loop3A_757 : vector<16xi32>
      %parallel_loop3A_759 = tpu.bitcast %parallel_loop3A_758 : vector<16xi32> -> vector<16xf32>
      %parallel_loop3A_760 = vector.broadcast %parallel_loop3A_16 : i32 to vector<16xi32>
      %parallel_loop3A_761 = arith.andi %parallel_loop3A_751, %parallel_loop3A_760 : vector<16xi32>
      %parallel_loop3A_762 = tpu.bitcast %parallel_loop3A_761 : vector<16xi32> -> vector<16xf32>
      %parallel_loop3A_763 = arith.constant 16 : i32
      %parallel_loop3A_764 = vector.broadcast %parallel_loop3A_763 : i32 to vector<16xi32>
      %parallel_loop3A_765 = arith.shli %parallel_loop3A_755, %parallel_loop3A_764 : vector<16xi32>
      %parallel_loop3A_766 = tpu.bitcast %parallel_loop3A_765 : vector<16xi32> -> vector<16xf32>
      %parallel_loop3A_767 = vector.broadcast %parallel_loop3A_16 : i32 to vector<16xi32>
      %parallel_loop3A_768 = arith.andi %parallel_loop3A_755, %parallel_loop3A_767 : vector<16xi32>
      %parallel_loop3A_769 = tpu.bitcast %parallel_loop3A_768 : vector<16xi32> -> vector<16xf32>
      %parallel_loop3A_770 = arith.mulf %parallel_loop3A_21, %parallel_loop3A_759 : vector<16xf32>
      %parallel_loop3A_771 = arith.mulf %parallel_loop3A_25, %parallel_loop3A_766 : vector<16xf32>
      %parallel_loop3A_772 = arith.addf %parallel_loop3A_770, %parallel_loop3A_771 : vector<16xf32>
      %parallel_loop3A_773 = arith.index_cast %parallel_loop3A_17 : i32 to index
      %parallel_loop3A_774 = arith.constant 304 : index
      %parallel_loop3A_775 = tpu.vector_load %arg13[%parallel_loop3A_773, %parallel_loop3A_774] {strides = array<i32>} : memref<64x768xf32, #tpu.memory_space<vmem>>, vector<1x16xf32>,
      %parallel_loop3A_776 = vector.shape_cast %parallel_loop3A_775 : vector<1x16xf32> to vector<16xf32>
      %parallel_loop3A_777 = vector.shape_cast %parallel_loop3A_772 : vector<16xf32> to vector<1x16xf32>
      tpu.vector_store %arg13[%parallel_loop3A_773, %parallel_loop3A_774], %parallel_loop3A_777 {strides = array<i32>} : memref<64x768xf32, #tpu.memory_space<vmem>>, vector<1x16xf32>,
      %parallel_loop3A_778 = arith.mulf %parallel_loop3A_21, %parallel_loop3A_762 : vector<16xf32>
      %parallel_loop3A_779 = arith.mulf %parallel_loop3A_25, %parallel_loop3A_769 : vector<16xf32>
      %parallel_loop3A_780 = arith.addf %parallel_loop3A_778, %parallel_loop3A_779 : vector<16xf32>
      %parallel_loop3A_781 = arith.index_cast %parallel_loop3A_17 : i32 to index
      %parallel_loop3A_782 = arith.constant 688 : index
      %parallel_loop3A_783 = tpu.vector_load %arg13[%parallel_loop3A_781, %parallel_loop3A_782] {strides = array<i32>} : memref<64x768xf32, #tpu.memory_space<vmem>>, vector<1x16xf32>,
      %parallel_loop3A_784 = vector.shape_cast %parallel_loop3A_783 : vector<1x16xf32> to vector<16xf32>
      %parallel_loop3A_785 = vector.shape_cast %parallel_loop3A_780 : vector<16xf32> to vector<1x16xf32>
      tpu.vector_store %arg13[%parallel_loop3A_781, %parallel_loop3A_782], %parallel_loop3A_785 {strides = array<i32>} : memref<64x768xf32, #tpu.memory_space<vmem>>, vector<1x16xf32>,
      %parallel_loop3A_786 = arith.index_cast %parallel_loop3A_17 : i32 to index
      %parallel_loop3A_787 = arith.constant 320 : index
      %parallel_loop3A_788 = tpu.vector_load %arg11[%parallel_loop3A_786, %parallel_loop3A_787] {strides = array<i32>} : memref<64x384xi32, #tpu.memory_space<vmem>>, vector<1x16xi32>,
      %parallel_loop3A_789 = vector.shape_cast %parallel_loop3A_788 : vector<1x16xi32> to vector<16xi32>
      %parallel_loop3A_790 = arith.index_cast %parallel_loop3A_17 : i32 to index
      %parallel_loop3A_791 = arith.constant 320 : index
      %parallel_loop3A_792 = tpu.vector_load %arg12[%parallel_loop3A_790, %parallel_loop3A_791] {strides = array<i32>} : memref<64x384xi32, #tpu.memory_space<vmem>>, vector<1x16xi32>,
      %parallel_loop3A_793 = vector.shape_cast %parallel_loop3A_792 : vector<1x16xi32> to vector<16xi32>
      %parallel_loop3A_794 = arith.constant 16 : i32
      %parallel_loop3A_795 = vector.broadcast %parallel_loop3A_794 : i32 to vector<16xi32>
      %parallel_loop3A_796 = arith.shli %parallel_loop3A_789, %parallel_loop3A_795 : vector<16xi32>
      %parallel_loop3A_797 = tpu.bitcast %parallel_loop3A_796 : vector<16xi32> -> vector<16xf32>
      %parallel_loop3A_798 = vector.broadcast %parallel_loop3A_16 : i32 to vector<16xi32>
      %parallel_loop3A_799 = arith.andi %parallel_loop3A_789, %parallel_loop3A_798 : vector<16xi32>
      %parallel_loop3A_800 = tpu.bitcast %parallel_loop3A_799 : vector<16xi32> -> vector<16xf32>
      %parallel_loop3A_801 = arith.constant 16 : i32
      %parallel_loop3A_802 = vector.broadcast %parallel_loop3A_801 : i32 to vector<16xi32>
      %parallel_loop3A_803 = arith.shli %parallel_loop3A_793, %parallel_loop3A_802 : vector<16xi32>
      %parallel_loop3A_804 = tpu.bitcast %parallel_loop3A_803 : vector<16xi32> -> vector<16xf32>
      %parallel_loop3A_805 = vector.broadcast %parallel_loop3A_16 : i32 to vector<16xi32>
      %parallel_loop3A_806 = arith.andi %parallel_loop3A_793, %parallel_loop3A_805 : vector<16xi32>
      %parallel_loop3A_807 = tpu.bitcast %parallel_loop3A_806 : vector<16xi32> -> vector<16xf32>
      %parallel_loop3A_808 = arith.mulf %parallel_loop3A_21, %parallel_loop3A_797 : vector<16xf32>
      %parallel_loop3A_809 = arith.mulf %parallel_loop3A_25, %parallel_loop3A_804 : vector<16xf32>
      %parallel_loop3A_810 = arith.addf %parallel_loop3A_808, %parallel_loop3A_809 : vector<16xf32>
      %parallel_loop3A_811 = arith.index_cast %parallel_loop3A_17 : i32 to index
      %parallel_loop3A_812 = arith.constant 320 : index
      %parallel_loop3A_813 = tpu.vector_load %arg13[%parallel_loop3A_811, %parallel_loop3A_812] {strides = array<i32>} : memref<64x768xf32, #tpu.memory_space<vmem>>, vector<1x16xf32>,
      %parallel_loop3A_814 = vector.shape_cast %parallel_loop3A_813 : vector<1x16xf32> to vector<16xf32>
      %parallel_loop3A_815 = vector.shape_cast %parallel_loop3A_810 : vector<16xf32> to vector<1x16xf32>
      tpu.vector_store %arg13[%parallel_loop3A_811, %parallel_loop3A_812], %parallel_loop3A_815 {strides = array<i32>} : memref<64x768xf32, #tpu.memory_space<vmem>>, vector<1x16xf32>,
      %parallel_loop3A_816 = arith.mulf %parallel_loop3A_21, %parallel_loop3A_800 : vector<16xf32>
      %parallel_loop3A_817 = arith.mulf %parallel_loop3A_25, %parallel_loop3A_807 : vector<16xf32>
      %parallel_loop3A_818 = arith.addf %parallel_loop3A_816, %parallel_loop3A_817 : vector<16xf32>
      %parallel_loop3A_819 = arith.index_cast %parallel_loop3A_17 : i32 to index
      %parallel_loop3A_820 = arith.constant 704 : index
      %parallel_loop3A_821 = tpu.vector_load %arg13[%parallel_loop3A_819, %parallel_loop3A_820] {strides = array<i32>} : memref<64x768xf32, #tpu.memory_space<vmem>>, vector<1x16xf32>,
      %parallel_loop3A_822 = vector.shape_cast %parallel_loop3A_821 : vector<1x16xf32> to vector<16xf32>
      %parallel_loop3A_823 = vector.shape_cast %parallel_loop3A_818 : vector<16xf32> to vector<1x16xf32>
      tpu.vector_store %arg13[%parallel_loop3A_819, %parallel_loop3A_820], %parallel_loop3A_823 {strides = array<i32>} : memref<64x768xf32, #tpu.memory_space<vmem>>, vector<1x16xf32>,
      %parallel_loop3A_824 = arith.index_cast %parallel_loop3A_17 : i32 to index
      %parallel_loop3A_825 = arith.constant 336 : index
      %parallel_loop3A_826 = tpu.vector_load %arg11[%parallel_loop3A_824, %parallel_loop3A_825] {strides = array<i32>} : memref<64x384xi32, #tpu.memory_space<vmem>>, vector<1x16xi32>,
      %parallel_loop3A_827 = vector.shape_cast %parallel_loop3A_826 : vector<1x16xi32> to vector<16xi32>
      %parallel_loop3A_828 = arith.index_cast %parallel_loop3A_17 : i32 to index
      %parallel_loop3A_829 = arith.constant 336 : index
      %parallel_loop3A_830 = tpu.vector_load %arg12[%parallel_loop3A_828, %parallel_loop3A_829] {strides = array<i32>} : memref<64x384xi32, #tpu.memory_space<vmem>>, vector<1x16xi32>,
      %parallel_loop3A_831 = vector.shape_cast %parallel_loop3A_830 : vector<1x16xi32> to vector<16xi32>
      %parallel_loop3A_832 = arith.constant 16 : i32
      %parallel_loop3A_833 = vector.broadcast %parallel_loop3A_832 : i32 to vector<16xi32>
      %parallel_loop3A_834 = arith.shli %parallel_loop3A_827, %parallel_loop3A_833 : vector<16xi32>
      %parallel_loop3A_835 = tpu.bitcast %parallel_loop3A_834 : vector<16xi32> -> vector<16xf32>
      %parallel_loop3A_836 = vector.broadcast %parallel_loop3A_16 : i32 to vector<16xi32>
      %parallel_loop3A_837 = arith.andi %parallel_loop3A_827, %parallel_loop3A_836 : vector<16xi32>
      %parallel_loop3A_838 = tpu.bitcast %parallel_loop3A_837 : vector<16xi32> -> vector<16xf32>
      %parallel_loop3A_839 = arith.constant 16 : i32
      %parallel_loop3A_840 = vector.broadcast %parallel_loop3A_839 : i32 to vector<16xi32>
      %parallel_loop3A_841 = arith.shli %parallel_loop3A_831, %parallel_loop3A_840 : vector<16xi32>
      %parallel_loop3A_842 = tpu.bitcast %parallel_loop3A_841 : vector<16xi32> -> vector<16xf32>
      %parallel_loop3A_843 = vector.broadcast %parallel_loop3A_16 : i32 to vector<16xi32>
      %parallel_loop3A_844 = arith.andi %parallel_loop3A_831, %parallel_loop3A_843 : vector<16xi32>
      %parallel_loop3A_845 = tpu.bitcast %parallel_loop3A_844 : vector<16xi32> -> vector<16xf32>
      %parallel_loop3A_846 = arith.mulf %parallel_loop3A_21, %parallel_loop3A_835 : vector<16xf32>
      %parallel_loop3A_847 = arith.mulf %parallel_loop3A_25, %parallel_loop3A_842 : vector<16xf32>
      %parallel_loop3A_848 = arith.addf %parallel_loop3A_846, %parallel_loop3A_847 : vector<16xf32>
      %parallel_loop3A_849 = arith.index_cast %parallel_loop3A_17 : i32 to index
      %parallel_loop3A_850 = arith.constant 336 : index
      %parallel_loop3A_851 = tpu.vector_load %arg13[%parallel_loop3A_849, %parallel_loop3A_850] {strides = array<i32>} : memref<64x768xf32, #tpu.memory_space<vmem>>, vector<1x16xf32>,
      %parallel_loop3A_852 = vector.shape_cast %parallel_loop3A_851 : vector<1x16xf32> to vector<16xf32>
      %parallel_loop3A_853 = vector.shape_cast %parallel_loop3A_848 : vector<16xf32> to vector<1x16xf32>
      tpu.vector_store %arg13[%parallel_loop3A_849, %parallel_loop3A_850], %parallel_loop3A_853 {strides = array<i32>} : memref<64x768xf32, #tpu.memory_space<vmem>>, vector<1x16xf32>,
      %parallel_loop3A_854 = arith.mulf %parallel_loop3A_21, %parallel_loop3A_838 : vector<16xf32>
      %parallel_loop3A_855 = arith.mulf %parallel_loop3A_25, %parallel_loop3A_845 : vector<16xf32>
      %parallel_loop3A_856 = arith.addf %parallel_loop3A_854, %parallel_loop3A_855 : vector<16xf32>
      %parallel_loop3A_857 = arith.index_cast %parallel_loop3A_17 : i32 to index
      %parallel_loop3A_858 = arith.constant 720 : index
      %parallel_loop3A_859 = tpu.vector_load %arg13[%parallel_loop3A_857, %parallel_loop3A_858] {strides = array<i32>} : memref<64x768xf32, #tpu.memory_space<vmem>>, vector<1x16xf32>,
      %parallel_loop3A_860 = vector.shape_cast %parallel_loop3A_859 : vector<1x16xf32> to vector<16xf32>
      %parallel_loop3A_861 = vector.shape_cast %parallel_loop3A_856 : vector<16xf32> to vector<1x16xf32>
      tpu.vector_store %arg13[%parallel_loop3A_857, %parallel_loop3A_858], %parallel_loop3A_861 {strides = array<i32>} : memref<64x768xf32, #tpu.memory_space<vmem>>, vector<1x16xf32>,
      %parallel_loop3A_862 = arith.index_cast %parallel_loop3A_17 : i32 to index
      %parallel_loop3A_863 = arith.constant 352 : index
      %parallel_loop3A_864 = tpu.vector_load %arg11[%parallel_loop3A_862, %parallel_loop3A_863] {strides = array<i32>} : memref<64x384xi32, #tpu.memory_space<vmem>>, vector<1x16xi32>,
      %parallel_loop3A_865 = vector.shape_cast %parallel_loop3A_864 : vector<1x16xi32> to vector<16xi32>
      %parallel_loop3A_866 = arith.index_cast %parallel_loop3A_17 : i32 to index
      %parallel_loop3A_867 = arith.constant 352 : index
      %parallel_loop3A_868 = tpu.vector_load %arg12[%parallel_loop3A_866, %parallel_loop3A_867] {strides = array<i32>} : memref<64x384xi32, #tpu.memory_space<vmem>>, vector<1x16xi32>,
      %parallel_loop3A_869 = vector.shape_cast %parallel_loop3A_868 : vector<1x16xi32> to vector<16xi32>
      %parallel_loop3A_870 = arith.constant 16 : i32
      %parallel_loop3A_871 = vector.broadcast %parallel_loop3A_870 : i32 to vector<16xi32>
      %parallel_loop3A_872 = arith.shli %parallel_loop3A_865, %parallel_loop3A_871 : vector<16xi32>
      %parallel_loop3A_873 = tpu.bitcast %parallel_loop3A_872 : vector<16xi32> -> vector<16xf32>
      %parallel_loop3A_874 = vector.broadcast %parallel_loop3A_16 : i32 to vector<16xi32>
      %parallel_loop3A_875 = arith.andi %parallel_loop3A_865, %parallel_loop3A_874 : vector<16xi32>
      %parallel_loop3A_876 = tpu.bitcast %parallel_loop3A_875 : vector<16xi32> -> vector<16xf32>
      %parallel_loop3A_877 = arith.constant 16 : i32
      %parallel_loop3A_878 = vector.broadcast %parallel_loop3A_877 : i32 to vector<16xi32>
      %parallel_loop3A_879 = arith.shli %parallel_loop3A_869, %parallel_loop3A_878 : vector<16xi32>
      %parallel_loop3A_880 = tpu.bitcast %parallel_loop3A_879 : vector<16xi32> -> vector<16xf32>
      %parallel_loop3A_881 = vector.broadcast %parallel_loop3A_16 : i32 to vector<16xi32>
      %parallel_loop3A_882 = arith.andi %parallel_loop3A_869, %parallel_loop3A_881 : vector<16xi32>
      %parallel_loop3A_883 = tpu.bitcast %parallel_loop3A_882 : vector<16xi32> -> vector<16xf32>
      %parallel_loop3A_884 = arith.mulf %parallel_loop3A_21, %parallel_loop3A_873 : vector<16xf32>
      %parallel_loop3A_885 = arith.mulf %parallel_loop3A_25, %parallel_loop3A_880 : vector<16xf32>
      %parallel_loop3A_886 = arith.addf %parallel_loop3A_884, %parallel_loop3A_885 : vector<16xf32>
      %parallel_loop3A_887 = arith.index_cast %parallel_loop3A_17 : i32 to index
      %parallel_loop3A_888 = arith.constant 352 : index
      %parallel_loop3A_889 = tpu.vector_load %arg13[%parallel_loop3A_887, %parallel_loop3A_888] {strides = array<i32>} : memref<64x768xf32, #tpu.memory_space<vmem>>, vector<1x16xf32>,
      %parallel_loop3A_890 = vector.shape_cast %parallel_loop3A_889 : vector<1x16xf32> to vector<16xf32>
      %parallel_loop3A_891 = vector.shape_cast %parallel_loop3A_886 : vector<16xf32> to vector<1x16xf32>
      tpu.vector_store %arg13[%parallel_loop3A_887, %parallel_loop3A_888], %parallel_loop3A_891 {strides = array<i32>} : memref<64x768xf32, #tpu.memory_space<vmem>>, vector<1x16xf32>,
      %parallel_loop3A_892 = arith.mulf %parallel_loop3A_21, %parallel_loop3A_876 : vector<16xf32>
      %parallel_loop3A_893 = arith.mulf %parallel_loop3A_25, %parallel_loop3A_883 : vector<16xf32>
      %parallel_loop3A_894 = arith.addf %parallel_loop3A_892, %parallel_loop3A_893 : vector<16xf32>
      %parallel_loop3A_895 = arith.index_cast %parallel_loop3A_17 : i32 to index
      %parallel_loop3A_896 = arith.constant 736 : index
      %parallel_loop3A_897 = tpu.vector_load %arg13[%parallel_loop3A_895, %parallel_loop3A_896] {strides = array<i32>} : memref<64x768xf32, #tpu.memory_space<vmem>>, vector<1x16xf32>,
      %parallel_loop3A_898 = vector.shape_cast %parallel_loop3A_897 : vector<1x16xf32> to vector<16xf32>
      %parallel_loop3A_899 = vector.shape_cast %parallel_loop3A_894 : vector<16xf32> to vector<1x16xf32>
      tpu.vector_store %arg13[%parallel_loop3A_895, %parallel_loop3A_896], %parallel_loop3A_899 {strides = array<i32>} : memref<64x768xf32, #tpu.memory_space<vmem>>, vector<1x16xf32>,
      %parallel_loop3A_900 = arith.index_cast %parallel_loop3A_17 : i32 to index
      %parallel_loop3A_901 = arith.constant 368 : index
      %parallel_loop3A_902 = tpu.vector_load %arg11[%parallel_loop3A_900, %parallel_loop3A_901] {strides = array<i32>} : memref<64x384xi32, #tpu.memory_space<vmem>>, vector<1x16xi32>,
      %parallel_loop3A_903 = vector.shape_cast %parallel_loop3A_902 : vector<1x16xi32> to vector<16xi32>
      %parallel_loop3A_904 = arith.index_cast %parallel_loop3A_17 : i32 to index
      %parallel_loop3A_905 = arith.constant 368 : index
      %parallel_loop3A_906 = tpu.vector_load %arg12[%parallel_loop3A_904, %parallel_loop3A_905] {strides = array<i32>} : memref<64x384xi32, #tpu.memory_space<vmem>>, vector<1x16xi32>,
      %parallel_loop3A_907 = vector.shape_cast %parallel_loop3A_906 : vector<1x16xi32> to vector<16xi32>
      %parallel_loop3A_908 = arith.constant 16 : i32
      %parallel_loop3A_909 = vector.broadcast %parallel_loop3A_908 : i32 to vector<16xi32>
      %parallel_loop3A_910 = arith.shli %parallel_loop3A_903, %parallel_loop3A_909 : vector<16xi32>
      %parallel_loop3A_911 = tpu.bitcast %parallel_loop3A_910 : vector<16xi32> -> vector<16xf32>
      %parallel_loop3A_912 = vector.broadcast %parallel_loop3A_16 : i32 to vector<16xi32>
      %parallel_loop3A_913 = arith.andi %parallel_loop3A_903, %parallel_loop3A_912 : vector<16xi32>
      %parallel_loop3A_914 = tpu.bitcast %parallel_loop3A_913 : vector<16xi32> -> vector<16xf32>
      %parallel_loop3A_915 = arith.constant 16 : i32
      %parallel_loop3A_916 = vector.broadcast %parallel_loop3A_915 : i32 to vector<16xi32>
      %parallel_loop3A_917 = arith.shli %parallel_loop3A_907, %parallel_loop3A_916 : vector<16xi32>
      %parallel_loop3A_918 = tpu.bitcast %parallel_loop3A_917 : vector<16xi32> -> vector<16xf32>
      %parallel_loop3A_919 = vector.broadcast %parallel_loop3A_16 : i32 to vector<16xi32>
      %parallel_loop3A_920 = arith.andi %parallel_loop3A_907, %parallel_loop3A_919 : vector<16xi32>
      %parallel_loop3A_921 = tpu.bitcast %parallel_loop3A_920 : vector<16xi32> -> vector<16xf32>
      %parallel_loop3A_922 = arith.mulf %parallel_loop3A_21, %parallel_loop3A_911 : vector<16xf32>
      %parallel_loop3A_923 = arith.mulf %parallel_loop3A_25, %parallel_loop3A_918 : vector<16xf32>
      %parallel_loop3A_924 = arith.addf %parallel_loop3A_922, %parallel_loop3A_923 : vector<16xf32>
      %parallel_loop3A_925 = arith.index_cast %parallel_loop3A_17 : i32 to index
      %parallel_loop3A_926 = arith.constant 368 : index
      %parallel_loop3A_927 = tpu.vector_load %arg13[%parallel_loop3A_925, %parallel_loop3A_926] {strides = array<i32>} : memref<64x768xf32, #tpu.memory_space<vmem>>, vector<1x16xf32>,
      %parallel_loop3A_928 = vector.shape_cast %parallel_loop3A_927 : vector<1x16xf32> to vector<16xf32>
      %parallel_loop3A_929 = vector.shape_cast %parallel_loop3A_924 : vector<16xf32> to vector<1x16xf32>
      tpu.vector_store %arg13[%parallel_loop3A_925, %parallel_loop3A_926], %parallel_loop3A_929 {strides = array<i32>} : memref<64x768xf32, #tpu.memory_space<vmem>>, vector<1x16xf32>,
      %parallel_loop3A_930 = arith.mulf %parallel_loop3A_21, %parallel_loop3A_914 : vector<16xf32>
      %parallel_loop3A_931 = arith.mulf %parallel_loop3A_25, %parallel_loop3A_921 : vector<16xf32>
      %parallel_loop3A_932 = arith.addf %parallel_loop3A_930, %parallel_loop3A_931 : vector<16xf32>
      %parallel_loop3A_933 = arith.index_cast %parallel_loop3A_17 : i32 to index
      %parallel_loop3A_934 = arith.constant 752 : index
      %parallel_loop3A_935 = tpu.vector_load %arg13[%parallel_loop3A_933, %parallel_loop3A_934] {strides = array<i32>} : memref<64x768xf32, #tpu.memory_space<vmem>>, vector<1x16xf32>,
      %parallel_loop3A_936 = vector.shape_cast %parallel_loop3A_935 : vector<1x16xf32> to vector<16xf32>
      %parallel_loop3A_937 = vector.shape_cast %parallel_loop3A_932 : vector<16xf32> to vector<1x16xf32>
      tpu.vector_store %arg13[%parallel_loop3A_933, %parallel_loop3A_934], %parallel_loop3A_937 {strides = array<i32>} : memref<64x768xf32, #tpu.memory_space<vmem>>, vector<1x16xf32>,
    } {sc.loop_unroll_factor = 1 : i64, sc.parallel_access}
    "tpu.region"() ({
      %run_scoped3A_17 = tpu.sem_alloc : memref<!tpu.dma_semaphore, #tpu.memory_space<semaphore_mem>>
      %dma_start3A_18 = arith.constant 0 : i32
      %dma_start3A_19 = tpu.memref_slice %arg6[%mul3A_2, %dma_start3A_18] : memref<2048x768xf32, #tpu.memory_space<hbm>> -> memref<64x768xf32, #tpu.memory_space<hbm>>
      %dma_start3A_20 = arith.constant 0 : i32
      %dma_start3A_21 = tpu.memref_slice %arg6[%mul3A_2, %dma_start3A_20] : memref<2048x768xf32, #tpu.memory_space<hbm>> -> memref<64x768xf32, #tpu.memory_space<hbm>>
      tpu.enqueue_dma source(%arg13 : memref<64x768xf32, #tpu.memory_space<vmem>>) target(%dma_start3A_21 : memref<64x768xf32, #tpu.memory_space<hbm>>) target_semaphore(%run_scoped3A_17 : memref<!tpu.dma_semaphore, #tpu.memory_space<semaphore_mem>>)
      %dma_wait3A_22 = arith.constant 0 : i32
      %dma_wait3A_23 = tpu.memref_slice %arg6[%mul3A_2, %dma_wait3A_22] : memref<2048x768xf32, #tpu.memory_space<hbm>> -> memref<64x768xf32, #tpu.memory_space<hbm>>
      %dma_wait3A_24 = arith.constant 0 : i32
      %dma_wait3A_25 = tpu.memref_slice %arg6[%mul3A_2, %dma_wait3A_24] : memref<2048x768xf32, #tpu.memory_space<hbm>> -> memref<64x768xf32, #tpu.memory_space<hbm>>
      tpu.wait_dma2 semaphore(%run_scoped3A_17 : memref<!tpu.dma_semaphore, #tpu.memory_space<semaphore_mem>>) src(%arg13 : memref<64x768xf32, #tpu.memory_space<vmem>>) dst(%dma_wait3A_25 : memref<64x768xf32, #tpu.memory_space<hbm>>)
      tpu.yield
    }) : () -> ()
    return
  }
}

module attributes {stable_mosaic.version = 14 : i64} {
  func.func @_router_body(%arg0: memref<2048x768xf32, #tpu.memory_space<vmem>>, %arg1: memref<768x8xf32, #tpu.memory_space<vmem>>, %arg2: memref<8x2048xi32, #tpu.memory_space<vmem>>, %arg3: memref<2048x16xf32, #tpu.memory_space<vmem>>, %arg4: memref<2048x16xf32, #tpu.memory_space<vmem>>, %arg5: memref<8x24xi32, #tpu.memory_space<vmem>>, %arg6: memref<2048x384xi32, #tpu.memory_space<vmem>>) attributes {dimension_semantics = [], scalar_prefetch = 0 : i64, scratch_operands = 0 : i64, tpu.core_type = #tpu.core_type<tc>} {
    %get3A = arith.constant 0 : index
    %get3A_0 = arith.constant 0 : index
    %get3A_1 = vector.load %arg0[%get3A, %get3A_0] : memref<2048x768xf32, #tpu.memory_space<vmem>>, vector<2048x768xf32>
    %get3A_2 = arith.constant 0 : index
    %get3A_3 = arith.constant 0 : index
    %get3A_4 = vector.load %arg1[%get3A_2, %get3A_3] : memref<768x8xf32, #tpu.memory_space<vmem>>, vector<768x8xf32>
    %dot_general3A = arith.constant dense<0.000000e+00> : vector<8x2048xf32>
    %dot_general3A_5 = tpu.matmul %get3A_4, %get3A_1, %dot_general3A {dimension_numbers = #tpu.dot_dimension_numbers<[0], [1], [1], [0], [0, 1, 1, 0], [], []>, transpose_lhs_hint = false} : vector<768x8xf32>, vector<2048x768xf32>, vector<8x2048xf32> -> vector<8x2048xf32>
    %iota3A = tpu.iota {dimensions = array<i32: 0>} : vector<8x2048xi32>
    %reduce_max3A = arith.constant dense<0xFF800000> : vector<2048xf32>
    %reduce_max3A_6 = vector.multi_reduction <maximumf>, %dot_general3A_5, %reduce_max3A [0] : vector<8x2048xf32> to vector<2048xf32>
    %broadcast_in_dim3A = vector.shape_cast %reduce_max3A_6 : vector<2048xf32> to vector<1x2048xf32>
    %eq3A = vector.broadcast %broadcast_in_dim3A : vector<1x2048xf32> to vector<8x2048xf32>
    %eq3A_7 = arith.cmpf oeq, %dot_general3A_5, %eq3A : vector<8x2048xf32>
    %jit3A = arith.constant 8 : i32
    %broadcast_in_dim3A_8 = vector.broadcast %jit3A : i32 to vector<8x2048xi32>
    %select_n3A = arith.select %eq3A_7, %iota3A, %broadcast_in_dim3A_8 : vector<8x2048xi1>, vector<8x2048xi32>
    %reduce_min3A = arith.constant dense<2147483647> : vector<2048xi32>
    %reduce_min3A_9 = vector.multi_reduction <minsi>, %select_n3A, %reduce_min3A [0] : vector<8x2048xi32> to vector<2048xi32>
    %broadcast_in_dim3A_10 = vector.shape_cast %reduce_min3A_9 : vector<2048xi32> to vector<1x2048xi32>
    %eq3A_11 = vector.broadcast %broadcast_in_dim3A_10 : vector<1x2048xi32> to vector<8x2048xi32>
    %eq3A_12 = arith.cmpi eq, %iota3A, %eq3A_11 : vector<8x2048xi32>
    %jit3A_13 = arith.constant 0xFF800000 : f32
    %broadcast_in_dim3A_14 = vector.broadcast %jit3A_13 : f32 to vector<8x2048xf32>
    %select_n3A_15 = arith.select %eq3A_12, %broadcast_in_dim3A_14, %dot_general3A_5 : vector<8x2048xi1>, vector<8x2048xf32>
    %reduce_max3A_16 = arith.constant dense<0xFF800000> : vector<2048xf32>
    %reduce_max3A_17 = vector.multi_reduction <maximumf>, %select_n3A_15, %reduce_max3A_16 [0] : vector<8x2048xf32> to vector<2048xf32>
    %broadcast_in_dim3A_18 = vector.shape_cast %reduce_max3A_17 : vector<2048xf32> to vector<1x2048xf32>
    %eq3A_19 = vector.broadcast %broadcast_in_dim3A_18 : vector<1x2048xf32> to vector<8x2048xf32>
    %eq3A_20 = arith.cmpf oeq, %select_n3A_15, %eq3A_19 : vector<8x2048xf32>
    %jit3A_21 = arith.constant 8 : i32
    %broadcast_in_dim3A_22 = vector.broadcast %jit3A_21 : i32 to vector<8x2048xi32>
    %select_n3A_23 = arith.select %eq3A_20, %iota3A, %broadcast_in_dim3A_22 : vector<8x2048xi1>, vector<8x2048xi32>
    %reduce_min3A_24 = arith.constant dense<2147483647> : vector<2048xi32>
    %reduce_min3A_25 = vector.multi_reduction <minsi>, %select_n3A_23, %reduce_min3A_24 [0] : vector<8x2048xi32> to vector<2048xi32>
    %broadcast_in_dim3A_26 = vector.shape_cast %reduce_min3A_25 : vector<2048xi32> to vector<1x2048xi32>
    %eq3A_27 = vector.broadcast %broadcast_in_dim3A_26 : vector<1x2048xi32> to vector<8x2048xi32>
    %eq3A_28 = arith.cmpi eq, %iota3A, %eq3A_27 : vector<8x2048xi32>
    %sub3A = arith.subf %broadcast_in_dim3A_18, %broadcast_in_dim3A : vector<1x2048xf32>
    %exp3A = math.exp %sub3A : vector<1x2048xf32>
    %add3A = arith.constant 1.000000e+00 : f32
    %add3A_29 = vector.broadcast %add3A : f32 to vector<1x2048xf32>
    %add3A_30 = arith.addf %add3A_29, %exp3A : vector<1x2048xf32>
    %div3A = arith.constant 1.000000e+00 : f32
    %div3A_31 = vector.broadcast %div3A : f32 to vector<1x2048xf32>
    %div3A_32 = arith.divf %div3A_31, %add3A_30 : vector<1x2048xf32>
    %sub3A_33 = arith.constant 1.000000e+00 : f32
    %sub3A_34 = vector.broadcast %sub3A_33 : f32 to vector<1x2048xf32>
    %sub3A_35 = arith.subf %sub3A_34, %div3A_32 : vector<1x2048xf32>
    %convert_element_type3A = arith.extui %eq3A_12 : vector<8x2048xi1> to vector<8x2048xi32>
    %convert_element_type3A_36 = arith.sitofp %convert_element_type3A : vector<8x2048xi32> to vector<8x2048xf32>
    %convert_element_type3A_37 = arith.extui %eq3A_28 : vector<8x2048xi1> to vector<8x2048xi32>
    %convert_element_type3A_38 = arith.sitofp %convert_element_type3A_37 : vector<8x2048xi32> to vector<8x2048xf32>
    %add3A_39 = arith.addf %convert_element_type3A_36, %convert_element_type3A_38 : vector<8x2048xf32>
    %iota3A_40 = tpu.iota {dimensions = array<i32: 0>} : vector<2048x256xi32>
    %iota3A_41 = tpu.iota {dimensions = array<i32: 1>} : vector<2048x256xi32>
    %add3A_42 = arith.constant 0 : i32
    %add3A_43 = vector.broadcast %add3A_42 : i32 to vector<2048x256xi32>
    %add3A_44 = arith.addi %iota3A_41, %add3A_43 : vector<2048x256xi32>
    %lt3A = arith.cmpi slt, %iota3A_40, %add3A_44 : vector<2048x256xi32>
    %convert_element_type3A_45 = arith.extui %lt3A : vector<2048x256xi1> to vector<2048x256xi32>
    %convert_element_type3A_46 = arith.sitofp %convert_element_type3A_45 : vector<2048x256xi32> to vector<2048x256xf32>
    %dot_general3A_47 = arith.constant dense<0.000000e+00> : vector<8x256xf32>
    %dot_general3A_48 = tpu.matmul %add3A_39, %convert_element_type3A_46, %dot_general3A_47 {dimension_numbers = #tpu.dot_dimension_numbers<[1], [0], [0], [1], [0, 0, 1, 1], [], []>, transpose_lhs_hint = false} : vector<8x2048xf32>, vector<2048x256xf32>, vector<8x256xf32> -> vector<8x256xf32>
    %iota3A_49 = tpu.iota {dimensions = array<i32: 0>} : vector<2048x256xi32>
    %iota3A_50 = tpu.iota {dimensions = array<i32: 1>} : vector<2048x256xi32>
    %add3A_51 = arith.constant 256 : i32
    %add3A_52 = vector.broadcast %add3A_51 : i32 to vector<2048x256xi32>
    %add3A_53 = arith.addi %iota3A_50, %add3A_52 : vector<2048x256xi32>
    %lt3A_54 = arith.cmpi slt, %iota3A_49, %add3A_53 : vector<2048x256xi32>
    %convert_element_type3A_55 = arith.extui %lt3A_54 : vector<2048x256xi1> to vector<2048x256xi32>
    %convert_element_type3A_56 = arith.sitofp %convert_element_type3A_55 : vector<2048x256xi32> to vector<2048x256xf32>
    %dot_general3A_57 = arith.constant dense<0.000000e+00> : vector<8x256xf32>
    %dot_general3A_58 = tpu.matmul %add3A_39, %convert_element_type3A_56, %dot_general3A_57 {dimension_numbers = #tpu.dot_dimension_numbers<[1], [0], [0], [1], [0, 0, 1, 1], [], []>, transpose_lhs_hint = false} : vector<8x2048xf32>, vector<2048x256xf32>, vector<8x256xf32> -> vector<8x256xf32>
    %iota3A_59 = tpu.iota {dimensions = array<i32: 0>} : vector<2048x256xi32>
    %iota3A_60 = tpu.iota {dimensions = array<i32: 1>} : vector<2048x256xi32>
    %add3A_61 = arith.constant 512 : i32
    %add3A_62 = vector.broadcast %add3A_61 : i32 to vector<2048x256xi32>
    %add3A_63 = arith.addi %iota3A_60, %add3A_62 : vector<2048x256xi32>
    %lt3A_64 = arith.cmpi slt, %iota3A_59, %add3A_63 : vector<2048x256xi32>
    %convert_element_type3A_65 = arith.extui %lt3A_64 : vector<2048x256xi1> to vector<2048x256xi32>
    %convert_element_type3A_66 = arith.sitofp %convert_element_type3A_65 : vector<2048x256xi32> to vector<2048x256xf32>
    %dot_general3A_67 = arith.constant dense<0.000000e+00> : vector<8x256xf32>
    %dot_general3A_68 = tpu.matmul %add3A_39, %convert_element_type3A_66, %dot_general3A_67 {dimension_numbers = #tpu.dot_dimension_numbers<[1], [0], [0], [1], [0, 0, 1, 1], [], []>, transpose_lhs_hint = false} : vector<8x2048xf32>, vector<2048x256xf32>, vector<8x256xf32> -> vector<8x256xf32>
    %iota3A_69 = tpu.iota {dimensions = array<i32: 0>} : vector<2048x256xi32>
    %iota3A_70 = tpu.iota {dimensions = array<i32: 1>} : vector<2048x256xi32>
    %add3A_71 = arith.constant 768 : i32
    %add3A_72 = vector.broadcast %add3A_71 : i32 to vector<2048x256xi32>
    %add3A_73 = arith.addi %iota3A_70, %add3A_72 : vector<2048x256xi32>
    %lt3A_74 = arith.cmpi slt, %iota3A_69, %add3A_73 : vector<2048x256xi32>
    %convert_element_type3A_75 = arith.extui %lt3A_74 : vector<2048x256xi1> to vector<2048x256xi32>
    %convert_element_type3A_76 = arith.sitofp %convert_element_type3A_75 : vector<2048x256xi32> to vector<2048x256xf32>
    %dot_general3A_77 = arith.constant dense<0.000000e+00> : vector<8x256xf32>
    %dot_general3A_78 = tpu.matmul %add3A_39, %convert_element_type3A_76, %dot_general3A_77 {dimension_numbers = #tpu.dot_dimension_numbers<[1], [0], [0], [1], [0, 0, 1, 1], [], []>, transpose_lhs_hint = false} : vector<8x2048xf32>, vector<2048x256xf32>, vector<8x256xf32> -> vector<8x256xf32>
    %iota3A_79 = tpu.iota {dimensions = array<i32: 0>} : vector<2048x256xi32>
    %iota3A_80 = tpu.iota {dimensions = array<i32: 1>} : vector<2048x256xi32>
    %add3A_81 = arith.constant 1024 : i32
    %add3A_82 = vector.broadcast %add3A_81 : i32 to vector<2048x256xi32>
    %add3A_83 = arith.addi %iota3A_80, %add3A_82 : vector<2048x256xi32>
    %lt3A_84 = arith.cmpi slt, %iota3A_79, %add3A_83 : vector<2048x256xi32>
    %convert_element_type3A_85 = arith.extui %lt3A_84 : vector<2048x256xi1> to vector<2048x256xi32>
    %convert_element_type3A_86 = arith.sitofp %convert_element_type3A_85 : vector<2048x256xi32> to vector<2048x256xf32>
    %dot_general3A_87 = arith.constant dense<0.000000e+00> : vector<8x256xf32>
    %dot_general3A_88 = tpu.matmul %add3A_39, %convert_element_type3A_86, %dot_general3A_87 {dimension_numbers = #tpu.dot_dimension_numbers<[1], [0], [0], [1], [0, 0, 1, 1], [], []>, transpose_lhs_hint = false} : vector<8x2048xf32>, vector<2048x256xf32>, vector<8x256xf32> -> vector<8x256xf32>
    %iota3A_89 = tpu.iota {dimensions = array<i32: 0>} : vector<2048x256xi32>
    %iota3A_90 = tpu.iota {dimensions = array<i32: 1>} : vector<2048x256xi32>
    %add3A_91 = arith.constant 1280 : i32
    %add3A_92 = vector.broadcast %add3A_91 : i32 to vector<2048x256xi32>
    %add3A_93 = arith.addi %iota3A_90, %add3A_92 : vector<2048x256xi32>
    %lt3A_94 = arith.cmpi slt, %iota3A_89, %add3A_93 : vector<2048x256xi32>
    %convert_element_type3A_95 = arith.extui %lt3A_94 : vector<2048x256xi1> to vector<2048x256xi32>
    %convert_element_type3A_96 = arith.sitofp %convert_element_type3A_95 : vector<2048x256xi32> to vector<2048x256xf32>
    %dot_general3A_97 = arith.constant dense<0.000000e+00> : vector<8x256xf32>
    %dot_general3A_98 = tpu.matmul %add3A_39, %convert_element_type3A_96, %dot_general3A_97 {dimension_numbers = #tpu.dot_dimension_numbers<[1], [0], [0], [1], [0, 0, 1, 1], [], []>, transpose_lhs_hint = false} : vector<8x2048xf32>, vector<2048x256xf32>, vector<8x256xf32> -> vector<8x256xf32>
    %iota3A_99 = tpu.iota {dimensions = array<i32: 0>} : vector<2048x256xi32>
    %iota3A_100 = tpu.iota {dimensions = array<i32: 1>} : vector<2048x256xi32>
    %add3A_101 = arith.constant 1536 : i32
    %add3A_102 = vector.broadcast %add3A_101 : i32 to vector<2048x256xi32>
    %add3A_103 = arith.addi %iota3A_100, %add3A_102 : vector<2048x256xi32>
    %lt3A_104 = arith.cmpi slt, %iota3A_99, %add3A_103 : vector<2048x256xi32>
    %convert_element_type3A_105 = arith.extui %lt3A_104 : vector<2048x256xi1> to vector<2048x256xi32>
    %convert_element_type3A_106 = arith.sitofp %convert_element_type3A_105 : vector<2048x256xi32> to vector<2048x256xf32>
    %dot_general3A_107 = arith.constant dense<0.000000e+00> : vector<8x256xf32>
    %dot_general3A_108 = tpu.matmul %add3A_39, %convert_element_type3A_106, %dot_general3A_107 {dimension_numbers = #tpu.dot_dimension_numbers<[1], [0], [0], [1], [0, 0, 1, 1], [], []>, transpose_lhs_hint = false} : vector<8x2048xf32>, vector<2048x256xf32>, vector<8x256xf32> -> vector<8x256xf32>
    %iota3A_109 = tpu.iota {dimensions = array<i32: 0>} : vector<2048x256xi32>
    %iota3A_110 = tpu.iota {dimensions = array<i32: 1>} : vector<2048x256xi32>
    %add3A_111 = arith.constant 1792 : i32
    %add3A_112 = vector.broadcast %add3A_111 : i32 to vector<2048x256xi32>
    %add3A_113 = arith.addi %iota3A_110, %add3A_112 : vector<2048x256xi32>
    %lt3A_114 = arith.cmpi slt, %iota3A_109, %add3A_113 : vector<2048x256xi32>
    %convert_element_type3A_115 = arith.extui %lt3A_114 : vector<2048x256xi1> to vector<2048x256xi32>
    %convert_element_type3A_116 = arith.sitofp %convert_element_type3A_115 : vector<2048x256xi32> to vector<2048x256xf32>
    %dot_general3A_117 = arith.constant dense<0.000000e+00> : vector<8x256xf32>
    %dot_general3A_118 = tpu.matmul %add3A_39, %convert_element_type3A_116, %dot_general3A_117 {dimension_numbers = #tpu.dot_dimension_numbers<[1], [0], [0], [1], [0, 0, 1, 1], [], []>, transpose_lhs_hint = false} : vector<8x2048xf32>, vector<2048x256xf32>, vector<8x256xf32> -> vector<8x256xf32>
    %concatenate3A = tpu.concatenate %dot_general3A_48, %dot_general3A_58, %dot_general3A_68, %dot_general3A_78, %dot_general3A_88, %dot_general3A_98, %dot_general3A_108, %dot_general3A_118 in 1 : vector<8x256xf32>, vector<8x256xf32>, vector<8x256xf32>, vector<8x256xf32>, vector<8x256xf32>, vector<8x256xf32>, vector<8x256xf32>, vector<8x256xf32> -> vector<8x2048xf32>
    %reduce_sum3A = arith.constant dense<0.000000e+00> : vector<8xf32>
    %reduce_sum3A_119 = vector.multi_reduction <add>, %add3A_39, %reduce_sum3A [1] : vector<8x2048xf32> to vector<8xf32>
    %broadcast_in_dim3A_120 = vector.shape_cast %reduce_sum3A_119 : vector<8xf32> to vector<8x1xf32>
    %mul3A = arith.constant 3.906250e-03 : f32
    %mul3A_121 = vector.broadcast %mul3A : f32 to vector<8x1xf32>
    %mul3A_122 = arith.mulf %broadcast_in_dim3A_120, %mul3A_121 : vector<8x1xf32>
    %ceil3A = math.ceil %mul3A_122 : vector<8x1xf32>
    %max3A = arith.constant 1.000000e+00 : f32
    %max3A_123 = vector.broadcast %max3A : f32 to vector<8x1xf32>
    %max3A_124 = arith.maximumf %ceil3A, %max3A_123 : vector<8x1xf32>
    %mul3A_125 = arith.constant 2.560000e+02 : f32
    %mul3A_126 = vector.broadcast %mul3A_125 : f32 to vector<8x1xf32>
    %mul3A_127 = arith.mulf %max3A_124, %mul3A_126 : vector<8x1xf32>
    %iota3A_128 = tpu.iota {dimensions = array<i32: 1>} : vector<8x8xi32>
    %iota3A_129 = tpu.iota {dimensions = array<i32: 0>} : vector<8x8xi32>
    %lt3A_130 = arith.cmpi slt, %iota3A_128, %iota3A_129 : vector<8x8xi32>
    %convert_element_type3A_131 = arith.extui %lt3A_130 : vector<8x8xi1> to vector<8x8xi32>
    %convert_element_type3A_132 = arith.sitofp %convert_element_type3A_131 : vector<8x8xi32> to vector<8x8xf32>
    %dot_general3A_133 = arith.constant dense<0.000000e+00> : vector<8x1xf32>
    %dot_general3A_134 = tpu.matmul %convert_element_type3A_132, %mul3A_127, %dot_general3A_133 {dimension_numbers = #tpu.dot_dimension_numbers<[1], [0], [0], [1], [0, 0, 1, 1], [], []>, transpose_lhs_hint = false} : vector<8x8xf32>, vector<8x1xf32>, vector<8x1xf32> -> vector<8x1xf32>
    %mul3A_135 = arith.mulf %convert_element_type3A_36, %concatenate3A : vector<8x2048xf32>
    %reduce_sum3A_136 = arith.constant dense<0.000000e+00> : vector<2048xf32>
    %reduce_sum3A_137 = vector.multi_reduction <add>, %mul3A_135, %reduce_sum3A_136 [0] : vector<8x2048xf32> to vector<2048xf32>
    %broadcast_in_dim3A_138 = vector.shape_cast %reduce_sum3A_137 : vector<2048xf32> to vector<1x2048xf32>
    %mul3A_139 = arith.mulf %convert_element_type3A_38, %concatenate3A : vector<8x2048xf32>
    %reduce_sum3A_140 = arith.constant dense<0.000000e+00> : vector<2048xf32>
    %reduce_sum3A_141 = vector.multi_reduction <add>, %mul3A_139, %reduce_sum3A_140 [0] : vector<8x2048xf32> to vector<2048xf32>
    %broadcast_in_dim3A_142 = vector.shape_cast %reduce_sum3A_141 : vector<2048xf32> to vector<1x2048xf32>
    %mul3A_143 = vector.broadcast %dot_general3A_134 : vector<8x1xf32> to vector<8x2048xf32>
    %mul3A_144 = arith.mulf %convert_element_type3A_36, %mul3A_143 : vector<8x2048xf32>
    %reduce_sum3A_145 = arith.constant dense<0.000000e+00> : vector<2048xf32>
    %reduce_sum3A_146 = vector.multi_reduction <add>, %mul3A_144, %reduce_sum3A_145 [0] : vector<8x2048xf32> to vector<2048xf32>
    %broadcast_in_dim3A_147 = vector.shape_cast %reduce_sum3A_146 : vector<2048xf32> to vector<1x2048xf32>
    %mul3A_148 = vector.broadcast %dot_general3A_134 : vector<8x1xf32> to vector<8x2048xf32>
    %mul3A_149 = arith.mulf %convert_element_type3A_38, %mul3A_148 : vector<8x2048xf32>
    %reduce_sum3A_150 = arith.constant dense<0.000000e+00> : vector<2048xf32>
    %reduce_sum3A_151 = vector.multi_reduction <add>, %mul3A_149, %reduce_sum3A_150 [0] : vector<8x2048xf32> to vector<2048xf32>
    %broadcast_in_dim3A_152 = vector.shape_cast %reduce_sum3A_151 : vector<2048xf32> to vector<1x2048xf32>
    %add3A_153 = arith.addf %broadcast_in_dim3A_147, %broadcast_in_dim3A_138 : vector<1x2048xf32>
    %convert_element_type3A_154 = arith.fptosi %add3A_153 : vector<1x2048xf32> to vector<1x2048xi32>
    %add3A_155 = arith.addf %broadcast_in_dim3A_152, %broadcast_in_dim3A_142 : vector<1x2048xf32>
    %convert_element_type3A_156 = arith.fptosi %add3A_155 : vector<1x2048xf32> to vector<1x2048xi32>
    %concatenate3A_157 = tpu.concatenate %convert_element_type3A_154, %convert_element_type3A_156, %convert_element_type3A_154, %convert_element_type3A_156, %convert_element_type3A_154, %convert_element_type3A_156, %convert_element_type3A_154, %convert_element_type3A_156 in 0 : vector<1x2048xi32>, vector<1x2048xi32>, vector<1x2048xi32>, vector<1x2048xi32>, vector<1x2048xi32>, vector<1x2048xi32>, vector<1x2048xi32>, vector<1x2048xi32> -> vector<8x2048xi32>
    %swap3A = arith.constant 0 : index
    %swap3A_158 = arith.constant 0 : index
    %swap3A_159 = vector.load %arg2[%swap3A, %swap3A_158] : memref<8x2048xi32, #tpu.memory_space<vmem>>, vector<8x2048xi32>
    tpu.vector_store %arg2[%swap3A, %swap3A_158], %concatenate3A_157 {strides = array<i32>} : memref<8x2048xi32, #tpu.memory_space<vmem>>, vector<8x2048xi32>,
    %broadcast_in_dim3A_160 = arith.constant 1.000000e+00 : f32
    %broadcast_in_dim3A_161 = vector.broadcast %broadcast_in_dim3A_160 : f32 to vector<1x16xf32>
    %dot_general3A_162 = arith.constant dense<0.000000e+00> : vector<2048x16xf32>
    %dot_general3A_163 = tpu.matmul %div3A_32, %broadcast_in_dim3A_161, %dot_general3A_162 {dimension_numbers = #tpu.dot_dimension_numbers<[0], [0], [1], [1], [0, 1, 1, 1], [], []>, transpose_lhs_hint = false} : vector<1x2048xf32>, vector<1x16xf32>, vector<2048x16xf32> -> vector<2048x16xf32>
    %swap3A_164 = arith.constant 0 : index
    %swap3A_165 = arith.constant 0 : index
    %swap3A_166 = vector.load %arg3[%swap3A_164, %swap3A_165] : memref<2048x16xf32, #tpu.memory_space<vmem>>, vector<2048x16xf32>
    tpu.vector_store %arg3[%swap3A_164, %swap3A_165], %dot_general3A_163 {strides = array<i32>} : memref<2048x16xf32, #tpu.memory_space<vmem>>, vector<2048x16xf32>,
    %dot_general3A_167 = arith.constant dense<0.000000e+00> : vector<2048x16xf32>
    %dot_general3A_168 = tpu.matmul %sub3A_35, %broadcast_in_dim3A_161, %dot_general3A_167 {dimension_numbers = #tpu.dot_dimension_numbers<[0], [0], [1], [1], [0, 1, 1, 1], [], []>, transpose_lhs_hint = false} : vector<1x2048xf32>, vector<1x16xf32>, vector<2048x16xf32> -> vector<2048x16xf32>
    %swap3A_169 = arith.constant 0 : index
    %swap3A_170 = arith.constant 0 : index
    %swap3A_171 = vector.load %arg4[%swap3A_169, %swap3A_170] : memref<2048x16xf32, #tpu.memory_space<vmem>>, vector<2048x16xf32>
    tpu.vector_store %arg4[%swap3A_169, %swap3A_170], %dot_general3A_168 {strides = array<i32>} : memref<2048x16xf32, #tpu.memory_space<vmem>>, vector<2048x16xf32>,
    %mul3A_172 = arith.constant 3.906250e-03 : f32
    %mul3A_173 = vector.broadcast %mul3A_172 : f32 to vector<8x1xf32>
    %mul3A_174 = arith.mulf %dot_general3A_134, %mul3A_173 : vector<8x1xf32>
    %iota3A_175 = tpu.iota {dimensions = array<i32: 1>} : vector<8x24xi32>
    %convert_element_type3A_176 = arith.sitofp %iota3A_175 : vector<8x24xi32> to vector<8x24xf32>
    %ge3A = vector.broadcast %mul3A_174 : vector<8x1xf32> to vector<8x24xf32>
    %ge3A_177 = arith.cmpf oge, %convert_element_type3A_176, %ge3A : vector<8x24xf32>
    %convert_element_type3A_178 = arith.extui %ge3A_177 : vector<8x24xi1> to vector<8x24xi32>
    %convert_element_type3A_179 = arith.sitofp %convert_element_type3A_178 : vector<8x24xi32> to vector<8x24xf32>
    %reduce_sum3A_180 = arith.constant dense<0.000000e+00> : vector<24xf32>
    %reduce_sum3A_181 = vector.multi_reduction <add>, %convert_element_type3A_179, %reduce_sum3A_180 [0] : vector<8x24xf32> to vector<24xf32>
    %broadcast_in_dim3A_182 = vector.shape_cast %reduce_sum3A_181 : vector<24xf32> to vector<1x24xf32>
    %sub3A_183 = arith.constant 1.000000e+00 : f32
    %sub3A_184 = vector.broadcast %sub3A_183 : f32 to vector<1x24xf32>
    %sub3A_185 = arith.subf %broadcast_in_dim3A_182, %sub3A_184 : vector<1x24xf32>
    %eq3A_186 = vector.broadcast %mul3A_174 : vector<8x1xf32> to vector<8x24xf32>
    %eq3A_187 = arith.cmpf oeq, %convert_element_type3A_176, %eq3A_186 : vector<8x24xf32>
    %convert_element_type3A_188 = arith.extui %eq3A_187 : vector<8x24xi1> to vector<8x24xi32>
    %convert_element_type3A_189 = arith.sitofp %convert_element_type3A_188 : vector<8x24xi32> to vector<8x24xf32>
    %reduce_sum3A_190 = arith.constant dense<0.000000e+00> : vector<24xf32>
    %reduce_sum3A_191 = vector.multi_reduction <add>, %convert_element_type3A_189, %reduce_sum3A_190 [0] : vector<8x24xf32> to vector<24xf32>
    %broadcast_in_dim3A_192 = vector.shape_cast %reduce_sum3A_191 : vector<24xf32> to vector<1x24xf32>
    %concatenate3A_193 = tpu.concatenate %sub3A_185, %broadcast_in_dim3A_192, %sub3A_185, %broadcast_in_dim3A_192, %sub3A_185, %broadcast_in_dim3A_192, %sub3A_185, %broadcast_in_dim3A_192 in 0 : vector<1x24xf32>, vector<1x24xf32>, vector<1x24xf32>, vector<1x24xf32>, vector<1x24xf32>, vector<1x24xf32>, vector<1x24xf32>, vector<1x24xf32> -> vector<8x24xf32>
    %convert_element_type3A_194 = arith.fptosi %concatenate3A_193 : vector<8x24xf32> to vector<8x24xi32>
    %swap3A_195 = arith.constant 0 : index
    %swap3A_196 = arith.constant 0 : index
    %swap3A_197 = vector.load %arg5[%swap3A_195, %swap3A_196] : memref<8x24xi32, #tpu.memory_space<vmem>>, vector<8x24xi32>
    tpu.vector_store %arg5[%swap3A_195, %swap3A_196], %convert_element_type3A_194 {strides = array<i32>} : memref<8x24xi32, #tpu.memory_space<vmem>>, vector<8x24xi32>,
    %bitcast_convert_type3A = tpu.bitcast %get3A_1 : vector<2048x768xf32> -> vector<2048x768xi32>
    %add3A_198 = arith.constant 32767 : i32
    %add3A_199 = vector.broadcast %add3A_198 : i32 to vector<2048x768xi32>
    %add3A_200 = arith.addi %bitcast_convert_type3A, %add3A_199 : vector<2048x768xi32>
    %shift_right_logical3A = arith.constant 16 : i32
    %shift_right_logical3A_201 = vector.broadcast %shift_right_logical3A : i32 to vector<2048x768xi32>
    %shift_right_logical3A_202 = arith.shrui %bitcast_convert_type3A, %shift_right_logical3A_201 : vector<2048x768xi32>
    %jit3A_203 = arith.constant 2 : i32
    %eq3A_204 = arith.constant 0 : i32
    %eq3A_205 = arith.cmpi eq, %jit3A_203, %eq3A_204 : i32
    %jit3A_206 = arith.constant 1 : i32
    %select_n3A_207 = arith.select %eq3A_205, %jit3A_206, %jit3A_203 : i32
    %rem3A = vector.broadcast %select_n3A_207 : i32 to vector<2048x768xi32>
    %rem3A_208 = arith.remsi %shift_right_logical3A_202, %rem3A : vector<2048x768xi32>
    %ne3A = arith.constant 0 : i32
    %ne3A_209 = vector.broadcast %ne3A : i32 to vector<2048x768xi32>
    %ne3A_210 = arith.cmpi ne, %rem3A_208, %ne3A_209 : vector<2048x768xi32>
    %lt3A_211 = arith.constant 0 : i32
    %lt3A_212 = vector.broadcast %lt3A_211 : i32 to vector<2048x768xi32>
    %lt3A_213 = arith.cmpi slt, %rem3A_208, %lt3A_212 : vector<2048x768xi32>
    %lt3A_214 = arith.constant 0 : i32
    %lt3A_215 = arith.cmpi slt, %select_n3A_207, %lt3A_214 : i32
    %ne3A_216 = vector.broadcast %lt3A_215 : i1 to vector<2048x768xi1>
    %ne3A_217 = vector.broadcast %ne3A_216 : vector<2048x768xi1> to vector<2048x768xi1>
    %ne3A_218 = arith.xori %lt3A_213, %ne3A_217 : vector<2048x768xi1>
    %and3A = arith.andi %ne3A_218, %ne3A_210 : vector<2048x768xi1>
    %add3A_219 = vector.broadcast %select_n3A_207 : i32 to vector<2048x768xi32>
    %add3A_220 = arith.addi %rem3A_208, %add3A_219 : vector<2048x768xi32>
    %select_n3A_221 = arith.select %and3A, %add3A_220, %rem3A_208 : vector<2048x768xi1>, vector<2048x768xi32>
    %add3A_222 = arith.addi %add3A_200, %select_n3A_221 : vector<2048x768xi32>
    %shift_right_logical3A_223 = arith.constant 16 : i32
    %shift_right_logical3A_224 = vector.broadcast %shift_right_logical3A_223 : i32 to vector<2048x768xi32>
    %shift_right_logical3A_225 = arith.shrui %add3A_222, %shift_right_logical3A_224 : vector<2048x768xi32>
    %slice3A = vector.extract_strided_slice %shift_right_logical3A_225 {offsets = [0, 0], sizes = [2048, 384], strides = [1, 1]} : vector<2048x768xi32> to vector<2048x384xi32>
    %and3A_226 = arith.constant 65535 : i32
    %and3A_227 = vector.broadcast %and3A_226 : i32 to vector<2048x384xi32>
    %and3A_228 = arith.andi %slice3A, %and3A_227 : vector<2048x384xi32>
    %slice3A_229 = vector.extract_strided_slice %shift_right_logical3A_225 {offsets = [0, 384], sizes = [2048, 384], strides = [1, 1]} : vector<2048x768xi32> to vector<2048x384xi32>
    %shift_left3A = arith.constant 16 : i32
    %shift_left3A_230 = vector.broadcast %shift_left3A : i32 to vector<2048x384xi32>
    %shift_left3A_231 = arith.shli %slice3A_229, %shift_left3A_230 : vector<2048x384xi32>
    %or3A = arith.ori %and3A_228, %shift_left3A_231 : vector<2048x384xi32>
    %swap3A_232 = arith.constant 0 : index
    %swap3A_233 = arith.constant 0 : index
    %swap3A_234 = vector.load %arg6[%swap3A_232, %swap3A_233] : memref<2048x384xi32, #tpu.memory_space<vmem>>, vector<2048x384xi32>
    tpu.vector_store %arg6[%swap3A_232, %swap3A_233], %or3A {strides = array<i32>} : memref<2048x384xi32, #tpu.memory_space<vmem>>, vector<2048x384xi32>,
    return
  }
}

module attributes {stable_mosaic.version = 14 : i64} {
  func.func @_mlp_body(%arg0: i32, %arg1: memref<8x24xi32, #tpu.memory_space<smem>>, %arg2: memref<256x384xi32, #tpu.memory_space<vmem>>, %arg3: memref<8x768x1024xf32, #tpu.memory_space<any>>, %arg4: memref<8x768x1024xf32, #tpu.memory_space<any>>, %arg5: memref<8x1024x768xf32, #tpu.memory_space<any>>, %arg6: memref<256x384xi32, #tpu.memory_space<vmem>>, %arg7: memref<768x1024xf32, #tpu.memory_space<vmem>>, %arg8: memref<768x1024xf32, #tpu.memory_space<vmem>>, %arg9: memref<1024x768xf32, #tpu.memory_space<vmem>>, %arg10: memref<768x1024xf32, #tpu.memory_space<vmem>>, %arg11: memref<768x1024xf32, #tpu.memory_space<vmem>>, %arg12: memref<1024x768xf32, #tpu.memory_space<vmem>>, %arg13: memref<!tpu.dma_semaphore, #tpu.memory_space<semaphore_mem>>, %arg14: memref<!tpu.dma_semaphore, #tpu.memory_space<semaphore_mem>>) attributes {dimension_semantics = [#tpu.dimension_semantics<arbitrary>], iteration_bounds = array<i64: 24>, scalar_prefetch = 1 : i64, scratch_operands = 8 : i64, tpu.core_type = #tpu.core_type<tc>, window_params = [{transform_indices = @transform_0, window_bounds = array<i64: 256, 384>}, {}, {}, {}, {transform_indices = @transform_4, window_bounds = array<i64: 256, 384>}]} {
    %get3A = arith.constant 0 : index
    %get3A_0 = arith.index_cast %arg0 : i32 to index
    %get3A_1 = memref.load %arg1[%get3A, %get3A_0] : memref<8x24xi32, #tpu.memory_space<smem>>
    %get3A_2 = arith.constant 1 : index
    %get3A_3 = arith.index_cast %arg0 : i32 to index
    %get3A_4 = memref.load %arg1[%get3A_2, %get3A_3] : memref<8x24xi32, #tpu.memory_space<smem>>
    %eq3A = arith.constant 0 : i32
    %eq3A_5 = arith.cmpi eq, %arg0, %eq3A : i32
    %convert_element_type3A = arith.extui %eq3A_5 : i1 to i32
    %cond3A = arith.constant 0 : i32
    %cond3A_6 = arith.cmpi ne, %convert_element_type3A, %cond3A : i32
    scf.if %cond3A_6 {
      %dma_start3A = arith.constant 0 : i32
      %dma_start3A_79 = arith.constant 0 : i32
      %dma_start3A_80 = arith.constant 0 : i32
      %dma_start3A_81 = tpu.memref_slice %arg3[%dma_start3A, %dma_start3A_79, %dma_start3A_80] : memref<8x768x1024xf32, #tpu.memory_space<any>> -> memref<1x768x1024xf32, #tpu.memory_space<any>>
      %dma_start3A_82 = tpu.memref_squeeze %dma_start3A_81 : memref<1x768x1024xf32, #tpu.memory_space<any>> -> memref<768x1024xf32, #tpu.memory_space<any>>
      tpu.enqueue_dma source(%dma_start3A_82 : memref<768x1024xf32, #tpu.memory_space<any>>) target(%arg7 : memref<768x1024xf32, #tpu.memory_space<vmem>>) target_semaphore(%arg13 : memref<!tpu.dma_semaphore, #tpu.memory_space<semaphore_mem>>)
      %dma_start3A_83 = arith.constant 0 : i32
      %dma_start3A_84 = arith.constant 0 : i32
      %dma_start3A_85 = arith.constant 0 : i32
      %dma_start3A_86 = tpu.memref_slice %arg4[%dma_start3A_83, %dma_start3A_84, %dma_start3A_85] : memref<8x768x1024xf32, #tpu.memory_space<any>> -> memref<1x768x1024xf32, #tpu.memory_space<any>>
      %dma_start3A_87 = tpu.memref_squeeze %dma_start3A_86 : memref<1x768x1024xf32, #tpu.memory_space<any>> -> memref<768x1024xf32, #tpu.memory_space<any>>
      tpu.enqueue_dma source(%dma_start3A_87 : memref<768x1024xf32, #tpu.memory_space<any>>) target(%arg8 : memref<768x1024xf32, #tpu.memory_space<vmem>>) target_semaphore(%arg13 : memref<!tpu.dma_semaphore, #tpu.memory_space<semaphore_mem>>)
      %dma_start3A_88 = arith.constant 0 : i32
      %dma_start3A_89 = arith.constant 0 : i32
      %dma_start3A_90 = arith.constant 0 : i32
      %dma_start3A_91 = tpu.memref_slice %arg5[%dma_start3A_88, %dma_start3A_89, %dma_start3A_90] : memref<8x1024x768xf32, #tpu.memory_space<any>> -> memref<1x1024x768xf32, #tpu.memory_space<any>>
      %dma_start3A_92 = tpu.memref_squeeze %dma_start3A_91 : memref<1x1024x768xf32, #tpu.memory_space<any>> -> memref<1024x768xf32, #tpu.memory_space<any>>
      tpu.enqueue_dma source(%dma_start3A_92 : memref<1024x768xf32, #tpu.memory_space<any>>) target(%arg9 : memref<1024x768xf32, #tpu.memory_space<vmem>>) target_semaphore(%arg13 : memref<!tpu.dma_semaphore, #tpu.memory_space<semaphore_mem>>)
      %dma_start3A_93 = arith.constant 1 : i32
      %dma_start3A_94 = arith.constant 0 : i32
      %dma_start3A_95 = arith.constant 0 : i32
      %dma_start3A_96 = tpu.memref_slice %arg3[%dma_start3A_93, %dma_start3A_94, %dma_start3A_95] : memref<8x768x1024xf32, #tpu.memory_space<any>> -> memref<1x768x1024xf32, #tpu.memory_space<any>>
      %dma_start3A_97 = tpu.memref_squeeze %dma_start3A_96 : memref<1x768x1024xf32, #tpu.memory_space<any>> -> memref<768x1024xf32, #tpu.memory_space<any>>
      tpu.enqueue_dma source(%dma_start3A_97 : memref<768x1024xf32, #tpu.memory_space<any>>) target(%arg10 : memref<768x1024xf32, #tpu.memory_space<vmem>>) target_semaphore(%arg14 : memref<!tpu.dma_semaphore, #tpu.memory_space<semaphore_mem>>)
      %dma_start3A_98 = arith.constant 1 : i32
      %dma_start3A_99 = arith.constant 0 : i32
      %dma_start3A_100 = arith.constant 0 : i32
      %dma_start3A_101 = tpu.memref_slice %arg4[%dma_start3A_98, %dma_start3A_99, %dma_start3A_100] : memref<8x768x1024xf32, #tpu.memory_space<any>> -> memref<1x768x1024xf32, #tpu.memory_space<any>>
      %dma_start3A_102 = tpu.memref_squeeze %dma_start3A_101 : memref<1x768x1024xf32, #tpu.memory_space<any>> -> memref<768x1024xf32, #tpu.memory_space<any>>
      tpu.enqueue_dma source(%dma_start3A_102 : memref<768x1024xf32, #tpu.memory_space<any>>) target(%arg11 : memref<768x1024xf32, #tpu.memory_space<vmem>>) target_semaphore(%arg14 : memref<!tpu.dma_semaphore, #tpu.memory_space<semaphore_mem>>)
      %dma_start3A_103 = arith.constant 1 : i32
      %dma_start3A_104 = arith.constant 0 : i32
      %dma_start3A_105 = arith.constant 0 : i32
      %dma_start3A_106 = tpu.memref_slice %arg5[%dma_start3A_103, %dma_start3A_104, %dma_start3A_105] : memref<8x1024x768xf32, #tpu.memory_space<any>> -> memref<1x1024x768xf32, #tpu.memory_space<any>>
      %dma_start3A_107 = tpu.memref_squeeze %dma_start3A_106 : memref<1x1024x768xf32, #tpu.memory_space<any>> -> memref<1024x768xf32, #tpu.memory_space<any>>
      tpu.enqueue_dma source(%dma_start3A_107 : memref<1024x768xf32, #tpu.memory_space<any>>) target(%arg12 : memref<1024x768xf32, #tpu.memory_space<vmem>>) target_semaphore(%arg14 : memref<!tpu.dma_semaphore, #tpu.memory_space<semaphore_mem>>)
    } else {
    }
    %add3A = arith.constant 1 : i32
    %add3A_7 = arith.addi %get3A_1, %add3A : i32
    %eq3A_8 = arith.constant 1 : i32
    %eq3A_9 = arith.cmpi eq, %get3A_4, %eq3A_8 : i32
    %gt3A = arith.constant 0 : i32
    %gt3A_10 = arith.cmpi sgt, %arg0, %gt3A : i32
    %and3A = arith.andi %eq3A_9, %gt3A_10 : i1
    %lt3A = arith.constant 7 : i32
    %lt3A_11 = arith.cmpi slt, %get3A_1, %lt3A : i32
    %and3A_12 = arith.andi %and3A, %lt3A_11 : i1
    %rem3A = arith.constant 2 : i32
    %rem3A_13 = arith.remsi %add3A_7, %rem3A : i32
    %eq3A_14 = arith.constant 0 : i32
    %eq3A_15 = arith.cmpi eq, %rem3A_13, %eq3A_14 : i32
    %and3A_16 = arith.andi %and3A_12, %eq3A_15 : i1
    %convert_element_type3A_17 = arith.extui %and3A_16 : i1 to i32
    %cond3A_18 = arith.constant 0 : i32
    %cond3A_19 = arith.cmpi ne, %convert_element_type3A_17, %cond3A_18 : i32
    scf.if %cond3A_19 {
      %dma_start3A = arith.constant 0 : i32
      %dma_start3A_79 = arith.constant 0 : i32
      %dma_start3A_80 = tpu.memref_slice %arg3[%add3A_7, %dma_start3A, %dma_start3A_79] : memref<8x768x1024xf32, #tpu.memory_space<any>> -> memref<1x768x1024xf32, #tpu.memory_space<any>>
      %dma_start3A_81 = tpu.memref_squeeze %dma_start3A_80 : memref<1x768x1024xf32, #tpu.memory_space<any>> -> memref<768x1024xf32, #tpu.memory_space<any>>
      tpu.enqueue_dma source(%dma_start3A_81 : memref<768x1024xf32, #tpu.memory_space<any>>) target(%arg7 : memref<768x1024xf32, #tpu.memory_space<vmem>>) target_semaphore(%arg13 : memref<!tpu.dma_semaphore, #tpu.memory_space<semaphore_mem>>)
      %dma_start3A_82 = arith.constant 0 : i32
      %dma_start3A_83 = arith.constant 0 : i32
      %dma_start3A_84 = tpu.memref_slice %arg4[%add3A_7, %dma_start3A_82, %dma_start3A_83] : memref<8x768x1024xf32, #tpu.memory_space<any>> -> memref<1x768x1024xf32, #tpu.memory_space<any>>
      %dma_start3A_85 = tpu.memref_squeeze %dma_start3A_84 : memref<1x768x1024xf32, #tpu.memory_space<any>> -> memref<768x1024xf32, #tpu.memory_space<any>>
      tpu.enqueue_dma source(%dma_start3A_85 : memref<768x1024xf32, #tpu.memory_space<any>>) target(%arg8 : memref<768x1024xf32, #tpu.memory_space<vmem>>) target_semaphore(%arg13 : memref<!tpu.dma_semaphore, #tpu.memory_space<semaphore_mem>>)
      %dma_start3A_86 = arith.constant 0 : i32
      %dma_start3A_87 = arith.constant 0 : i32
      %dma_start3A_88 = tpu.memref_slice %arg5[%add3A_7, %dma_start3A_86, %dma_start3A_87] : memref<8x1024x768xf32, #tpu.memory_space<any>> -> memref<1x1024x768xf32, #tpu.memory_space<any>>
      %dma_start3A_89 = tpu.memref_squeeze %dma_start3A_88 : memref<1x1024x768xf32, #tpu.memory_space<any>> -> memref<1024x768xf32, #tpu.memory_space<any>>
      tpu.enqueue_dma source(%dma_start3A_89 : memref<1024x768xf32, #tpu.memory_space<any>>) target(%arg9 : memref<1024x768xf32, #tpu.memory_space<vmem>>) target_semaphore(%arg13 : memref<!tpu.dma_semaphore, #tpu.memory_space<semaphore_mem>>)
    } else {
    }
    %eq3A_20 = arith.constant 1 : i32
    %eq3A_21 = arith.cmpi eq, %get3A_4, %eq3A_20 : i32
    %gt3A_22 = arith.constant 0 : i32
    %gt3A_23 = arith.cmpi sgt, %arg0, %gt3A_22 : i32
    %and3A_24 = arith.andi %eq3A_21, %gt3A_23 : i1
    %lt3A_25 = arith.constant 7 : i32
    %lt3A_26 = arith.cmpi slt, %get3A_1, %lt3A_25 : i32
    %and3A_27 = arith.andi %and3A_24, %lt3A_26 : i1
    %rem3A_28 = arith.constant 2 : i32
    %rem3A_29 = arith.remsi %add3A_7, %rem3A_28 : i32
    %eq3A_30 = arith.constant 1 : i32
    %eq3A_31 = arith.cmpi eq, %rem3A_29, %eq3A_30 : i32
    %and3A_32 = arith.andi %and3A_27, %eq3A_31 : i1
    %convert_element_type3A_33 = arith.extui %and3A_32 : i1 to i32
    %cond3A_34 = arith.constant 0 : i32
    %cond3A_35 = arith.cmpi ne, %convert_element_type3A_33, %cond3A_34 : i32
    scf.if %cond3A_35 {
      %dma_start3A = arith.constant 0 : i32
      %dma_start3A_79 = arith.constant 0 : i32
      %dma_start3A_80 = tpu.memref_slice %arg3[%add3A_7, %dma_start3A, %dma_start3A_79] : memref<8x768x1024xf32, #tpu.memory_space<any>> -> memref<1x768x1024xf32, #tpu.memory_space<any>>
      %dma_start3A_81 = tpu.memref_squeeze %dma_start3A_80 : memref<1x768x1024xf32, #tpu.memory_space<any>> -> memref<768x1024xf32, #tpu.memory_space<any>>
      tpu.enqueue_dma source(%dma_start3A_81 : memref<768x1024xf32, #tpu.memory_space<any>>) target(%arg10 : memref<768x1024xf32, #tpu.memory_space<vmem>>) target_semaphore(%arg14 : memref<!tpu.dma_semaphore, #tpu.memory_space<semaphore_mem>>)
      %dma_start3A_82 = arith.constant 0 : i32
      %dma_start3A_83 = arith.constant 0 : i32
      %dma_start3A_84 = tpu.memref_slice %arg4[%add3A_7, %dma_start3A_82, %dma_start3A_83] : memref<8x768x1024xf32, #tpu.memory_space<any>> -> memref<1x768x1024xf32, #tpu.memory_space<any>>
      %dma_start3A_85 = tpu.memref_squeeze %dma_start3A_84 : memref<1x768x1024xf32, #tpu.memory_space<any>> -> memref<768x1024xf32, #tpu.memory_space<any>>
      tpu.enqueue_dma source(%dma_start3A_85 : memref<768x1024xf32, #tpu.memory_space<any>>) target(%arg11 : memref<768x1024xf32, #tpu.memory_space<vmem>>) target_semaphore(%arg14 : memref<!tpu.dma_semaphore, #tpu.memory_space<semaphore_mem>>)
      %dma_start3A_86 = arith.constant 0 : i32
      %dma_start3A_87 = arith.constant 0 : i32
      %dma_start3A_88 = tpu.memref_slice %arg5[%add3A_7, %dma_start3A_86, %dma_start3A_87] : memref<8x1024x768xf32, #tpu.memory_space<any>> -> memref<1x1024x768xf32, #tpu.memory_space<any>>
      %dma_start3A_89 = tpu.memref_squeeze %dma_start3A_88 : memref<1x1024x768xf32, #tpu.memory_space<any>> -> memref<1024x768xf32, #tpu.memory_space<any>>
      tpu.enqueue_dma source(%dma_start3A_89 : memref<1024x768xf32, #tpu.memory_space<any>>) target(%arg12 : memref<1024x768xf32, #tpu.memory_space<vmem>>) target_semaphore(%arg14 : memref<!tpu.dma_semaphore, #tpu.memory_space<semaphore_mem>>)
    } else {
    }
    %eq3A_36 = arith.constant 1 : i32
    %eq3A_37 = arith.cmpi eq, %get3A_4, %eq3A_36 : i32
    %rem3A_38 = arith.constant 2 : i32
    %rem3A_39 = arith.remsi %get3A_1, %rem3A_38 : i32
    %eq3A_40 = arith.constant 0 : i32
    %eq3A_41 = arith.cmpi eq, %rem3A_39, %eq3A_40 : i32
    %and3A_42 = arith.andi %eq3A_37, %eq3A_41 : i1
    %convert_element_type3A_43 = arith.extui %and3A_42 : i1 to i32
    %cond3A_44 = arith.constant 0 : i32
    %cond3A_45 = arith.cmpi ne, %convert_element_type3A_43, %cond3A_44 : i32
    scf.if %cond3A_45 {
      %dma_wait3A = arith.constant 0 : i32
      %dma_wait3A_79 = arith.constant 0 : i32
      %dma_wait3A_80 = arith.constant 0 : i32
      %dma_wait3A_81 = tpu.memref_slice %arg3[%dma_wait3A, %dma_wait3A_79, %dma_wait3A_80] : memref<8x768x1024xf32, #tpu.memory_space<any>> -> memref<1x768x1024xf32, #tpu.memory_space<any>>
      %dma_wait3A_82 = tpu.memref_squeeze %dma_wait3A_81 : memref<1x768x1024xf32, #tpu.memory_space<any>> -> memref<768x1024xf32, #tpu.memory_space<any>>
      tpu.wait_dma2 semaphore(%arg13 : memref<!tpu.dma_semaphore, #tpu.memory_space<semaphore_mem>>) src(%dma_wait3A_82 : memref<768x1024xf32, #tpu.memory_space<any>>) dst(%arg7 : memref<768x1024xf32, #tpu.memory_space<vmem>>)
      %dma_wait3A_83 = arith.constant 0 : i32
      %dma_wait3A_84 = arith.constant 0 : i32
      %dma_wait3A_85 = arith.constant 0 : i32
      %dma_wait3A_86 = tpu.memref_slice %arg4[%dma_wait3A_83, %dma_wait3A_84, %dma_wait3A_85] : memref<8x768x1024xf32, #tpu.memory_space<any>> -> memref<1x768x1024xf32, #tpu.memory_space<any>>
      %dma_wait3A_87 = tpu.memref_squeeze %dma_wait3A_86 : memref<1x768x1024xf32, #tpu.memory_space<any>> -> memref<768x1024xf32, #tpu.memory_space<any>>
      tpu.wait_dma2 semaphore(%arg13 : memref<!tpu.dma_semaphore, #tpu.memory_space<semaphore_mem>>) src(%dma_wait3A_87 : memref<768x1024xf32, #tpu.memory_space<any>>) dst(%arg8 : memref<768x1024xf32, #tpu.memory_space<vmem>>)
      %dma_wait3A_88 = arith.constant 0 : i32
      %dma_wait3A_89 = arith.constant 0 : i32
      %dma_wait3A_90 = arith.constant 0 : i32
      %dma_wait3A_91 = tpu.memref_slice %arg5[%dma_wait3A_88, %dma_wait3A_89, %dma_wait3A_90] : memref<8x1024x768xf32, #tpu.memory_space<any>> -> memref<1x1024x768xf32, #tpu.memory_space<any>>
      %dma_wait3A_92 = tpu.memref_squeeze %dma_wait3A_91 : memref<1x1024x768xf32, #tpu.memory_space<any>> -> memref<1024x768xf32, #tpu.memory_space<any>>
      tpu.wait_dma2 semaphore(%arg13 : memref<!tpu.dma_semaphore, #tpu.memory_space<semaphore_mem>>) src(%dma_wait3A_92 : memref<1024x768xf32, #tpu.memory_space<any>>) dst(%arg9 : memref<1024x768xf32, #tpu.memory_space<vmem>>)
    } else {
    }
    %eq3A_46 = arith.constant 1 : i32
    %eq3A_47 = arith.cmpi eq, %get3A_4, %eq3A_46 : i32
    %rem3A_48 = arith.constant 2 : i32
    %rem3A_49 = arith.remsi %get3A_1, %rem3A_48 : i32
    %eq3A_50 = arith.constant 1 : i32
    %eq3A_51 = arith.cmpi eq, %rem3A_49, %eq3A_50 : i32
    %and3A_52 = arith.andi %eq3A_47, %eq3A_51 : i1
    %convert_element_type3A_53 = arith.extui %and3A_52 : i1 to i32
    %cond3A_54 = arith.constant 0 : i32
    %cond3A_55 = arith.cmpi ne, %convert_element_type3A_53, %cond3A_54 : i32
    scf.if %cond3A_55 {
      %dma_wait3A = arith.constant 0 : i32
      %dma_wait3A_79 = arith.constant 0 : i32
      %dma_wait3A_80 = arith.constant 0 : i32
      %dma_wait3A_81 = tpu.memref_slice %arg3[%dma_wait3A, %dma_wait3A_79, %dma_wait3A_80] : memref<8x768x1024xf32, #tpu.memory_space<any>> -> memref<1x768x1024xf32, #tpu.memory_space<any>>
      %dma_wait3A_82 = tpu.memref_squeeze %dma_wait3A_81 : memref<1x768x1024xf32, #tpu.memory_space<any>> -> memref<768x1024xf32, #tpu.memory_space<any>>
      tpu.wait_dma2 semaphore(%arg14 : memref<!tpu.dma_semaphore, #tpu.memory_space<semaphore_mem>>) src(%dma_wait3A_82 : memref<768x1024xf32, #tpu.memory_space<any>>) dst(%arg10 : memref<768x1024xf32, #tpu.memory_space<vmem>>)
      %dma_wait3A_83 = arith.constant 0 : i32
      %dma_wait3A_84 = arith.constant 0 : i32
      %dma_wait3A_85 = arith.constant 0 : i32
      %dma_wait3A_86 = tpu.memref_slice %arg4[%dma_wait3A_83, %dma_wait3A_84, %dma_wait3A_85] : memref<8x768x1024xf32, #tpu.memory_space<any>> -> memref<1x768x1024xf32, #tpu.memory_space<any>>
      %dma_wait3A_87 = tpu.memref_squeeze %dma_wait3A_86 : memref<1x768x1024xf32, #tpu.memory_space<any>> -> memref<768x1024xf32, #tpu.memory_space<any>>
      tpu.wait_dma2 semaphore(%arg14 : memref<!tpu.dma_semaphore, #tpu.memory_space<semaphore_mem>>) src(%dma_wait3A_87 : memref<768x1024xf32, #tpu.memory_space<any>>) dst(%arg11 : memref<768x1024xf32, #tpu.memory_space<vmem>>)
      %dma_wait3A_88 = arith.constant 0 : i32
      %dma_wait3A_89 = arith.constant 0 : i32
      %dma_wait3A_90 = arith.constant 0 : i32
      %dma_wait3A_91 = tpu.memref_slice %arg5[%dma_wait3A_88, %dma_wait3A_89, %dma_wait3A_90] : memref<8x1024x768xf32, #tpu.memory_space<any>> -> memref<1x1024x768xf32, #tpu.memory_space<any>>
      %dma_wait3A_92 = tpu.memref_squeeze %dma_wait3A_91 : memref<1x1024x768xf32, #tpu.memory_space<any>> -> memref<1024x768xf32, #tpu.memory_space<any>>
      tpu.wait_dma2 semaphore(%arg14 : memref<!tpu.dma_semaphore, #tpu.memory_space<semaphore_mem>>) src(%dma_wait3A_92 : memref<1024x768xf32, #tpu.memory_space<any>>) dst(%arg12 : memref<1024x768xf32, #tpu.memory_space<vmem>>)
    } else {
    }
    %get3A_56 = arith.constant 0 : index
    %get3A_57 = arith.constant 0 : index
    %get3A_58 = vector.load %arg2[%get3A_56, %get3A_57] : memref<256x384xi32, #tpu.memory_space<vmem>>, vector<256x384xi32>
    %shift_left3A = arith.constant 16 : i32
    %shift_left3A_59 = vector.broadcast %shift_left3A : i32 to vector<256x384xi32>
    %shift_left3A_60 = arith.shli %get3A_58, %shift_left3A_59 : vector<256x384xi32>
    %bitcast_convert_type3A = tpu.bitcast %shift_left3A_60 : vector<256x384xi32> -> vector<256x384xf32>
    %and3A_61 = arith.constant -65536 : i32
    %and3A_62 = vector.broadcast %and3A_61 : i32 to vector<256x384xi32>
    %and3A_63 = arith.andi %get3A_58, %and3A_62 : vector<256x384xi32>
    %bitcast_convert_type3A_64 = tpu.bitcast %and3A_63 : vector<256x384xi32> -> vector<256x384xf32>
    %concatenate3A = tpu.concatenate %bitcast_convert_type3A, %bitcast_convert_type3A_64 in 1 : vector<256x384xf32>, vector<256x384xf32> -> vector<256x768xf32>
    %rem3A_65 = arith.constant 2 : i32
    %rem3A_66 = arith.remsi %get3A_1, %rem3A_65 : i32
    %eq3A_67 = arith.constant 0 : i32
    %eq3A_68 = arith.cmpi eq, %rem3A_66, %eq3A_67 : i32
    %convert_element_type3A_69 = arith.extui %eq3A_68 : i1 to i32
    %cond3A_70 = arith.constant 0 : i32
    %cond3A_71 = arith.cmpi ne, %convert_element_type3A_69, %cond3A_70 : i32
    scf.if %cond3A_71 {
      %get3A_79 = arith.constant 0 : index
      %get3A_80 = arith.constant 0 : index
      %get3A_81 = vector.load %arg7[%get3A_79, %get3A_80] : memref<768x1024xf32, #tpu.memory_space<vmem>>, vector<768x1024xf32>
      %dot_general3A = arith.constant dense<0.000000e+00> : vector<256x1024xf32>
      %dot_general3A_82 = tpu.matmul %concatenate3A, %get3A_81, %dot_general3A {dimension_numbers = #tpu.dot_dimension_numbers<[1], [0], [0], [1], [0, 0, 1, 1], [], []>, transpose_lhs_hint = false} : vector<256x768xf32>, vector<768x1024xf32>, vector<256x1024xf32> -> vector<256x1024xf32>
      %get3A_83 = arith.constant 0 : index
      %get3A_84 = arith.constant 0 : index
      %get3A_85 = vector.load %arg8[%get3A_83, %get3A_84] : memref<768x1024xf32, #tpu.memory_space<vmem>>, vector<768x1024xf32>
      %dot_general3A_86 = arith.constant dense<0.000000e+00> : vector<256x1024xf32>
      %dot_general3A_87 = tpu.matmul %concatenate3A, %get3A_85, %dot_general3A_86 {dimension_numbers = #tpu.dot_dimension_numbers<[1], [0], [0], [1], [0, 0, 1, 1], [], []>, transpose_lhs_hint = false} : vector<256x768xf32>, vector<768x1024xf32>, vector<256x1024xf32> -> vector<256x1024xf32>
      %neg3A = arith.constant 0.000000e+00 : f32
      %neg3A_88 = vector.broadcast %neg3A : f32 to vector<256x1024xf32>
      %neg3A_89 = arith.subf %neg3A_88, %dot_general3A_82 : vector<256x1024xf32>
      %exp3A = math.exp %neg3A_89 : vector<256x1024xf32>
      %add3A_90 = arith.constant 1.000000e+00 : f32
      %add3A_91 = vector.broadcast %add3A_90 : f32 to vector<256x1024xf32>
      %add3A_92 = arith.addf %add3A_91, %exp3A : vector<256x1024xf32>
      %div3A = arith.divf %dot_general3A_82, %add3A_92 : vector<256x1024xf32>
      %mul3A = arith.mulf %div3A, %dot_general3A_87 : vector<256x1024xf32>
      %get3A_93 = arith.constant 0 : index
      %get3A_94 = arith.constant 0 : index
      %get3A_95 = vector.load %arg9[%get3A_93, %get3A_94] : memref<1024x768xf32, #tpu.memory_space<vmem>>, vector<1024x768xf32>
      %dot_general3A_96 = arith.constant dense<0.000000e+00> : vector<256x768xf32>
      %dot_general3A_97 = tpu.matmul %mul3A, %get3A_95, %dot_general3A_96 {dimension_numbers = #tpu.dot_dimension_numbers<[1], [0], [0], [1], [0, 0, 1, 1], [], []>, transpose_lhs_hint = false} : vector<256x1024xf32>, vector<1024x768xf32>, vector<256x768xf32> -> vector<256x768xf32>
      %bitcast_convert_type3A_98 = tpu.bitcast %dot_general3A_97 : vector<256x768xf32> -> vector<256x768xi32>
      %add3A_99 = arith.constant 32767 : i32
      %add3A_100 = vector.broadcast %add3A_99 : i32 to vector<256x768xi32>
      %add3A_101 = arith.addi %bitcast_convert_type3A_98, %add3A_100 : vector<256x768xi32>
      %shift_right_logical3A = arith.constant 16 : i32
      %shift_right_logical3A_102 = vector.broadcast %shift_right_logical3A : i32 to vector<256x768xi32>
      %shift_right_logical3A_103 = arith.shrui %bitcast_convert_type3A_98, %shift_right_logical3A_102 : vector<256x768xi32>
      %jit3A = arith.constant 2 : i32
      %eq3A_104 = arith.constant 0 : i32
      %eq3A_105 = arith.cmpi eq, %jit3A, %eq3A_104 : i32
      %jit3A_106 = arith.constant 1 : i32
      %select_n3A = arith.select %eq3A_105, %jit3A_106, %jit3A : i32
      %rem3A_107 = vector.broadcast %select_n3A : i32 to vector<256x768xi32>
      %rem3A_108 = arith.remsi %shift_right_logical3A_103, %rem3A_107 : vector<256x768xi32>
      %ne3A = arith.constant 0 : i32
      %ne3A_109 = vector.broadcast %ne3A : i32 to vector<256x768xi32>
      %ne3A_110 = arith.cmpi ne, %rem3A_108, %ne3A_109 : vector<256x768xi32>
      %lt3A_111 = arith.constant 0 : i32
      %lt3A_112 = vector.broadcast %lt3A_111 : i32 to vector<256x768xi32>
      %lt3A_113 = arith.cmpi slt, %rem3A_108, %lt3A_112 : vector<256x768xi32>
      %lt3A_114 = arith.constant 0 : i32
      %lt3A_115 = arith.cmpi slt, %select_n3A, %lt3A_114 : i32
      %ne3A_116 = vector.broadcast %lt3A_115 : i1 to vector<256x768xi1>
      %ne3A_117 = vector.broadcast %ne3A_116 : vector<256x768xi1> to vector<256x768xi1>
      %ne3A_118 = arith.xori %lt3A_113, %ne3A_117 : vector<256x768xi1>
      %and3A_119 = arith.andi %ne3A_118, %ne3A_110 : vector<256x768xi1>
      %add3A_120 = vector.broadcast %select_n3A : i32 to vector<256x768xi32>
      %add3A_121 = arith.addi %rem3A_108, %add3A_120 : vector<256x768xi32>
      %select_n3A_122 = arith.select %and3A_119, %add3A_121, %rem3A_108 : vector<256x768xi1>, vector<256x768xi32>
      %add3A_123 = arith.addi %add3A_101, %select_n3A_122 : vector<256x768xi32>
      %shift_right_logical3A_124 = arith.constant 16 : i32
      %shift_right_logical3A_125 = vector.broadcast %shift_right_logical3A_124 : i32 to vector<256x768xi32>
      %shift_right_logical3A_126 = arith.shrui %add3A_123, %shift_right_logical3A_125 : vector<256x768xi32>
      %slice3A = vector.extract_strided_slice %shift_right_logical3A_126 {offsets = [0, 0], sizes = [256, 384], strides = [1, 1]} : vector<256x768xi32> to vector<256x384xi32>
      %and3A_127 = arith.constant 65535 : i32
      %and3A_128 = vector.broadcast %and3A_127 : i32 to vector<256x384xi32>
      %and3A_129 = arith.andi %slice3A, %and3A_128 : vector<256x384xi32>
      %slice3A_130 = vector.extract_strided_slice %shift_right_logical3A_126 {offsets = [0, 384], sizes = [256, 384], strides = [1, 1]} : vector<256x768xi32> to vector<256x384xi32>
      %shift_left3A_131 = arith.constant 16 : i32
      %shift_left3A_132 = vector.broadcast %shift_left3A_131 : i32 to vector<256x384xi32>
      %shift_left3A_133 = arith.shli %slice3A_130, %shift_left3A_132 : vector<256x384xi32>
      %or3A = arith.ori %and3A_129, %shift_left3A_133 : vector<256x384xi32>
      %swap3A = arith.constant 0 : index
      %swap3A_134 = arith.constant 0 : index
      %swap3A_135 = vector.load %arg6[%swap3A, %swap3A_134] : memref<256x384xi32, #tpu.memory_space<vmem>>, vector<256x384xi32>
      tpu.vector_store %arg6[%swap3A, %swap3A_134], %or3A {strides = array<i32>} : memref<256x384xi32, #tpu.memory_space<vmem>>, vector<256x384xi32>,
    } else {
    }
    %rem3A_72 = arith.constant 2 : i32
    %rem3A_73 = arith.remsi %get3A_1, %rem3A_72 : i32
    %eq3A_74 = arith.constant 1 : i32
    %eq3A_75 = arith.cmpi eq, %rem3A_73, %eq3A_74 : i32
    %convert_element_type3A_76 = arith.extui %eq3A_75 : i1 to i32
    %cond3A_77 = arith.constant 0 : i32
    %cond3A_78 = arith.cmpi ne, %convert_element_type3A_76, %cond3A_77 : i32
    scf.if %cond3A_78 {
      %get3A_79 = arith.constant 0 : index
      %get3A_80 = arith.constant 0 : index
      %get3A_81 = vector.load %arg10[%get3A_79, %get3A_80] : memref<768x1024xf32, #tpu.memory_space<vmem>>, vector<768x1024xf32>
      %dot_general3A = arith.constant dense<0.000000e+00> : vector<256x1024xf32>
      %dot_general3A_82 = tpu.matmul %concatenate3A, %get3A_81, %dot_general3A {dimension_numbers = #tpu.dot_dimension_numbers<[1], [0], [0], [1], [0, 0, 1, 1], [], []>, transpose_lhs_hint = false} : vector<256x768xf32>, vector<768x1024xf32>, vector<256x1024xf32> -> vector<256x1024xf32>
      %get3A_83 = arith.constant 0 : index
      %get3A_84 = arith.constant 0 : index
      %get3A_85 = vector.load %arg11[%get3A_83, %get3A_84] : memref<768x1024xf32, #tpu.memory_space<vmem>>, vector<768x1024xf32>
      %dot_general3A_86 = arith.constant dense<0.000000e+00> : vector<256x1024xf32>
      %dot_general3A_87 = tpu.matmul %concatenate3A, %get3A_85, %dot_general3A_86 {dimension_numbers = #tpu.dot_dimension_numbers<[1], [0], [0], [1], [0, 0, 1, 1], [], []>, transpose_lhs_hint = false} : vector<256x768xf32>, vector<768x1024xf32>, vector<256x1024xf32> -> vector<256x1024xf32>
      %neg3A = arith.constant 0.000000e+00 : f32
      %neg3A_88 = vector.broadcast %neg3A : f32 to vector<256x1024xf32>
      %neg3A_89 = arith.subf %neg3A_88, %dot_general3A_82 : vector<256x1024xf32>
      %exp3A = math.exp %neg3A_89 : vector<256x1024xf32>
      %add3A_90 = arith.constant 1.000000e+00 : f32
      %add3A_91 = vector.broadcast %add3A_90 : f32 to vector<256x1024xf32>
      %add3A_92 = arith.addf %add3A_91, %exp3A : vector<256x1024xf32>
      %div3A = arith.divf %dot_general3A_82, %add3A_92 : vector<256x1024xf32>
      %mul3A = arith.mulf %div3A, %dot_general3A_87 : vector<256x1024xf32>
      %get3A_93 = arith.constant 0 : index
      %get3A_94 = arith.constant 0 : index
      %get3A_95 = vector.load %arg12[%get3A_93, %get3A_94] : memref<1024x768xf32, #tpu.memory_space<vmem>>, vector<1024x768xf32>
      %dot_general3A_96 = arith.constant dense<0.000000e+00> : vector<256x768xf32>
      %dot_general3A_97 = tpu.matmul %mul3A, %get3A_95, %dot_general3A_96 {dimension_numbers = #tpu.dot_dimension_numbers<[1], [0], [0], [1], [0, 0, 1, 1], [], []>, transpose_lhs_hint = false} : vector<256x1024xf32>, vector<1024x768xf32>, vector<256x768xf32> -> vector<256x768xf32>
      %bitcast_convert_type3A_98 = tpu.bitcast %dot_general3A_97 : vector<256x768xf32> -> vector<256x768xi32>
      %add3A_99 = arith.constant 32767 : i32
      %add3A_100 = vector.broadcast %add3A_99 : i32 to vector<256x768xi32>
      %add3A_101 = arith.addi %bitcast_convert_type3A_98, %add3A_100 : vector<256x768xi32>
      %shift_right_logical3A = arith.constant 16 : i32
      %shift_right_logical3A_102 = vector.broadcast %shift_right_logical3A : i32 to vector<256x768xi32>
      %shift_right_logical3A_103 = arith.shrui %bitcast_convert_type3A_98, %shift_right_logical3A_102 : vector<256x768xi32>
      %jit3A = arith.constant 2 : i32
      %eq3A_104 = arith.constant 0 : i32
      %eq3A_105 = arith.cmpi eq, %jit3A, %eq3A_104 : i32
      %jit3A_106 = arith.constant 1 : i32
      %select_n3A = arith.select %eq3A_105, %jit3A_106, %jit3A : i32
      %rem3A_107 = vector.broadcast %select_n3A : i32 to vector<256x768xi32>
      %rem3A_108 = arith.remsi %shift_right_logical3A_103, %rem3A_107 : vector<256x768xi32>
      %ne3A = arith.constant 0 : i32
      %ne3A_109 = vector.broadcast %ne3A : i32 to vector<256x768xi32>
      %ne3A_110 = arith.cmpi ne, %rem3A_108, %ne3A_109 : vector<256x768xi32>
      %lt3A_111 = arith.constant 0 : i32
      %lt3A_112 = vector.broadcast %lt3A_111 : i32 to vector<256x768xi32>
      %lt3A_113 = arith.cmpi slt, %rem3A_108, %lt3A_112 : vector<256x768xi32>
      %lt3A_114 = arith.constant 0 : i32
      %lt3A_115 = arith.cmpi slt, %select_n3A, %lt3A_114 : i32
      %ne3A_116 = vector.broadcast %lt3A_115 : i1 to vector<256x768xi1>
      %ne3A_117 = vector.broadcast %ne3A_116 : vector<256x768xi1> to vector<256x768xi1>
      %ne3A_118 = arith.xori %lt3A_113, %ne3A_117 : vector<256x768xi1>
      %and3A_119 = arith.andi %ne3A_118, %ne3A_110 : vector<256x768xi1>
      %add3A_120 = vector.broadcast %select_n3A : i32 to vector<256x768xi32>
      %add3A_121 = arith.addi %rem3A_108, %add3A_120 : vector<256x768xi32>
      %select_n3A_122 = arith.select %and3A_119, %add3A_121, %rem3A_108 : vector<256x768xi1>, vector<256x768xi32>
      %add3A_123 = arith.addi %add3A_101, %select_n3A_122 : vector<256x768xi32>
      %shift_right_logical3A_124 = arith.constant 16 : i32
      %shift_right_logical3A_125 = vector.broadcast %shift_right_logical3A_124 : i32 to vector<256x768xi32>
      %shift_right_logical3A_126 = arith.shrui %add3A_123, %shift_right_logical3A_125 : vector<256x768xi32>
      %slice3A = vector.extract_strided_slice %shift_right_logical3A_126 {offsets = [0, 0], sizes = [256, 384], strides = [1, 1]} : vector<256x768xi32> to vector<256x384xi32>
      %and3A_127 = arith.constant 65535 : i32
      %and3A_128 = vector.broadcast %and3A_127 : i32 to vector<256x384xi32>
      %and3A_129 = arith.andi %slice3A, %and3A_128 : vector<256x384xi32>
      %slice3A_130 = vector.extract_strided_slice %shift_right_logical3A_126 {offsets = [0, 384], sizes = [256, 384], strides = [1, 1]} : vector<256x768xi32> to vector<256x384xi32>
      %shift_left3A_131 = arith.constant 16 : i32
      %shift_left3A_132 = vector.broadcast %shift_left3A_131 : i32 to vector<256x384xi32>
      %shift_left3A_133 = arith.shli %slice3A_130, %shift_left3A_132 : vector<256x384xi32>
      %or3A = arith.ori %and3A_129, %shift_left3A_133 : vector<256x384xi32>
      %swap3A = arith.constant 0 : index
      %swap3A_134 = arith.constant 0 : index
      %swap3A_135 = vector.load %arg6[%swap3A, %swap3A_134] : memref<256x384xi32, #tpu.memory_space<vmem>>, vector<256x384xi32>
      tpu.vector_store %arg6[%swap3A, %swap3A_134], %or3A {strides = array<i32>} : memref<256x384xi32, #tpu.memory_space<vmem>>, vector<256x384xi32>,
    } else {
    }
    return
  }
  func.func @transform_0(%arg0: i32, %arg1: memref<8x24xi32, #tpu.memory_space<smem>>) -> (i32, i32) {
    %c0_i32 = arith.constant 0 : i32
    %c0_i32_0 = arith.constant 0 : i32
    return %arg0, %c0_i32 : i32, i32
  }
  func.func @transform_4(%arg0: i32, %arg1: memref<8x24xi32, #tpu.memory_space<smem>>) -> (i32, i32) {
    %c0_i32 = arith.constant 0 : i32
    %c0_i32_0 = arith.constant 0 : i32
    return %arg0, %c0_i32 : i32, i32
  }
}

</mosaic_0001>

<sc_bundles>
// kernel: kernel.6.cloned.1.call-start
scs
__scs_entry_jumppad:
0x0: {  	(pc) =	sbr.rel $0x88, $3  }
0x1: {  	(tag) =	ssettag $0x0;
	lr =	simm.s32 $0x1  }
0x2: {  	[smem:$0x3F9C] =	sst lr;
	_ =	strace $0xD0000000  }
0x3: {  	_ = 	snop  }
0x4: {  	_ = 	snop  }
0x5: {  	_ = 	snop  }
0x6: {  	_ = 	snop  }
0x7: {  	_ = 	snop  }
__scs_overlays_trampoline_lowered:
0x8: {  	[smem:$0x3FAB] =	sst s0  }
0x9: {  	[smem:$0x3FAC] =	sst s1  }
0xa: {  	[smem:$0x3FAD] =	sst s2  }
0xb: {  	[smem:$0x3FAE] =	sst s3  }
0xc: {  	[smem:$0x3FAF] =	sst s4  }
0xd: {  	[smem:$0x3FB0] =	sst s5  }
0xe: {  	[smem:$0x3FB1] =	sst s6  }
0xf: {  	[smem:$0x3FB2] =	sst s7  }
0x10: {  	[smem:$0x3FB3] =	sst s8  }
0x11: {  	[smem:$0x3FB4] =	sst s9;
	s0 =	simm.s32 @!p0 $0x0  }
0x12: {  	s1 =	sld [smem:$0x3F9A];
	s0 =	simm.s32 @p0 $0x1  }
0x13: {  	[smem:$0x3FB5] =	sst s0;
	s0 =	simm.s32 @!p1 $0x0  }
0x14: {  	s2 =	sld [smem:$0x3F99];
	s0 =	simm.s32 @p1 $0x1  }
0x15: {  	[smem:$0x3FB6] =	sst s0;
	s0 =	simm.s32 @!p2 $0x0  }
0x16: {  	s3 =	sld [smem:$0x3FDB];
	s0 =	simm.s32 @p2 $0x1  }
0x17: {  	s4 =	simm.s32 $0x1BF5;
	[smem:$0x3FB8] =	sst s0  }
0x18: {  	s0 =	sld [smem:$0x3F9B];
	_ =	swait.ge [sflag:s4], $0x0  }
0x19: {  	s7 =	sld [smem:$0x3F9C]  }
0x1a: {  	s8 =	sadd.s32 $0xFFFFE003, lr  }
0x1b: {  	s9 =	sadd.s32 $0xFFFFFEF7, lr;
	s5 =	simm.s32 $0xFFFFFFFF;
	p2 =	slt.u32 s8, $0xFFFFF086  }
0x1c: {  	p1 =	slt.u32 s9, $0xF7A;
	s5 =	simm.s32 @!p2 $0x0  }
0x1d: {  	s5 =	simm.s32 @p1 $0x1;
	p0 =	seq.s32 s7, s2  }
0x1e: {  	s7 =	smul.u32 @!p0 $0xF7A, s2;
	p2 =	seq.s32 @!p0 s5, $0x0  }
0x1f: {  	s9 =	smul.u32 $0xF7A, s1;
	s8 =	simm.s32 @!p0 $0x1BF5;
	p2 =	por !p2, p0  }
0x20: {  	[sflag:s8] =	ssyncset.s32 @!p0 $0xFFFFF086;
	s6 =	sadd.s32 @!p0 s3, s7;
	s7 =	simm.s32 @!p0 $0x108  }
0x21: {  	s3 =	sadd.s32 s3, s9;
	s6 =	sadd.s32 @!p0 $0x88, s6;
	s7 =	simm.s32 @p2 $0x1082  }
0x22: {  	[simem:s7], [sflag:s8] =	dma.local @!p0 [hbm:s6], $0xF7A  }
0x23: {  	s9 =	sor.u32 $0xD0000000, s2;
	s6 =	simm.s32 $0x108;
	_ =	swait.ge @!p0 [sflag:s8], $0x0  }
0x24: {  	s3 =	sadd.s32 $0x88, s3;
	s6 =	simm.s32 @!p1 $0x1082;
	[sflag:s4] =	ssyncset.s32 $0xFFFFF086  }
0x25: {  	[simem:s6], [sflag:s4] =	dma.local [hbm:s3], $0xF7A  }
0x26: {  	[smem:$0x3F9C] =	sst s1;
	(tag) =	ssettag s2;
	_ =	strace s9  }
0x27: {  	s1 =	sld [smem:$0x3FAC]  }
0x28: {  	s2 =	sld [smem:$0x3FAD]  }
0x29: {  	s4 =	sld [smem:$0x3FAF]  }
0x2a: {  	p0 =	seq.s32 s5, $0x0;
	s5 =	sld [smem:$0x3FB0]  }
0x2b: {  	s6 =	sld [smem:$0x3FB1]  }
0x2c: {  	s7 =	sld [smem:$0x3FB2]  }
0x2d: {  	s3 =	simm.s32 $0x108;
	s8 =	sld [smem:$0x3FB3]  }
0x2e: {  	s3 =	simm.s32 @!p0 $0x1082;
	s9 =	sld [smem:$0x3FB4]  }
0x2f: {  	lr =	sadd.s32 s0, s3;
	s0 =	sld [smem:$0x3FAB]  }
0x30: {  	s3 =	sld [smem:$0x3FAE]  }
0x31: {  	[smem:$0x3FB7] =	sst s10  }
0x32: {  	s10 =	sld [smem:$0x3FB5];
	_ =	sdelay $0x3  }
0x33: {  	p0 =	seq.s32 s10, $0x1;
	s10 =	sld [smem:$0x3FB7];
	_ =	sdelay $0x3  }
0x34: {  	[smem:$0x3FB7] =	sst s10  }
0x35: {  	s10 =	sld [smem:$0x3FB6];
	_ =	sdelay $0x3  }
0x36: {  	p1 =	seq.s32 s10, $0x1;
	s10 =	sld [smem:$0x3FB7];
	_ =	sdelay $0x3  }
0x37: {  	[smem:$0x3FB7] =	sst s10  }
0x38: {  	s10 =	sld [smem:$0x3FB8]  }
0x39: {  	_ = 	snop;
	(pc) =	sbr.ind lr, $3  }
0x3a: {  	_ = 	snop  }
0x3b: {  	_ = 	snop  }
0x3c: {  	p2 =	seq.s32 s10, $0x1;
	s10 =	sld [smem:$0x3FB7]  }
0x3d: {  	_ =	shalt  }
0x3e: {  	_ =	shalt  }
0x3f: {  	_ =	shalt  }
0x40: {  	_ =	shalt  }
0x41: {  	_ =	shalt  }
0x42: {  	_ =	shalt  }
0x43: {  	_ =	shalt  }
0x44: {  	_ =	shalt  }
0x45: {  	_ =	shalt  }
0x46: {  	_ =	shalt  }
0x47: {  	_ =	shalt  }
0x48: {  	_ =	shalt  }
0x49: {  	_ =	shalt  }
0x4a: {  	_ =	shalt  }
0x4b: {  	_ =	shalt  }
0x4c: {  	_ =	shalt  }
0x4d: {  	_ =	shalt  }
0x4e: {  	_ =	shalt  }
0x4f: {  	_ =	shalt  }
0x50: {  	_ =	shalt  }
0x51: {  	_ =	shalt  }
0x52: {  	_ =	shalt  }
0x53: {  	_ =	shalt  }
0x54: {  	_ =	shalt  }
0x55: {  	_ =	shalt  }
0x56: {  	_ =	shalt  }
0x57: {  	_ =	shalt  }
0x58: {  	_ =	shalt  }
0x59: {  	_ =	shalt  }
0x5a: {  	_ =	shalt  }
0x5b: {  	_ =	shalt  }
0x5c: {  	_ =	shalt  }
0x5d: {  	_ =	shalt  }
0x5e: {  	_ =	shalt  }
0x5f: {  	_ =	shalt  }
0x60: {  	_ =	shalt  }
0x61: {  	_ =	shalt  }
0x62: {  	_ =	shalt  }
0x63: {  	_ =	shalt  }
0x64: {  	_ =	shalt  }
0x65: {  	_ =	shalt  }
0x66: {  	_ =	shalt  }
0x67: {  	_ =	shalt  }
0x68: {  	_ =	shalt  }
0x69: {  	_ =	shalt  }
0x6a: {  	_ =	shalt  }
0x6b: {  	_ =	shalt  }
0x6c: {  	_ =	shalt  }
0x6d: {  	_ =	shalt  }
0x6e: {  	_ =	shalt  }
0x6f: {  	_ =	shalt  }
0x70: {  	_ =	shalt  }
0x71: {  	_ =	shalt  }
0x72: {  	_ =	shalt  }
0x73: {  	_ =	shalt  }
0x74: {  	_ =	shalt  }
0x75: {  	_ =	shalt  }
0x76: {  	_ =	shalt  }
0x77: {  	_ =	shalt  }
0x78: {  	_ =	shalt  }
0x79: {  	_ =	shalt  }
0x7a: {  	_ =	shalt  }
0x7b: {  	_ =	shalt  }
0x7c: {  	_ =	shalt  }
0x7d: {  	_ =	shalt  }
0x7e: {  	_ =	shalt  }
0x7f: {  	_ =	shalt  }
0x80: {  	_ =	shalt  }
0x81: {  	_ =	shalt  }
0x82: {  	_ =	shalt  }
0x83: {  	_ =	shalt  }
0x84: {  	_ =	shalt  }
0x85: {  	_ =	shalt  }
0x86: {  	_ =	shalt  }
0x87: {  	_ =	shalt  }
.Lfunc_end0:
.L_simem_size_0:
called_computation_lowered:
.L_overlay_start_0:
0x88: {  	s2 =	sld [smem:$0x3FD9]  }
0x89: {  	s3 =	sld [smem:$0x3FFE];
	_ =	sdelay $0x1  }
0x8a: {  	s1 =	srdreg.scid  }
0x8b: {  	s0 =	sand.u32 $0x1, s1  }
0x8c: {  	s17 =	sshll.u32 s0, $0xA;
	s2 =	sadd.s32 s3, s2  }
0x8d: {  	s2 =	sadd.s32 s2, s17  }
0x8e: {  	[smem:$0x3FC3] =	sst s2  }
0x8f: {  	_ = 	snop  }
0x90: {  	s2 =	sld [smem:$0x3FD0];
	(tm) =	ssettm $0x1  }
0x91: {  	s18 =	sld [smem:$0x3FFB];
	_ =	sdelay $0x3  }
0x92: {  	_ =	strace s18  }
0x93: {  	s3 =	sld [smem:$0x3FFC];
	_ =	sdelay $0x3  }
0x94: {  	_ =	strace s3  }
0x95: {  	s3 =	sld [smem:$0x3FFD];
	_ =	sdelay $0x3  }
0x96: {  	_ =	strace s3  }
0x97: {  	_ =	strace $0x8FFFFFFF  }
0x98: {  	s19 =	sld [smem:$0x3FDB];
	_ =	sdelay $0x1  }
0x99: {  	s4 =	simm.s32 $_scs_section_size  }
0x9a: {  	s5 =	simm.s32 $_size__tile_overlayer_lowered;
	s6 =	simm.s32 $_tile_overlayer_lowered  }
0x9b: {  	s22 =	simm.s32 $0x1BFF;
	s21 =	sshll.u32 s6, $0x1;
	s3 =	sadd.s32 s4, s19  }
0x9c: {  	s7 =	simm.s32 $0x0;
	s20 =	sshll.u32 s5, $0x1;
	s5 =	sadd.s32 s21, s3  }
0x9d: {  	[timem:s7], [sflag:s22] =	dma.local [hbm:s5], s20  }
0x9e: {  	_ =	swait.ge [sflag:s22], s20  }
0x9f: {  	s4 =	ssub.s32 $0x0, s20;
	[sflag:s22] =	ssyncset.done $0x0  }
0xa0: {  	[sflag:s22] =	ssyncadd.s32 s4;
	_ =	sdelay $0x1  }
0xa1: {  	s23 =	simm.s32 $0x1B8B  }
0xa2: {  	_ =	swait.ge [sflag:s23], $0x1  }
0xa3: {  	[sflag:s23] =	ssyncset.done $0x0  }
0xa4: {  	s25 =	simm.s32 $0x1B8E;
	s24 =	sld [smem:$0x3FFE];
	[sflag:s23] =	ssyncadd.s32 $0xFFFFFFFF  }
0xa5: {  	s26 =	simm.s32 $execute0_lowered;
	[smem:$0x3FD2] =	sst s25  }
0xa6: {  	s5 =	sshll.u32 s26, $0x1;
	_ =	strace $0x80000046;
	[dreg:$0x1] =	wrdreg $0xFFFFFFFF  }
0xa7: {  	s28 =	simm.s32 $_size_execute0_lowered;
	s3 =	sadd.s32 s3, s5;
	[dreg:$0x0] =	wrdreg $0x0  }
0xa8: {  	s5 =	sshll.u32 s28, $0x1;
	[dreg:$0x2] =	wrdreg s3  }
0xa9: {  	[dreg:$0x3] =	wrdreg s5  }
0xaa: {  	[dreg:$0x4] =	wrdreg $0xC0  }
0xab: {  	_ =	task [dreg:s7], $0x5FFFF  }
0xac: {  	[dreg:$0x1] =	wrdreg $0xFFFFFFFF  }
0xad: {  	[dreg:$0x0] =	wrdreg $0x60  }
0xae: {  	[dreg:$0x2] =	wrdreg s2  }
0xaf: {  	[dreg:$0x3] =	wrdreg s24  }
0xb0: {  	[dreg:$0x4] =	wrdreg $0x9  }
0xb1: {  	_ =	task.clear_ibuf [dreg:s7], $0x5FFFF;
	_ =	strace $0x90000046  }
0xb2: {  	s29 =	simm.s32 $0x9;
	_ =	strace $0x80000048  }
0xb3: {  	_ =	swait.ge [sflag:s29], $0x1  }
0xb4: {  	[sflag:s29] =	ssyncadd.s32 $0xFFFFFFFF  }
0xb5: {  	_ =	strace $0x90000048  }
0xb6: {  	_ =	sfence  }
0xb7: {  	s30 =	sld [smem:$0x0];
	_ =	sdelay $0x2  }
0xb8: {  	s31 =	sshll.u32 s1, $0xD;
	s1 =	sshrl.u32 s1, $0x2  }
0xb9: {  	s3 =	sand.u32 $0x4000, s31;
	s1 =	sadd.s32 s1, s30  }
0xba: {  	s0 =	sor.u32 s3, s0;
	s1 =	sshll.u32 s1, $0x11  }
0xbb: {  	s0 =	sor.u32 s1, s0  }
0xbc: {  	s0 =	sadd.s32 $0x8F2B, s0  }
0xbd: {  	[sflag:s0] =	ssyncadd.remote.s32 $0x1  }
0xbe: {  	_ =	sfence.sel $0xFFFF  }
0xbf: {  	[dreg:$0x0] =	wrdreg $0xFFFFFFFF;
	(pc) =	sbr.abs _section_cstart, $3  }
0xc0: {  	[dreg:$0x1] =	wrdreg $0xFFFFFFFF  }
0xc1: {  	_ =	task.clear_ibuf [dreg:s7], $0x2FFFF;
	_ =	strace $0x9FFFFFFF  }
0xc2: {  	(tm) =	ssettm $0x7FFFFFFF  }
0xc3: {  	_ =	shalt  }
tec
execute0_lowered:
.L_overlay_start_1:
0x0: {  	(tag) =	ssettag $0x1  }
0x1: {  	s4 =	rddreg [dreg:$0x0];
	s0 =	srdreg.scid  }
0x2: {  	s7 =	rddreg [dreg:$0x1];
	s1 =	stileid.u32;
	s2 =	simm.s32 $0x0  }
0x3: {  	s10 =	simm.s32 $0x6000;
	s11 =	simm.s32 $0x6080;
	s12 =	simm.s32 $0x800  }
0x4: {  	s13 =	simm.s32 $0xC00;
	s14 =	simm.s32 $0x1400;
	s15 =	simm.s32 $0x1800  }
0x5: {  	s16 =	simm.s32 $0x2000;
	s17 =	simm.s32 $0x2400;
	s18 =	simm.s32 $0x2C00  }
0x6: {  	s19 =	simm.s32 $0x3000;
	s20 =	simm.s32 $0x3800;
	s21 =	simm.s32 $0x3C00  }
0x7: {  	s22 =	simm.s32 $0x4400;
	s23 =	simm.s32 $0x4800;
	s24 =	simm.s32 $0x5000  }
0x8: {  	s25 =	simm.s32 $0x5400;
	s26 =	simm.s32 $0x5C00;
	s28 =	simm.s32 $0x1  }
0x9: {  	s29 =	simm.s32 $0x2;
	s3 =	sand.u32 $0x1, s0;
	s0 =	rddreg [dreg:$0x2]  }
0xa: {  	s6 =	sshll.u32 s1, $0x7;
	s8 =	sshll.u32 s1, $0xA;
	[smem:$0x7FF] =	sst s2  }
0xb: {  	s5 =	sshll.u32 s3, $0x6;
	s30 =	ssub.s32 $0x2, s3;
	_ =	strace $0x80000047  }
0xc: {  	s3 =	sadd.s32 $0x12000, s7;
	s6 =	sor.u32 s5, s6;
	s5 =	sor.u32 s5, s8  }
0xd: {  	s31 =	sshrl.u32 s30, $0x1;
	s6 =	sshrl.u32 s6, $0x3;
	s5 =	sshrl.u32 s5, $0x3  }
0xe: {  	v2 =	vlaneseq.u32;
	s8 =	ssub.s32 s30, s31;
	s6 =	smul.u32 $0x180, s6;
	s9 =	sadd.s32 s5, s7  }
0xf: {  	vm0 =	vmmov $0xffff;
	vm1 =	vmmov $0xff;
	v1 =	vshrl.u32 v2, $0x3;
	s7 =	sadd.s32 $0x12100, s7;
	s8 =	smax.u32 s8, $0x1;
	s5 =	sadd.s32 $0x1800, s9  }
0x10: {  	v0 =	vand.u32 $0x7, v2;
	v2 =	vor.u32 $0x8, v2;
	v1 =	vmul.u32 $0x8, v1;
	s4 =	sadd.s32 s4, s6;
	s6 =	sadd.s32 $0x1810, s9;
	s9 =	simm.s32 $0x3  }
.LBB2_1:
0x11: {  	[tilespmem:s2], [sflag:$0x3] =	stream.linear.gather [hbm4b:s4+s2], $0x6000, $0x38;
	[tilespmem:$0x6100] =	vst v63  }
0x12: {  	_ =	swait.ge [sflag:s9], $0x6000  }
0x13: {  	[sflag:s9] =	ssyncset.done $0x0  }
0x14: {  	[sflag:s9] =	ssyncadd.s32 $0xFFFFA000  }
0x15: {  	[tilespmem:s10], [sflag:$0x3] =	stream.linear.gather [hbm4b:s5+s2], $0x40, $0x38;
	[tilespmem:$0x6100] =	vst v63  }
0x16: {  	_ =	swait.ge [sflag:s9], $0x40  }
0x17: {  	[sflag:s9] =	ssyncset.done $0x0  }
0x18: {  	[sflag:s9] =	ssyncadd.s32 $0xFFFFFFC0  }
0x19: {  	[tilespmem:s11], [sflag:$0x3] =	stream.linear.gather [hbm4b:s6+s2], $0x40, $0x38;
	[tilespmem:$0x6100] =	vst v63  }
0x1a: {  	_ =	swait.ge [sflag:s9], $0x40  }
0x1b: {  	[sflag:s9] =	ssyncset.done $0x0  }
0x1c: {  	[sflag:s9] =	ssyncadd.s32 $0xFFFFFFC0  }
0x1d: {  	v3 =	vld [tilespmem:$0x6000];
	_ =	sdelay $0x4  }
0x1e: {  	v4 =	vshrl.u32 v3, $0x3  }
0x1f: {  	v4 =	vmul.u32 $0x18, v4  }
0x20: {  	v3 =	vand.u32 $0x7, v3  }
0x21: {  	v3 =	vor.u32 v3, v4  }
0x22: {  	v4 =	vperm.xlane v3, v0;
	_ =	sdelay $0x1  }
0x23: {  	v4 =	vadd.s32 v1, v4;
	_ =	sdelay $0x1  }
0x24: {  	v3 =	vperm.xlane v3, v2;
	_ =	sdelay $0x1  }
0x25: {  	v3 =	vadd.s32 v1, v3  }
0x26: {  	[hbm4b:s3+s2] =	stream.indirect_vreg.scatter [tilespmem:s2], [sflag:$0x1], $0x80, v4, vm0, $0xb8;
	[tilespmem:$0x6100] =	vst v63  }
0x27: {  	_ = 	snop  }
0x28: {  	[hbm4b:s7+s2] =	stream.indirect_vreg.scatter [tilespmem:s12], [sflag:$0x1], $0x80, v4, vm1, $0xb8;
	[tilespmem:$0x6100] =	vst v63  }
0x29: {  	_ = 	snop  }
0x2a: {  	[hbm4b:s3+s2] =	stream.indirect_vreg.scatter [tilespmem:s13], [sflag:$0x1], $0x80, v3, vm0, $0xb8;
	[tilespmem:$0x6100] =	vst v63  }
0x2b: {  	_ = 	snop  }
0x2c: {  	[hbm4b:s7+s2] =	stream.indirect_vreg.scatter [tilespmem:s14], [sflag:$0x1], $0x80, v3, vm1, $0xb8;
	[tilespmem:$0x6100] =	vst v63  }
0x2d: {  	v3 =	vld [tilespmem:$0x6010];
	_ =	sdelay $0x4  }
0x2e: {  	v57 =	vshrl.u32 v3, $0x3  }
0x2f: {  	v4 =	vmul.u32 $0x18, v57  }
0x30: {  	v3 =	vand.u32 $0x7, v3  }
0x31: {  	v3 =	vor.u32 v3, v4  }
0x32: {  	v4 =	vperm.xlane v3, v0;
	_ =	sdelay $0x1  }
0x33: {  	v4 =	vadd.s32 v1, v4;
	_ =	sdelay $0x1  }
0x34: {  	v3 =	vperm.xlane v3, v2;
	_ =	sdelay $0x1  }
0x35: {  	v3 =	vadd.s32 v1, v3  }
0x36: {  	[hbm4b:s3+s2] =	stream.indirect_vreg.scatter [tilespmem:s15], [sflag:$0x1], $0x80, v4, vm0, $0xb8;
	[tilespmem:$0x6100] =	vst v63  }
0x37: {  	_ = 	snop  }
0x38: {  	[hbm4b:s7+s2] =	stream.indirect_vreg.scatter [tilespmem:s16], [sflag:$0x1], $0x80, v4, vm1, $0xb8;
	[tilespmem:$0x6100] =	vst v63  }
0x39: {  	_ = 	snop  }
0x3a: {  	[hbm4b:s3+s2] =	stream.indirect_vreg.scatter [tilespmem:s17], [sflag:$0x1], $0x80, v3, vm0, $0xb8;
	[tilespmem:$0x6100] =	vst v63  }
0x3b: {  	_ = 	snop  }
0x3c: {  	[hbm4b:s7+s2] =	stream.indirect_vreg.scatter [tilespmem:s18], [sflag:$0x1], $0x80, v3, vm1, $0xb8;
	[tilespmem:$0x6100] =	vst v63  }
0x3d: {  	v3 =	vld [tilespmem:$0x6020];
	_ =	sdelay $0x4  }
0x3e: {  	v58 =	vshrl.u32 v3, $0x3  }
0x3f: {  	v4 =	vmul.u32 $0x18, v58  }
0x40: {  	v3 =	vand.u32 $0x7, v3  }
0x41: {  	v3 =	vor.u32 v3, v4  }
0x42: {  	v4 =	vperm.xlane v3, v0;
	_ =	sdelay $0x1  }
0x43: {  	v4 =	vadd.s32 v1, v4;
	_ =	sdelay $0x1  }
0x44: {  	v3 =	vperm.xlane v3, v2;
	_ =	sdelay $0x1  }
0x45: {  	v3 =	vadd.s32 v1, v3  }
0x46: {  	[hbm4b:s3+s2] =	stream.indirect_vreg.scatter [tilespmem:s19], [sflag:$0x1], $0x80, v4, vm0, $0xb8;
	[tilespmem:$0x6100] =	vst v63  }
0x47: {  	_ = 	snop  }
0x48: {  	[hbm4b:s7+s2] =	stream.indirect_vreg.scatter [tilespmem:s20], [sflag:$0x1], $0x80, v4, vm1, $0xb8;
	[tilespmem:$0x6100] =	vst v63  }
0x49: {  	_ = 	snop  }
0x4a: {  	[hbm4b:s3+s2] =	stream.indirect_vreg.scatter [tilespmem:s21], [sflag:$0x1], $0x80, v3, vm0, $0xb8;
	[tilespmem:$0x6100] =	vst v63  }
0x4b: {  	_ = 	snop  }
0x4c: {  	[hbm4b:s7+s2] =	stream.indirect_vreg.scatter [tilespmem:s22], [sflag:$0x1], $0x80, v3, vm1, $0xb8;
	[tilespmem:$0x6100] =	vst v63  }
0x4d: {  	v3 =	vld [tilespmem:$0x6030];
	_ =	sdelay $0x4  }
0x4e: {  	v59 =	vshrl.u32 v3, $0x3  }
0x4f: {  	v4 =	vmul.u32 $0x18, v59  }
0x50: {  	v3 =	vand.u32 $0x7, v3  }
0x51: {  	v3 =	vor.u32 v3, v4  }
0x52: {  	v4 =	vperm.xlane v3, v0;
	_ =	sdelay $0x1  }
0x53: {  	v4 =	vadd.s32 v1, v4;
	_ =	sdelay $0x1  }
0x54: {  	v3 =	vperm.xlane v3, v2;
	_ =	sdelay $0x1  }
0x55: {  	v3 =	vadd.s32 v1, v3  }
0x56: {  	[hbm4b:s3+s2] =	stream.indirect_vreg.scatter [tilespmem:s23], [sflag:$0x1], $0x80, v4, vm0, $0xb8;
	[tilespmem:$0x6100] =	vst v63  }
0x57: {  	_ = 	snop  }
0x58: {  	[hbm4b:s7+s2] =	stream.indirect_vreg.scatter [tilespmem:s24], [sflag:$0x1], $0x80, v4, vm1, $0xb8;
	[tilespmem:$0x6100] =	vst v63  }
0x59: {  	_ = 	snop  }
0x5a: {  	[hbm4b:s3+s2] =	stream.indirect_vreg.scatter [tilespmem:s25], [sflag:$0x1], $0x80, v3, vm0, $0xb8;
	[tilespmem:$0x6100] =	vst v63  }
0x5b: {  	_ = 	snop  }
0x5c: {  	[hbm4b:s7+s2] =	stream.indirect_vreg.scatter [tilespmem:s26], [sflag:$0x1], $0x80, v3, vm1, $0xb8;
	[tilespmem:$0x6100] =	vst v63  }
0x5d: {  	v3 =	vld [tilespmem:$0x6080];
	_ =	sdelay $0x4  }
0x5e: {  	v60 =	vshrl.u32 v3, $0x3  }
0x5f: {  	v4 =	vmul.u32 $0x18, v60  }
0x60: {  	v3 =	vand.u32 $0x7, v3  }
0x61: {  	v3 =	vor.u32 v3, v4  }
0x62: {  	v4 =	vperm.xlane v3, v0;
	_ =	sdelay $0x1  }
0x63: {  	v4 =	vadd.s32 v1, v4;
	_ =	sdelay $0x1  }
0x64: {  	v3 =	vperm.xlane v3, v2;
	_ =	sdelay $0x1  }
0x65: {  	v3 =	vadd.s32 v1, v3  }
0x66: {  	[hbm4b:s3+s2] =	stream.indirect_vreg.scatter [tilespmem:s2], [sflag:$0x2], $0x80, v4, vm0, $0xb8;
	[tilespmem:$0x6100] =	vst v63  }
0x67: {  	_ = 	snop  }
0x68: {  	[hbm4b:s7+s2] =	stream.indirect_vreg.scatter [tilespmem:s12], [sflag:$0x2], $0x80, v4, vm1, $0xb8;
	[tilespmem:$0x6100] =	vst v63  }
0x69: {  	_ = 	snop  }
0x6a: {  	[hbm4b:s3+s2] =	stream.indirect_vreg.scatter [tilespmem:s13], [sflag:$0x2], $0x80, v3, vm0, $0xb8;
	[tilespmem:$0x6100] =	vst v63  }
0x6b: {  	_ = 	snop  }
0x6c: {  	[hbm4b:s7+s2] =	stream.indirect_vreg.scatter [tilespmem:s14], [sflag:$0x2], $0x80, v3, vm1, $0xb8;
	[tilespmem:$0x6100] =	vst v63  }
0x6d: {  	v3 =	vld [tilespmem:$0x6090];
	_ =	sdelay $0x4  }
0x6e: {  	v61 =	vshrl.u32 v3, $0x3  }
0x6f: {  	v4 =	vmul.u32 $0x18, v61  }
0x70: {  	v3 =	vand.u32 $0x7, v3  }
0x71: {  	v3 =	vor.u32 v3, v4  }
0x72: {  	v4 =	vperm.xlane v3, v0;
	_ =	sdelay $0x1  }
0x73: {  	v4 =	vadd.s32 v1, v4;
	_ =	sdelay $0x1  }
0x74: {  	v3 =	vperm.xlane v3, v2;
	_ =	sdelay $0x1  }
0x75: {  	v3 =	vadd.s32 v1, v3  }
0x76: {  	[hbm4b:s3+s2] =	stream.indirect_vreg.scatter [tilespmem:s15], [sflag:$0x2], $0x80, v4, vm0, $0xb8;
	[tilespmem:$0x6100] =	vst v63  }
0x77: {  	_ = 	snop  }
0x78: {  	[hbm4b:s7+s2] =	stream.indirect_vreg.scatter [tilespmem:s16], [sflag:$0x2], $0x80, v4, vm1, $0xb8;
	[tilespmem:$0x6100] =	vst v63  }
0x79: {  	_ = 	snop  }
0x7a: {  	[hbm4b:s3+s2] =	stream.indirect_vreg.scatter [tilespmem:s17], [sflag:$0x2], $0x80, v3, vm0, $0xb8;
	[tilespmem:$0x6100] =	vst v63  }
0x7b: {  	_ = 	snop  }
0x7c: {  	[hbm4b:s7+s2] =	stream.indirect_vreg.scatter [tilespmem:s18], [sflag:$0x2], $0x80, v3, vm1, $0xb8;
	[tilespmem:$0x6100] =	vst v63  }
0x7d: {  	v3 =	vld [tilespmem:$0x60A0];
	_ =	sdelay $0x4  }
0x7e: {  	v62 =	vshrl.u32 v3, $0x3  }
0x7f: {  	v4 =	vmul.u32 $0x18, v62  }
0x80: {  	v3 =	vand.u32 $0x7, v3  }
0x81: {  	v3 =	vor.u32 v3, v4  }
0x82: {  	v4 =	vperm.xlane v3, v0;
	_ =	sdelay $0x1  }
0x83: {  	v4 =	vadd.s32 v1, v4;
	_ =	sdelay $0x1  }
0x84: {  	v3 =	vperm.xlane v3, v2;
	_ =	sdelay $0x1  }
0x85: {  	v3 =	vadd.s32 v1, v3  }
0x86: {  	[hbm4b:s3+s2] =	stream.indirect_vreg.scatter [tilespmem:s19], [sflag:$0x2], $0x80, v4, vm0, $0xb8;
	[tilespmem:$0x6100] =	vst v63  }
0x87: {  	_ = 	snop  }
0x88: {  	[hbm4b:s7+s2] =	stream.indirect_vreg.scatter [tilespmem:s20], [sflag:$0x2], $0x80, v4, vm1, $0xb8;
	[tilespmem:$0x6100] =	vst v63  }
0x89: {  	_ = 	snop  }
0x8a: {  	[hbm4b:s3+s2] =	stream.indirect_vreg.scatter [tilespmem:s21], [sflag:$0x2], $0x80, v3, vm0, $0xb8;
	[tilespmem:$0x6100] =	vst v63  }
0x8b: {  	_ = 	snop  }
0x8c: {  	[hbm4b:s7+s2] =	stream.indirect_vreg.scatter [tilespmem:s22], [sflag:$0x2], $0x80, v3, vm1, $0xb8;
	[tilespmem:$0x6100] =	vst v63  }
0x8d: {  	v3 =	vld [tilespmem:$0x60B0];
	_ =	sdelay $0x4  }
0x8e: {  	v63 =	vshrl.u32 v3, $0x3  }
0x8f: {  	v4 =	vmul.u32 $0x18, v63  }
0x90: {  	v3 =	vand.u32 $0x7, v3  }
0x91: {  	v3 =	vor.u32 v3, v4  }
0x92: {  	v4 =	vperm.xlane v3, v0;
	_ =	sdelay $0x1  }
0x93: {  	v4 =	vadd.s32 v1, v4;
	_ =	sdelay $0x1  }
0x94: {  	v3 =	vperm.xlane v3, v2;
	_ =	sdelay $0x1  }
0x95: {  	v3 =	vadd.s32 v1, v3  }
0x96: {  	[hbm4b:s3+s2] =	stream.indirect_vreg.scatter [tilespmem:s23], [sflag:$0x2], $0x80, v4, vm0, $0xb8;
	[tilespmem:$0x6100] =	vst v63  }
0x97: {  	_ = 	snop  }
0x98: {  	[hbm4b:s7+s2] =	stream.indirect_vreg.scatter [tilespmem:s24], [sflag:$0x2], $0x80, v4, vm1, $0xb8;
	[tilespmem:$0x6100] =	vst v63  }
0x99: {  	_ = 	snop  }
0x9a: {  	[hbm4b:s3+s2] =	stream.indirect_vreg.scatter [tilespmem:s25], [sflag:$0x2], $0x80, v3, vm0, $0xb8;
	[tilespmem:$0x6100] =	vst v63  }
0x9b: {  	_ = 	snop  }
0x9c: {  	[hbm4b:s7+s2] =	stream.indirect_vreg.scatter [tilespmem:s26], [sflag:$0x2], $0x80, v3, vm1, $0xb8;
	[tilespmem:$0x6100] =	vst v63  }
0x9d: {  	p0 =	sne.s32 s8, $0x1;
	_ =	swait.ge [sflag:s28], $0x6000  }
.Ltmp0:
0x9e: {  	[sflag:s28] =	ssyncset.done $0x0;
	(pc) =	sbr.rel @p0 .LBB2_1-.Ltmp0, $4  }
0x9f: {  	[sflag:s28] =	ssyncadd.s32 $0xFFFFA000  }
0xa0: {  	_ =	swait.ge [sflag:s29], $0x6000  }
0xa1: {  	[sflag:s29] =	ssyncset.done $0x0  }
0xa2: {  	s8 =	sadd.s32 $0xFFFFFFFF, s8;
	[sflag:s29] =	ssyncadd.s32 $0xFFFFA000  }
0xa3: {  	_ =	sfence.sel $0x180000  }
0xa4: {  	[bflag:$0x0] =	sbarrier.arrive $0xFFFF  }
0xa5: {  	p0 =	sne.s32 s1, $0x0;
	_ =	strace $0x90000047  }
0xa6: {  	s0 =	sadd.s32 @!p0 $0x100000, s0;
	[bflag:$0x2] =	sbarrier.arrive $0xFFFF  }
0xa7: {  	[sflag:s0] =	ssyncadd.tile.s32 @!p0 $0x1;
	_ =	shalt  }
.Lfunc_end2:
_tile_overlayer_lowered:
.L_overlay_start_2:
0xa8: {  	(tag) =	ssettag $0x2  }
0xa9: {  	s0 =	rddreg [dreg:$0x0];
	s2 =	stileid.u32  }
0xaa: {  	s1 =	rddreg [dreg:$0x1];
	p0 =	sne.s32 s2, $0x0  }
0xab: {  	s3 =	rddreg [dreg:$0x2];
	[bflag:$0x3] =	sbarrier.arrive $0xFFFF;
	s2 =	simm.s32 @!p0 $0x1C03  }
0xac: {  	[timem:s3], [sflag:s2] =	dma.local @!p0 [hbm:s0], s1  }
0xad: {  	s0 =	simm.s32 @!p0 $0x3  }
0xae: {  	_ =	swait.ge @!p0 [sflag:s0], s1  }
0xaf: {  	s1 =	ssub.s32 @!p0 $0x0, s1;
	[sflag:s0] =	ssyncset.done @!p0 $0x0  }
0xb0: {  	[sflag:s0] =	ssyncadd.s32 @!p0 s1  }
0xb1: {  	[bflag:$0x3] =	sbarrier.arrive $0xFFFF  }
0xb2: {  	_ =	shalt  }

// kernel: kernel.9.cloned.1.call-start
scs
__scs_entry_jumppad:
0x0: {  	(pc) =	sbr.rel $0x88, $3  }
0x1: {  	(tag) =	ssettag $0x0;
	lr =	simm.s32 $0x1  }
0x2: {  	[smem:$0x3F9C] =	sst lr;
	_ =	strace $0xD0000000  }
0x3: {  	_ = 	snop  }
0x4: {  	_ = 	snop  }
0x5: {  	_ = 	snop  }
0x6: {  	_ = 	snop  }
0x7: {  	_ = 	snop  }
__scs_overlays_trampoline_lowered:
0x8: {  	[smem:$0x3FAB] =	sst s0  }
0x9: {  	[smem:$0x3FAC] =	sst s1  }
0xa: {  	[smem:$0x3FAD] =	sst s2  }
0xb: {  	[smem:$0x3FAE] =	sst s3  }
0xc: {  	[smem:$0x3FAF] =	sst s4  }
0xd: {  	[smem:$0x3FB0] =	sst s5  }
0xe: {  	[smem:$0x3FB1] =	sst s6  }
0xf: {  	[smem:$0x3FB2] =	sst s7  }
0x10: {  	[smem:$0x3FB3] =	sst s8  }
0x11: {  	[smem:$0x3FB4] =	sst s9;
	s0 =	simm.s32 @!p0 $0x0  }
0x12: {  	s1 =	sld [smem:$0x3F9A];
	s0 =	simm.s32 @p0 $0x1  }
0x13: {  	[smem:$0x3FB5] =	sst s0;
	s0 =	simm.s32 @!p1 $0x0  }
0x14: {  	s2 =	sld [smem:$0x3F99];
	s0 =	simm.s32 @p1 $0x1  }
0x15: {  	[smem:$0x3FB6] =	sst s0;
	s0 =	simm.s32 @!p2 $0x0  }
0x16: {  	s3 =	sld [smem:$0x3FDB];
	s0 =	simm.s32 @p2 $0x1  }
0x17: {  	s4 =	simm.s32 $0x1BF5;
	[smem:$0x3FB8] =	sst s0  }
0x18: {  	s0 =	sld [smem:$0x3F9B];
	_ =	swait.ge [sflag:s4], $0x0  }
0x19: {  	s7 =	sld [smem:$0x3F9C]  }
0x1a: {  	s8 =	sadd.s32 $0xFFFFE003, lr  }
0x1b: {  	s9 =	sadd.s32 $0xFFFFFEF7, lr;
	s5 =	simm.s32 $0xFFFFFFFF;
	p2 =	slt.u32 s8, $0xFFFFF086  }
0x1c: {  	p1 =	slt.u32 s9, $0xF7A;
	s5 =	simm.s32 @!p2 $0x0  }
0x1d: {  	s5 =	simm.s32 @p1 $0x1;
	p0 =	seq.s32 s7, s2  }
0x1e: {  	s7 =	smul.u32 @!p0 $0xF7A, s2;
	p2 =	seq.s32 @!p0 s5, $0x0  }
0x1f: {  	s9 =	smul.u32 $0xF7A, s1;
	s8 =	simm.s32 @!p0 $0x1BF5;
	p2 =	por !p2, p0  }
0x20: {  	[sflag:s8] =	ssyncset.s32 @!p0 $0xFFFFF086;
	s6 =	sadd.s32 @!p0 s3, s7;
	s7 =	simm.s32 @!p0 $0x108  }
0x21: {  	s3 =	sadd.s32 s3, s9;
	s6 =	sadd.s32 @!p0 $0x88, s6;
	s7 =	simm.s32 @p2 $0x1082  }
0x22: {  	[simem:s7], [sflag:s8] =	dma.local @!p0 [hbm:s6], $0xF7A  }
0x23: {  	s9 =	sor.u32 $0xD0000000, s2;
	s6 =	simm.s32 $0x108;
	_ =	swait.ge @!p0 [sflag:s8], $0x0  }
0x24: {  	s3 =	sadd.s32 $0x88, s3;
	s6 =	simm.s32 @!p1 $0x1082;
	[sflag:s4] =	ssyncset.s32 $0xFFFFF086  }
0x25: {  	[simem:s6], [sflag:s4] =	dma.local [hbm:s3], $0xF7A  }
0x26: {  	[smem:$0x3F9C] =	sst s1;
	(tag) =	ssettag s2;
	_ =	strace s9  }
0x27: {  	s1 =	sld [smem:$0x3FAC]  }
0x28: {  	s2 =	sld [smem:$0x3FAD]  }
0x29: {  	s4 =	sld [smem:$0x3FAF]  }
0x2a: {  	p0 =	seq.s32 s5, $0x0;
	s5 =	sld [smem:$0x3FB0]  }
0x2b: {  	s6 =	sld [smem:$0x3FB1]  }
0x2c: {  	s7 =	sld [smem:$0x3FB2]  }
0x2d: {  	s3 =	simm.s32 $0x108;
	s8 =	sld [smem:$0x3FB3]  }
0x2e: {  	s3 =	simm.s32 @!p0 $0x1082;
	s9 =	sld [smem:$0x3FB4]  }
0x2f: {  	lr =	sadd.s32 s0, s3;
	s0 =	sld [smem:$0x3FAB]  }
0x30: {  	s3 =	sld [smem:$0x3FAE]  }
0x31: {  	[smem:$0x3FB7] =	sst s10  }
0x32: {  	s10 =	sld [smem:$0x3FB5];
	_ =	sdelay $0x3  }
0x33: {  	p0 =	seq.s32 s10, $0x1;
	s10 =	sld [smem:$0x3FB7];
	_ =	sdelay $0x3  }
0x34: {  	[smem:$0x3FB7] =	sst s10  }
0x35: {  	s10 =	sld [smem:$0x3FB6];
	_ =	sdelay $0x3  }
0x36: {  	p1 =	seq.s32 s10, $0x1;
	s10 =	sld [smem:$0x3FB7];
	_ =	sdelay $0x3  }
0x37: {  	[smem:$0x3FB7] =	sst s10  }
0x38: {  	s10 =	sld [smem:$0x3FB8]  }
0x39: {  	_ = 	snop;
	(pc) =	sbr.ind lr, $3  }
0x3a: {  	_ = 	snop  }
0x3b: {  	_ = 	snop  }
0x3c: {  	p2 =	seq.s32 s10, $0x1;
	s10 =	sld [smem:$0x3FB7]  }
0x3d: {  	_ =	shalt  }
0x3e: {  	_ =	shalt  }
0x3f: {  	_ =	shalt  }
0x40: {  	_ =	shalt  }
0x41: {  	_ =	shalt  }
0x42: {  	_ =	shalt  }
0x43: {  	_ =	shalt  }
0x44: {  	_ =	shalt  }
0x45: {  	_ =	shalt  }
0x46: {  	_ =	shalt  }
0x47: {  	_ =	shalt  }
0x48: {  	_ =	shalt  }
0x49: {  	_ =	shalt  }
0x4a: {  	_ =	shalt  }
0x4b: {  	_ =	shalt  }
0x4c: {  	_ =	shalt  }
0x4d: {  	_ =	shalt  }
0x4e: {  	_ =	shalt  }
0x4f: {  	_ =	shalt  }
0x50: {  	_ =	shalt  }
0x51: {  	_ =	shalt  }
0x52: {  	_ =	shalt  }
0x53: {  	_ =	shalt  }
0x54: {  	_ =	shalt  }
0x55: {  	_ =	shalt  }
0x56: {  	_ =	shalt  }
0x57: {  	_ =	shalt  }
0x58: {  	_ =	shalt  }
0x59: {  	_ =	shalt  }
0x5a: {  	_ =	shalt  }
0x5b: {  	_ =	shalt  }
0x5c: {  	_ =	shalt  }
0x5d: {  	_ =	shalt  }
0x5e: {  	_ =	shalt  }
0x5f: {  	_ =	shalt  }
0x60: {  	_ =	shalt  }
0x61: {  	_ =	shalt  }
0x62: {  	_ =	shalt  }
0x63: {  	_ =	shalt  }
0x64: {  	_ =	shalt  }
0x65: {  	_ =	shalt  }
0x66: {  	_ =	shalt  }
0x67: {  	_ =	shalt  }
0x68: {  	_ =	shalt  }
0x69: {  	_ =	shalt  }
0x6a: {  	_ =	shalt  }
0x6b: {  	_ =	shalt  }
0x6c: {  	_ =	shalt  }
0x6d: {  	_ =	shalt  }
0x6e: {  	_ =	shalt  }
0x6f: {  	_ =	shalt  }
0x70: {  	_ =	shalt  }
0x71: {  	_ =	shalt  }
0x72: {  	_ =	shalt  }
0x73: {  	_ =	shalt  }
0x74: {  	_ =	shalt  }
0x75: {  	_ =	shalt  }
0x76: {  	_ =	shalt  }
0x77: {  	_ =	shalt  }
0x78: {  	_ =	shalt  }
0x79: {  	_ =	shalt  }
0x7a: {  	_ =	shalt  }
0x7b: {  	_ =	shalt  }
0x7c: {  	_ =	shalt  }
0x7d: {  	_ =	shalt  }
0x7e: {  	_ =	shalt  }
0x7f: {  	_ =	shalt  }
0x80: {  	_ =	shalt  }
0x81: {  	_ =	shalt  }
0x82: {  	_ =	shalt  }
0x83: {  	_ =	shalt  }
0x84: {  	_ =	shalt  }
0x85: {  	_ =	shalt  }
0x86: {  	_ =	shalt  }
0x87: {  	_ =	shalt  }
.Lfunc_end0:
.L_simem_size_0:
called_computation.1_lowered:
.L_overlay_start_0:
0x88: {  	s2 =	sld [smem:$0x3FD9]  }
0x89: {  	s3 =	sld [smem:$0x3FFE];
	_ =	sdelay $0x1  }
0x8a: {  	s1 =	srdreg.scid  }
0x8b: {  	s0 =	sand.u32 $0x1, s1  }
0x8c: {  	s17 =	sshll.u32 s0, $0xA;
	s2 =	sadd.s32 s3, s2  }
0x8d: {  	s2 =	sadd.s32 s2, s17  }
0x8e: {  	[smem:$0x3FC3] =	sst s2  }
0x8f: {  	_ = 	snop  }
0x90: {  	s2 =	sld [smem:$0x3FD0];
	(tm) =	ssettm $0x1  }
0x91: {  	s18 =	sld [smem:$0x3FFB];
	_ =	sdelay $0x3  }
0x92: {  	_ =	strace s18  }
0x93: {  	s3 =	sld [smem:$0x3FFC];
	_ =	sdelay $0x3  }
0x94: {  	_ =	strace s3  }
0x95: {  	s3 =	sld [smem:$0x3FFD];
	_ =	sdelay $0x3  }
0x96: {  	_ =	strace s3  }
0x97: {  	_ =	strace $0x8FFFFFFF  }
0x98: {  	s19 =	sld [smem:$0x3FDB];
	_ =	sdelay $0x1  }
0x99: {  	s4 =	simm.s32 $_scs_section_size  }
0x9a: {  	s5 =	simm.s32 $_size__tile_overlayer_lowered;
	s6 =	simm.s32 $_tile_overlayer_lowered  }
0x9b: {  	s22 =	simm.s32 $0x1BFF;
	s21 =	sshll.u32 s6, $0x1;
	s3 =	sadd.s32 s4, s19  }
0x9c: {  	s7 =	simm.s32 $0x0;
	s20 =	sshll.u32 s5, $0x1;
	s5 =	sadd.s32 s21, s3  }
0x9d: {  	[timem:s7], [sflag:s22] =	dma.local [hbm:s5], s20  }
0x9e: {  	_ =	swait.ge [sflag:s22], s20  }
0x9f: {  	s4 =	ssub.s32 $0x0, s20;
	[sflag:s22] =	ssyncset.done $0x0  }
0xa0: {  	[sflag:s22] =	ssyncadd.s32 s4;
	_ =	sdelay $0x1  }
0xa1: {  	s23 =	simm.s32 $0x1B8B  }
0xa2: {  	_ =	swait.ge [sflag:s23], $0x1  }
0xa3: {  	[sflag:s23] =	ssyncset.done $0x0  }
0xa4: {  	s25 =	simm.s32 $0x1B8E;
	s24 =	sld [smem:$0x3FFE];
	[sflag:s23] =	ssyncadd.s32 $0xFFFFFFFF  }
0xa5: {  	s26 =	simm.s32 $execute0_lowered;
	[smem:$0x3FD2] =	sst s25  }
0xa6: {  	s5 =	sshll.u32 s26, $0x1;
	_ =	strace $0x80000049;
	[dreg:$0x1] =	wrdreg $0xFFFFFFFF  }
0xa7: {  	s28 =	simm.s32 $_size_execute0_lowered;
	s3 =	sadd.s32 s3, s5;
	[dreg:$0x0] =	wrdreg $0x0  }
0xa8: {  	s5 =	sshll.u32 s28, $0x1;
	[dreg:$0x2] =	wrdreg s3  }
0xa9: {  	[dreg:$0x3] =	wrdreg s5  }
0xaa: {  	[dreg:$0x4] =	wrdreg $0xC0  }
0xab: {  	_ =	task [dreg:s7], $0x5FFFF  }
0xac: {  	[dreg:$0x1] =	wrdreg $0xFFFFFFFF  }
0xad: {  	[dreg:$0x0] =	wrdreg $0x60  }
0xae: {  	[dreg:$0x2] =	wrdreg s24  }
0xaf: {  	[dreg:$0x3] =	wrdreg s2  }
0xb0: {  	[dreg:$0x4] =	wrdreg $0x9  }
0xb1: {  	_ =	task.clear_ibuf [dreg:s7], $0x5FFFF;
	_ =	strace $0x90000049  }
0xb2: {  	s29 =	simm.s32 $0x9;
	_ =	strace $0x8000004B  }
0xb3: {  	_ =	swait.ge [sflag:s29], $0x1  }
0xb4: {  	[sflag:s29] =	ssyncadd.s32 $0xFFFFFFFF  }
0xb5: {  	_ =	strace $0x9000004B  }
0xb6: {  	_ =	sfence  }
0xb7: {  	s30 =	sld [smem:$0x0];
	_ =	sdelay $0x2  }
0xb8: {  	s31 =	sshll.u32 s1, $0xD;
	s1 =	sshrl.u32 s1, $0x2  }
0xb9: {  	s3 =	sand.u32 $0x4000, s31;
	s1 =	sadd.s32 s1, s30  }
0xba: {  	s0 =	sor.u32 s3, s0;
	s1 =	sshll.u32 s1, $0x11  }
0xbb: {  	s0 =	sor.u32 s1, s0  }
0xbc: {  	s0 =	sadd.s32 $0x8F2B, s0  }
0xbd: {  	[sflag:s0] =	ssyncadd.remote.s32 $0x1  }
0xbe: {  	_ =	sfence.sel $0xFFFF  }
0xbf: {  	[dreg:$0x0] =	wrdreg $0xFFFFFFFF;
	(pc) =	sbr.abs _section_cstart, $3  }
0xc0: {  	[dreg:$0x1] =	wrdreg $0xFFFFFFFF  }
0xc1: {  	_ =	task.clear_ibuf [dreg:s7], $0x2FFFF;
	_ =	strace $0x9FFFFFFF  }
0xc2: {  	(tm) =	ssettm $0x7FFFFFFF  }
0xc3: {  	_ =	shalt  }
tec
execute0_lowered:
.L_overlay_start_1:
0x0: {  	(tag) =	ssettag $0x1  }
0x1: {  	s0 =	rddreg [dreg:$0x0]  }
0x2: {  	s1 =	rddreg [dreg:$0x1]  }
0x3: {  	s3 =	srdreg.scid;
	s2 =	simm.s32 $0x0;
	s7 =	stileid.u32  }
0x4: {  	s11 =	simm.s32 $0x3;
	s24 =	simm.s32 $0x1;
	s25 =	simm.s32 $0x2  }
0x5: {  	s28 =	simm.s32 $0x0;
	s4 =	sand.u32 $0x1, s3;
	[smem:$0x7FF] =	sst s2  }
0x6: {  	s30 =	sshll.u32 s7, $0xA;
	s3 =	sadd.s32 $0x12000, s0;
	s7 =	sshll.u32 s7, $0x7  }
0x7: {  	s5 =	sshll.u32 s4, $0x6;
	_ =	strace $0x8000004A;
	s4 =	ssub.s32 $0x2, s4  }
0x8: {  	s6 =	sor.u32 s5, s30;
	s5 =	sor.u32 s5, s7;
	s8 =	sshrl.u32 s4, $0x1  }
0x9: {  	s6 =	sshrl.u32 s6, $0x3;
	s7 =	sshll.u32 s5, $0x4;
	s5 =	sshrl.u32 s5, $0x3  }
0xa: {  	s10 =	ssub.s32 s4, s8;
	s8 =	sadd.s32 $0x12100, s0;
	s6 =	sadd.s32 s6, s0  }
0xb: {  	v2 =	vlaneseq.u32;
	s7 =	sadd.s32 s7, s0;
	s9 =	smul.u32 $0x300, s5;
	s10 =	smax.u32 s10, $0x1  }
0xc: {  	vm0 =	vmmov $0xffff;
	vm1 =	vmmov $0xff;
	v1 =	vshrl.u32 v2, $0x3;
	s31 =	sadd.s32 $0x1800, s6;
	s5 =	sadd.s32 $0x1810, s6;
	s6 =	sadd.s32 $0x2000, s7  }
0xd: {  	v0 =	vand.u32 $0x7, v2;
	v2 =	vor.u32 $0x8, v2;
	v1 =	vmul.u32 $0x8, v1;
	s7 =	sadd.s32 $0xA000, s7;
	[dreg:$0x3] =	wrdreg s31;
	s9 =	sadd.s32 s1, s9  }
.LBB2_1:
0xe: {  	s0 =	rddreg [dreg:$0x3]  }
0xf: {  	[tilespmem:s2], [sflag:$0x3] =	stream.linear.gather [hbm4b:s0+s2], $0x40, $0x38;
	[tilespmem:$0x1C100] =	vst v63  }
0x10: {  	_ =	swait.ge [sflag:s11], $0x40  }
0x11: {  	[sflag:s11] =	ssyncset.done $0x0  }
0x12: {  	s23 =	simm.s32 $0x80;
	[sflag:s11] =	ssyncadd.s32 $0xFFFFFFC0  }
0x13: {  	[tilespmem:s23], [sflag:$0x3] =	stream.linear.gather [hbm4b:s5+s2], $0x40, $0x38;
	[tilespmem:$0x1C100] =	vst v63  }
0x14: {  	_ =	swait.ge [sflag:s11], $0x40  }
0x15: {  	[sflag:s11] =	ssyncset.done $0x0  }
0x16: {  	s0 =	simm.s32 $0x100;
	[sflag:s11] =	ssyncadd.s32 $0xFFFFFFC0  }
0x17: {  	[tilespmem:s0], [sflag:$0x3] =	stream.linear.gather [hbm4b:s6+s2], $0x2000, $0x38;
	[tilespmem:$0x1C100] =	vst v63  }
0x18: {  	_ =	swait.ge [sflag:s11], $0x2000  }
0x19: {  	[sflag:s11] =	ssyncset.done $0x0  }
0x1a: {  	s1 =	simm.s32 $0x2100;
	[sflag:s11] =	ssyncadd.s32 $0xFFFFE000  }
0x1b: {  	[tilespmem:s1], [sflag:$0x3] =	stream.linear.gather [hbm4b:s7+s2], $0x2000, $0x38;
	[tilespmem:$0x1C100] =	vst v63  }
0x1c: {  	_ =	swait.ge [sflag:s11], $0x2000  }
0x1d: {  	[sflag:s11] =	ssyncset.done $0x0  }
0x1e: {  	[sflag:s11] =	ssyncadd.s32 $0xFFFFE000  }
0x1f: {  	v3 =	vld [tilespmem:$0x0];
	_ =	sdelay $0x4  }
0x20: {  	v4 =	vshrl.u32 v3, $0x3  }
0x21: {  	v4 =	vmul.u32 $0x18, v4  }
0x22: {  	v3 =	vand.u32 $0x7, v3  }
0x23: {  	v3 =	vor.u32 v3, v4  }
0x24: {  	v4 =	vperm.xlane v3, v0;
	_ =	sdelay $0x1  }
0x25: {  	v4 =	vadd.s32 v1, v4;
	_ =	sdelay $0x1  }
0x26: {  	v3 =	vperm.xlane v3, v2;
	_ =	sdelay $0x1  }
0x27: {  	s4 =	simm.s32 $0x4100;
	v3 =	vadd.s32 v1, v3  }
0x28: {  	[tilespmem:s4], [sflag:$0x1] =	stream.indirect_vreg.gather [hbm4b:s3+s2], $0x80, v4, vm0, $0xb8;
	[tilespmem:$0x1C100] =	vst v63  }
0x29: {  	s26 =	simm.s32 $0x4900  }
0x2a: {  	[tilespmem:s26], [sflag:$0x1] =	stream.indirect_vreg.gather [hbm4b:s8+s2], $0x80, v4, vm1, $0xb8;
	[tilespmem:$0x1C100] =	vst v63  }
0x2b: {  	s12 =	simm.s32 $0x4D00  }
0x2c: {  	[tilespmem:s12], [sflag:$0x1] =	stream.indirect_vreg.gather [hbm4b:s3+s2], $0x80, v3, vm0, $0xb8;
	[tilespmem:$0x1C100] =	vst v63  }
0x2d: {  	s13 =	simm.s32 $0x5500  }
0x2e: {  	[tilespmem:s13], [sflag:$0x1] =	stream.indirect_vreg.gather [hbm4b:s8+s2], $0x80, v3, vm1, $0xb8;
	[tilespmem:$0x1C100] =	vst v63  }
0x2f: {  	v3 =	vld [tilespmem:$0x10];
	_ =	sdelay $0x4  }
0x30: {  	v4 =	vshrl.u32 v3, $0x3  }
0x31: {  	v4 =	vmul.u32 $0x18, v4  }
0x32: {  	v3 =	vand.u32 $0x7, v3  }
0x33: {  	v3 =	vor.u32 v3, v4  }
0x34: {  	v4 =	vperm.xlane v3, v0;
	_ =	sdelay $0x1  }
0x35: {  	v4 =	vadd.s32 v1, v4;
	_ =	sdelay $0x1  }
0x36: {  	v3 =	vperm.xlane v3, v2;
	_ =	sdelay $0x1  }
0x37: {  	s14 =	simm.s32 $0x5900;
	v3 =	vadd.s32 v1, v3  }
0x38: {  	[tilespmem:s14], [sflag:$0x1] =	stream.indirect_vreg.gather [hbm4b:s3+s2], $0x80, v4, vm0, $0xb8;
	[tilespmem:$0x1C100] =	vst v63  }
0x39: {  	s15 =	simm.s32 $0x6100  }
0x3a: {  	[tilespmem:s15], [sflag:$0x1] =	stream.indirect_vreg.gather [hbm4b:s8+s2], $0x80, v4, vm1, $0xb8;
	[tilespmem:$0x1C100] =	vst v63  }
0x3b: {  	s16 =	simm.s32 $0x6500  }
0x3c: {  	[tilespmem:s16], [sflag:$0x1] =	stream.indirect_vreg.gather [hbm4b:s3+s2], $0x80, v3, vm0, $0xb8;
	[tilespmem:$0x1C100] =	vst v63  }
0x3d: {  	s17 =	simm.s32 $0x6D00  }
0x3e: {  	[tilespmem:s17], [sflag:$0x1] =	stream.indirect_vreg.gather [hbm4b:s8+s2], $0x80, v3, vm1, $0xb8;
	[tilespmem:$0x1C100] =	vst v63  }
0x3f: {  	v3 =	vld [tilespmem:$0x20];
	_ =	sdelay $0x4  }
0x40: {  	v4 =	vshrl.u32 v3, $0x3  }
0x41: {  	v4 =	vmul.u32 $0x18, v4  }
0x42: {  	v3 =	vand.u32 $0x7, v3  }
0x43: {  	v3 =	vor.u32 v3, v4  }
0x44: {  	v4 =	vperm.xlane v3, v0;
	_ =	sdelay $0x1  }
0x45: {  	v4 =	vadd.s32 v1, v4;
	_ =	sdelay $0x1  }
0x46: {  	v3 =	vperm.xlane v3, v2;
	_ =	sdelay $0x1  }
0x47: {  	s18 =	simm.s32 $0x7100;
	v3 =	vadd.s32 v1, v3  }
0x48: {  	[tilespmem:s18], [sflag:$0x1] =	stream.indirect_vreg.gather [hbm4b:s3+s2], $0x80, v4, vm0, $0xb8;
	[tilespmem:$0x1C100] =	vst v63  }
0x49: {  	s19 =	simm.s32 $0x7900  }
0x4a: {  	[tilespmem:s19], [sflag:$0x1] =	stream.indirect_vreg.gather [hbm4b:s8+s2], $0x80, v4, vm1, $0xb8;
	[tilespmem:$0x1C100] =	vst v63  }
0x4b: {  	s20 =	simm.s32 $0x7D00  }
0x4c: {  	[tilespmem:s20], [sflag:$0x1] =	stream.indirect_vreg.gather [hbm4b:s3+s2], $0x80, v3, vm0, $0xb8;
	[tilespmem:$0x1C100] =	vst v63  }
0x4d: {  	s21 =	simm.s32 $0x8500  }
0x4e: {  	[tilespmem:s21], [sflag:$0x1] =	stream.indirect_vreg.gather [hbm4b:s8+s2], $0x80, v3, vm1, $0xb8;
	[tilespmem:$0x1C100] =	vst v63  }
0x4f: {  	v3 =	vld [tilespmem:$0x30];
	_ =	sdelay $0x4  }
0x50: {  	v4 =	vshrl.u32 v3, $0x3  }
0x51: {  	v4 =	vmul.u32 $0x18, v4  }
0x52: {  	v3 =	vand.u32 $0x7, v3  }
0x53: {  	v3 =	vor.u32 v3, v4  }
0x54: {  	v4 =	vperm.xlane v3, v0;
	_ =	sdelay $0x1  }
0x55: {  	v4 =	vadd.s32 v1, v4;
	_ =	sdelay $0x1  }
0x56: {  	v3 =	vperm.xlane v3, v2;
	_ =	sdelay $0x1  }
0x57: {  	s22 =	simm.s32 $0x8900;
	v3 =	vadd.s32 v1, v3  }
0x58: {  	[tilespmem:s22], [sflag:$0x1] =	stream.indirect_vreg.gather [hbm4b:s3+s2], $0x80, v4, vm0, $0xb8;
	[tilespmem:$0x1C100] =	vst v63  }
0x59: {  	s23 =	simm.s32 $0x9100  }
0x5a: {  	[tilespmem:s23], [sflag:$0x1] =	stream.indirect_vreg.gather [hbm4b:s8+s2], $0x80, v4, vm1, $0xb8;
	[tilespmem:$0x1C100] =	vst v63  }
0x5b: {  	s26 =	simm.s32 $0x9500  }
0x5c: {  	[tilespmem:s26], [sflag:$0x1] =	stream.indirect_vreg.gather [hbm4b:s3+s2], $0x80, v3, vm0, $0xb8;
	[tilespmem:$0x1C100] =	vst v63  }
0x5d: {  	s12 =	simm.s32 $0x9D00  }
0x5e: {  	[tilespmem:s12], [sflag:$0x1] =	stream.indirect_vreg.gather [hbm4b:s8+s2], $0x80, v3, vm1, $0xb8;
	[tilespmem:$0x1C100] =	vst v63  }
0x5f: {  	v3 =	vld [tilespmem:$0x80];
	_ =	sdelay $0x4  }
0x60: {  	v4 =	vshrl.u32 v3, $0x3  }
0x61: {  	v4 =	vmul.u32 $0x18, v4  }
0x62: {  	v3 =	vand.u32 $0x7, v3  }
0x63: {  	v3 =	vor.u32 v3, v4  }
0x64: {  	v4 =	vperm.xlane v3, v0;
	_ =	sdelay $0x1  }
0x65: {  	v4 =	vadd.s32 v1, v4;
	_ =	sdelay $0x1  }
0x66: {  	v3 =	vperm.xlane v3, v2;
	_ =	sdelay $0x1  }
0x67: {  	s13 =	simm.s32 $0xA100;
	v3 =	vadd.s32 v1, v3  }
0x68: {  	[tilespmem:s13], [sflag:$0x2] =	stream.indirect_vreg.gather [hbm4b:s3+s2], $0x80, v4, vm0, $0xb8;
	[tilespmem:$0x1C100] =	vst v63  }
0x69: {  	s14 =	simm.s32 $0xA900  }
0x6a: {  	[tilespmem:s14], [sflag:$0x2] =	stream.indirect_vreg.gather [hbm4b:s8+s2], $0x80, v4, vm1, $0xb8;
	[tilespmem:$0x1C100] =	vst v63  }
0x6b: {  	s15 =	simm.s32 $0xAD00  }
0x6c: {  	[tilespmem:s15], [sflag:$0x2] =	stream.indirect_vreg.gather [hbm4b:s3+s2], $0x80, v3, vm0, $0xb8;
	[tilespmem:$0x1C100] =	vst v63  }
0x6d: {  	s16 =	simm.s32 $0xB500  }
0x6e: {  	[tilespmem:s16], [sflag:$0x2] =	stream.indirect_vreg.gather [hbm4b:s8+s2], $0x80, v3, vm1, $0xb8;
	[tilespmem:$0x1C100] =	vst v63  }
0x6f: {  	v3 =	vld [tilespmem:$0x90];
	_ =	sdelay $0x4  }
0x70: {  	v4 =	vshrl.u32 v3, $0x3  }
0x71: {  	v4 =	vmul.u32 $0x18, v4  }
0x72: {  	v3 =	vand.u32 $0x7, v3  }
0x73: {  	v3 =	vor.u32 v3, v4  }
0x74: {  	v4 =	vperm.xlane v3, v0;
	_ =	sdelay $0x1  }
0x75: {  	v4 =	vadd.s32 v1, v4;
	_ =	sdelay $0x1  }
0x76: {  	v3 =	vperm.xlane v3, v2;
	_ =	sdelay $0x1  }
0x77: {  	s17 =	simm.s32 $0xB900;
	v3 =	vadd.s32 v1, v3  }
0x78: {  	[tilespmem:s17], [sflag:$0x2] =	stream.indirect_vreg.gather [hbm4b:s3+s2], $0x80, v4, vm0, $0xb8;
	[tilespmem:$0x1C100] =	vst v63  }
0x79: {  	s18 =	simm.s32 $0xC100  }
0x7a: {  	[tilespmem:s18], [sflag:$0x2] =	stream.indirect_vreg.gather [hbm4b:s8+s2], $0x80, v4, vm1, $0xb8;
	[tilespmem:$0x1C100] =	vst v63  }
0x7b: {  	s19 =	simm.s32 $0xC500  }
0x7c: {  	[tilespmem:s19], [sflag:$0x2] =	stream.indirect_vreg.gather [hbm4b:s3+s2], $0x80, v3, vm0, $0xb8;
	[tilespmem:$0x1C100] =	vst v63  }
0x7d: {  	s20 =	simm.s32 $0xCD00  }
0x7e: {  	[tilespmem:s20], [sflag:$0x2] =	stream.indirect_vreg.gather [hbm4b:s8+s2], $0x80, v3, vm1, $0xb8;
	[tilespmem:$0x1C100] =	vst v63  }
0x7f: {  	v3 =	vld [tilespmem:$0xA0];
	_ =	sdelay $0x4  }
0x80: {  	v4 =	vshrl.u32 v3, $0x3  }
0x81: {  	v4 =	vmul.u32 $0x18, v4  }
0x82: {  	v3 =	vand.u32 $0x7, v3  }
0x83: {  	v3 =	vor.u32 v3, v4  }
0x84: {  	v4 =	vperm.xlane v3, v0;
	_ =	sdelay $0x1  }
0x85: {  	v4 =	vadd.s32 v1, v4;
	_ =	sdelay $0x1  }
0x86: {  	v3 =	vperm.xlane v3, v2;
	_ =	sdelay $0x1  }
0x87: {  	s21 =	simm.s32 $0xD100;
	v3 =	vadd.s32 v1, v3  }
0x88: {  	[tilespmem:s21], [sflag:$0x2] =	stream.indirect_vreg.gather [hbm4b:s3+s2], $0x80, v4, vm0, $0xb8;
	[tilespmem:$0x1C100] =	vst v63  }
0x89: {  	s22 =	simm.s32 $0xD900  }
0x8a: {  	[tilespmem:s22], [sflag:$0x2] =	stream.indirect_vreg.gather [hbm4b:s8+s2], $0x80, v4, vm1, $0xb8;
	[tilespmem:$0x1C100] =	vst v63  }
0x8b: {  	s23 =	simm.s32 $0xDD00  }
0x8c: {  	[tilespmem:s23], [sflag:$0x2] =	stream.indirect_vreg.gather [hbm4b:s3+s2], $0x80, v3, vm0, $0xb8;
	[tilespmem:$0x1C100] =	vst v63  }
0x8d: {  	s26 =	simm.s32 $0xE500  }
0x8e: {  	[tilespmem:s26], [sflag:$0x2] =	stream.indirect_vreg.gather [hbm4b:s8+s2], $0x80, v3, vm1, $0xb8;
	[tilespmem:$0x1C100] =	vst v63  }
0x8f: {  	v3 =	vld [tilespmem:$0xB0];
	_ =	sdelay $0x4  }
0x90: {  	v4 =	vshrl.u32 v3, $0x3  }
0x91: {  	v4 =	vmul.u32 $0x18, v4  }
0x92: {  	v3 =	vand.u32 $0x7, v3  }
0x93: {  	v3 =	vor.u32 v3, v4  }
0x94: {  	v4 =	vperm.xlane v3, v0;
	_ =	sdelay $0x1  }
0x95: {  	v4 =	vadd.s32 v1, v4;
	_ =	sdelay $0x1  }
0x96: {  	v3 =	vperm.xlane v3, v2;
	_ =	sdelay $0x1  }
0x97: {  	s12 =	simm.s32 $0xE900;
	v3 =	vadd.s32 v1, v3  }
0x98: {  	[tilespmem:s12], [sflag:$0x2] =	stream.indirect_vreg.gather [hbm4b:s3+s2], $0x80, v4, vm0, $0xb8;
	[tilespmem:$0x1C100] =	vst v63  }
0x99: {  	s13 =	simm.s32 $0xF100  }
0x9a: {  	[tilespmem:s13], [sflag:$0x2] =	stream.indirect_vreg.gather [hbm4b:s8+s2], $0x80, v4, vm1, $0xb8;
	[tilespmem:$0x1C100] =	vst v63  }
0x9b: {  	s14 =	simm.s32 $0xF500  }
0x9c: {  	[tilespmem:s14], [sflag:$0x2] =	stream.indirect_vreg.gather [hbm4b:s3+s2], $0x80, v3, vm0, $0xb8;
	[tilespmem:$0x1C100] =	vst v63  }
0x9d: {  	s15 =	simm.s32 $0xFD00  }
0x9e: {  	[tilespmem:s15], [sflag:$0x2] =	stream.indirect_vreg.gather [hbm4b:s8+s2], $0x80, v3, vm1, $0xb8;
	[tilespmem:$0x1C100] =	vst v63  }
0x9f: {  	_ =	swait.ge [sflag:s24], $0x6000  }
0xa0: {  	[sflag:s24] =	ssyncset.done $0x0  }
0xa1: {  	[sflag:s24] =	ssyncadd.s32 $0xFFFFA000  }
0xa2: {  	s12 =	simm.s32 $0x0;
	_ =	swait.ge [sflag:s25], $0x6000  }
0xa3: {  	s13 =	smul.u32 $0xC00, s12;
	[sflag:s25] =	ssyncset.done $0x0  }
0xa4: {  	s14 =	sand.u32 $0x380, s2;
	[sflag:s25] =	ssyncadd.s32 $0xFFFFA000  }
0xa5: {  	s29 =	sor.u32 s14, s13;
	v3 =	vld [tilespmem:s0+$0x0]  }
0xa6: {  	v5 =	vld [tilespmem:s29+$0x4100]  }
0xa7: {  	v6 =	vld [tilespmem:s29+$0xA100]  }
0xa8: {  	v4 =	vld [tilespmem:s1+$0x0];
	_ =	sdelay $0x3  }
0xa9: {  	v7 =	vshll.u32 v5, $0x10;
	v8 =	vshll.u32 v6, $0x10;
	v5 =	vand.u32 $0xFFFF0000, v5  }
0xaa: {  	s16 =	smul.u32 $0x6000, s12;
	v6 =	vand.u32 $0xFFFF0000, v6;
	v7 =	vmul.f32 v7, v3;
	v8 =	vmul.f32 v8, v4  }
0xab: {  	v5 =	vmul.f32 v5, v3;
	v6 =	vmul.f32 v6, v4  }
0xac: {  	s0 =	sshra.s32 s16, $0x2;
	v7 =	vadd.f32 v8, v7  }
0xad: {  	s0 =	sor.u32 s14, s0;
	v5 =	vadd.f32 v6, v5  }
0xae: {  	[tilespmem:s0+$0x10100] =	vst v7  }
0xaf: {  	[tilespmem:s0+$0x10D00] =	vst v5  }
0xb0: {  	v5 =	vld [tilespmem:s29+$0x4110]  }
0xb1: {  	v6 =	vld [tilespmem:s29+$0xA110];
	_ =	sdelay $0x4  }
0xb2: {  	v7 =	vshll.u32 v5, $0x10;
	v8 =	vshll.u32 v6, $0x10;
	v5 =	vand.u32 $0xFFFF0000, v5  }
0xb3: {  	v6 =	vand.u32 $0xFFFF0000, v6;
	v7 =	vmul.f32 v7, v3;
	v8 =	vmul.f32 v8, v4  }
0xb4: {  	v5 =	vmul.f32 v5, v3;
	v6 =	vmul.f32 v6, v4  }
0xb5: {  	v7 =	vadd.f32 v8, v7  }
0xb6: {  	s18 =	sadd.s32 $0x10100, s0;
	v5 =	vadd.f32 v6, v5  }
0xb7: {  	s17 =	sadd.s32 $0x10D00, s0;
	[tilespmem:s18+$0x10] =	vst v7  }
0xb8: {  	[tilespmem:s17+$0x10] =	vst v5  }
0xb9: {  	v5 =	vld [tilespmem:s29+$0x4120]  }
0xba: {  	v6 =	vld [tilespmem:s29+$0xA120];
	_ =	sdelay $0x4  }
0xbb: {  	v7 =	vshll.u32 v5, $0x10;
	v5 =	vand.u32 $0xFFFF0000, v5;
	v8 =	vshll.u32 v6, $0x10  }
0xbc: {  	v6 =	vand.u32 $0xFFFF0000, v6;
	v7 =	vmul.f32 v7, v3;
	v8 =	vmul.f32 v8, v4  }
0xbd: {  	v5 =	vmul.f32 v5, v3;
	v6 =	vmul.f32 v6, v4  }
0xbe: {  	v7 =	vadd.f32 v8, v7  }
0xbf: {  	v5 =	vadd.f32 v6, v5  }
0xc0: {  	[tilespmem:s18+$0x20] =	vst v7  }
0xc1: {  	[tilespmem:s17+$0x20] =	vst v5  }
0xc2: {  	v5 =	vld [tilespmem:s29+$0x4130]  }
0xc3: {  	v6 =	vld [tilespmem:s29+$0xA130];
	_ =	sdelay $0x4  }
0xc4: {  	v7 =	vshll.u32 v5, $0x10;
	v5 =	vand.u32 $0xFFFF0000, v5;
	v8 =	vshll.u32 v6, $0x10  }
0xc5: {  	v6 =	vand.u32 $0xFFFF0000, v6;
	v7 =	vmul.f32 v7, v3;
	v8 =	vmul.f32 v8, v4  }
0xc6: {  	v5 =	vmul.f32 v5, v3;
	v6 =	vmul.f32 v6, v4  }
0xc7: {  	v7 =	vadd.f32 v8, v7  }
0xc8: {  	v5 =	vadd.f32 v6, v5  }
0xc9: {  	[tilespmem:s18+$0x30] =	vst v7  }
0xca: {  	[tilespmem:s17+$0x30] =	vst v5  }
0xcb: {  	v5 =	vld [tilespmem:s29+$0x4140]  }
0xcc: {  	v6 =	vld [tilespmem:s29+$0xA140];
	_ =	sdelay $0x4  }
0xcd: {  	v7 =	vshll.u32 v5, $0x10;
	v8 =	vshll.u32 v6, $0x10;
	v5 =	vand.u32 $0xFFFF0000, v5  }
0xce: {  	v6 =	vand.u32 $0xFFFF0000, v6;
	v7 =	vmul.f32 v7, v3;
	v8 =	vmul.f32 v8, v4  }
0xcf: {  	v5 =	vmul.f32 v5, v3;
	v6 =	vmul.f32 v6, v4  }
0xd0: {  	v7 =	vadd.f32 v8, v7  }
0xd1: {  	v5 =	vadd.f32 v6, v5  }
0xd2: {  	[tilespmem:s18+$0x40] =	vst v7  }
0xd3: {  	[tilespmem:s17+$0x40] =	vst v5  }
0xd4: {  	v5 =	vld [tilespmem:s29+$0x4150]  }
0xd5: {  	v6 =	vld [tilespmem:s29+$0xA150];
	_ =	sdelay $0x4  }
0xd6: {  	v7 =	vshll.u32 v5, $0x10;
	v8 =	vshll.u32 v6, $0x10;
	v5 =	vand.u32 $0xFFFF0000, v5  }
0xd7: {  	v6 =	vand.u32 $0xFFFF0000, v6;
	v7 =	vmul.f32 v7, v3;
	v8 =	vmul.f32 v8, v4  }
0xd8: {  	v5 =	vmul.f32 v5, v3;
	v6 =	vmul.f32 v6, v4  }
0xd9: {  	v7 =	vadd.f32 v8, v7  }
0xda: {  	v5 =	vadd.f32 v6, v5  }
0xdb: {  	[tilespmem:s18+$0x50] =	vst v7  }
0xdc: {  	[tilespmem:s17+$0x50] =	vst v5  }
0xdd: {  	v5 =	vld [tilespmem:s29+$0x4160]  }
0xde: {  	v6 =	vld [tilespmem:s29+$0xA160];
	_ =	sdelay $0x1  }
0xdf: {  	s19 =	simm.s32 $0x0  }
0xe0: {  	s20 =	smul.u32 $0xC00, s19;
	s21 =	simm.s32 $0x80  }
0xe1: {  	s14 =	sand.u32 $0x380, s21  }
0xe2: {  	s30 =	sor.u32 s14, s20;
	v7 =	vshll.u32 v5, $0x10;
	v8 =	vand.u32 $0xFFFF0000, v5;
	v9 =	vshll.u32 v6, $0x10  }
0xe3: {  	v10 =	vld [tilespmem:s30+$0x4100];
	v6 =	vand.u32 $0xFFFF0000, v6;
	v7 =	vmul.f32 v7, v3;
	v9 =	vmul.f32 v9, v4  }
0xe4: {  	s15 =	simm.s32 $0x180;
	v12 =	vld [tilespmem:s30+$0xA100];
	v8 =	vmul.f32 v8, v3;
	v11 =	vmul.f32 v6, v4  }
0xe5: {  	s22 =	simm.s32 $0x2180;
	v5 =	vld [tilespmem:s15+$0x0];
	v7 =	vadd.f32 v9, v7  }
0xe6: {  	v6 =	vld [tilespmem:s22+$0x0];
	v8 =	vadd.f32 v11, v8  }
0xe7: {  	[tilespmem:s18+$0x60] =	vst v7  }
0xe8: {  	[tilespmem:s17+$0x60] =	vst v8  }
0xe9: {  	v8 =	vld [tilespmem:s29+$0x4170]  }
0xea: {  	v9 =	vshll.u32 v12, $0x10;
	v12 =	vand.u32 $0xFFFF0000, v12;
	v7 =	vshll.u32 v10, $0x10;
	v11 =	vld [tilespmem:s29+$0xA170]  }
0xeb: {  	s1 =	smul.u32 $0x6000, s19;
	v10 =	vand.u32 $0xFFFF0000, v10;
	v7 =	vmul.f32 v7, v5;
	v9 =	vmul.f32 v9, v6  }
0xec: {  	v10 =	vmul.f32 v10, v5;
	v12 =	vmul.f32 v12, v6  }
0xed: {  	s1 =	sshra.s32 s1, $0x2;
	v7 =	vadd.f32 v9, v7  }
0xee: {  	s1 =	sor.u32 s14, s1;
	v9 =	vadd.f32 v12, v10  }
0xef: {  	[tilespmem:s1+$0x10100] =	vst v7;
	v7 =	vshll.u32 v8, $0x10;
	v8 =	vand.u32 $0xFFFF0000, v8;
	v10 =	vshll.u32 v11, $0x10  }
0xf0: {  	[tilespmem:s1+$0x10D00] =	vst v9;
	v9 =	vand.u32 $0xFFFF0000, v11;
	v7 =	vmul.f32 v7, v3;
	v10 =	vmul.f32 v10, v4  }
0xf1: {  	v12 =	vld [tilespmem:s30+$0xA110];
	v8 =	vmul.f32 v8, v3;
	v9 =	vmul.f32 v9, v4  }
0xf2: {  	v11 =	vld [tilespmem:s30+$0x4110];
	v7 =	vadd.f32 v10, v7  }
0xf3: {  	v8 =	vadd.f32 v9, v8  }
0xf4: {  	[tilespmem:s18+$0x70] =	vst v7  }
0xf5: {  	[tilespmem:s17+$0x70] =	vst v8  }
0xf6: {  	v8 =	vld [tilespmem:s29+$0x4500]  }
0xf7: {  	v9 =	vshll.u32 v12, $0x10;
	v12 =	vand.u32 $0xFFFF0000, v12;
	v7 =	vshll.u32 v11, $0x10;
	v10 =	vld [tilespmem:s29+$0xA500]  }
0xf8: {  	v9 =	vmul.f32 v9, v6;
	v11 =	vand.u32 $0xFFFF0000, v11;
	v7 =	vmul.f32 v7, v5  }
0xf9: {  	v12 =	vmul.f32 v12, v6;
	v11 =	vmul.f32 v11, v5  }
0xfa: {  	v7 =	vadd.f32 v9, v7  }
0xfb: {  	s12 =	sadd.s32 $0x10100, s1;
	v9 =	vadd.f32 v12, v11  }
0xfc: {  	s21 =	sadd.s32 $0x10D00, s1;
	[tilespmem:s12+$0x10] =	vst v7;
	v7 =	vshll.u32 v8, $0x10;
	v8 =	vand.u32 $0xFFFF0000, v8;
	v11 =	vshll.u32 v10, $0x10  }
0xfd: {  	[tilespmem:s21+$0x10] =	vst v9;
	v9 =	vand.u32 $0xFFFF0000, v10;
	v7 =	vmul.f32 v7, v3;
	v10 =	vmul.f32 v11, v4  }
0xfe: {  	v12 =	vld [tilespmem:s30+$0xA120];
	v8 =	vmul.f32 v8, v3;
	v9 =	vmul.f32 v9, v4  }
0xff: {  	v11 =	vld [tilespmem:s30+$0x4120];
	v7 =	vadd.f32 v10, v7  }
0x100: {  	v8 =	vadd.f32 v9, v8  }
0x101: {  	[tilespmem:s18+$0x400] =	vst v7  }
0x102: {  	[tilespmem:s0+$0x11100] =	vst v8  }
0x103: {  	v7 =	vld [tilespmem:s29+$0x4510]  }
0x104: {  	v10 =	vshll.u32 v12, $0x10;
	v8 =	vshll.u32 v11, $0x10;
	v9 =	vand.u32 $0xFFFF0000, v11;
	v11 =	vld [tilespmem:s29+$0xA510]  }
0x105: {  	v12 =	vand.u32 $0xFFFF0000, v12;
	v10 =	vmul.f32 v10, v6;
	v8 =	vmul.f32 v8, v5  }
0x106: {  	v12 =	vmul.f32 v12, v6;
	v9 =	vmul.f32 v9, v5  }
0x107: {  	v8 =	vadd.f32 v10, v8  }
0x108: {  	v9 =	vadd.f32 v12, v9  }
0x109: {  	[tilespmem:s12+$0x20] =	vst v8;
	v8 =	vshll.u32 v7, $0x10;
	v7 =	vand.u32 $0xFFFF0000, v7;
	v10 =	vshll.u32 v11, $0x10  }
0x10a: {  	[tilespmem:s21+$0x20] =	vst v9;
	v9 =	vand.u32 $0xFFFF0000, v11;
	v8 =	vmul.f32 v8, v3;
	v10 =	vmul.f32 v10, v4  }
0x10b: {  	v11 =	vld [tilespmem:s30+$0x4130];
	v7 =	vmul.f32 v7, v3;
	v9 =	vmul.f32 v9, v4  }
0x10c: {  	v12 =	vld [tilespmem:s30+$0xA130];
	v8 =	vadd.f32 v10, v8  }
0x10d: {  	v7 =	vadd.f32 v9, v7  }
0x10e: {  	s20 =	sadd.s32 $0x11100, s0;
	[tilespmem:s18+$0x410] =	vst v8  }
0x10f: {  	[tilespmem:s20+$0x10] =	vst v7  }
0x110: {  	v7 =	vld [tilespmem:s29+$0x4520]  }
0x111: {  	v8 =	vshll.u32 v11, $0x10;
	v9 =	vand.u32 $0xFFFF0000, v11;
	v10 =	vshll.u32 v12, $0x10;
	v11 =	vld [tilespmem:s29+$0xA520]  }
0x112: {  	v12 =	vand.u32 $0xFFFF0000, v12;
	v8 =	vmul.f32 v8, v5;
	v10 =	vmul.f32 v10, v6  }
0x113: {  	v9 =	vmul.f32 v9, v5;
	v12 =	vmul.f32 v12, v6  }
0x114: {  	v8 =	vadd.f32 v10, v8  }
0x115: {  	v9 =	vadd.f32 v12, v9  }
0x116: {  	[tilespmem:s12+$0x30] =	vst v8;
	v8 =	vshll.u32 v7, $0x10;
	v7 =	vand.u32 $0xFFFF0000, v7;
	v10 =	vshll.u32 v11, $0x10  }
0x117: {  	[tilespmem:s21+$0x30] =	vst v9;
	v9 =	vand.u32 $0xFFFF0000, v11;
	v8 =	vmul.f32 v8, v3;
	v10 =	vmul.f32 v10, v4  }
0x118: {  	v11 =	vld [tilespmem:s30+$0x4140];
	v7 =	vmul.f32 v7, v3;
	v9 =	vmul.f32 v9, v4  }
0x119: {  	v12 =	vld [tilespmem:s30+$0xA140];
	v8 =	vadd.f32 v10, v8  }
0x11a: {  	v7 =	vadd.f32 v9, v7  }
0x11b: {  	[tilespmem:s18+$0x420] =	vst v8  }
0x11c: {  	[tilespmem:s20+$0x20] =	vst v7  }
0x11d: {  	v8 =	vld [tilespmem:s29+$0x4530]  }
0x11e: {  	v7 =	vshll.u32 v11, $0x10;
	v9 =	vshll.u32 v12, $0x10;
	v11 =	vand.u32 $0xFFFF0000, v11;
	v10 =	vld [tilespmem:s29+$0xA530]  }
0x11f: {  	v12 =	vand.u32 $0xFFFF0000, v12;
	v7 =	vmul.f32 v7, v5;
	v9 =	vmul.f32 v9, v6  }
0x120: {  	v11 =	vmul.f32 v11, v5;
	v12 =	vmul.f32 v12, v6  }
0x121: {  	v7 =	vadd.f32 v9, v7  }
0x122: {  	v9 =	vadd.f32 v12, v11  }
0x123: {  	[tilespmem:s12+$0x40] =	vst v7;
	v7 =	vshll.u32 v8, $0x10;
	v8 =	vand.u32 $0xFFFF0000, v8;
	v11 =	vshll.u32 v10, $0x10  }
0x124: {  	[tilespmem:s21+$0x40] =	vst v9;
	v9 =	vand.u32 $0xFFFF0000, v10;
	v7 =	vmul.f32 v7, v3;
	v10 =	vmul.f32 v11, v4  }
0x125: {  	s23 =	simm.s32 $0x0;
	v11 =	vld [tilespmem:s30+$0x4150];
	v8 =	vmul.f32 v8, v3;
	v9 =	vmul.f32 v9, v4  }
0x126: {  	s26 =	smul.u32 $0xC00, s23;
	s15 =	simm.s32 $0x100;
	v12 =	vld [tilespmem:s30+$0xA150];
	v7 =	vadd.f32 v10, v7  }
0x127: {  	s19 =	sand.u32 $0x380, s15;
	v8 =	vadd.f32 v9, v8  }
0x128: {  	s31 =	sor.u32 s19, s26;
	[tilespmem:s18+$0x430] =	vst v7  }
0x129: {  	v9 =	vld [tilespmem:s31+$0x4100];
	[tilespmem:s20+$0x30] =	vst v8  }
0x12a: {  	v10 =	vld [tilespmem:s29+$0x4540]  }
0x12b: {  	v7 =	vshll.u32 v11, $0x10;
	v8 =	vshll.u32 v12, $0x10;
	v11 =	vand.u32 $0xFFFF0000, v11;
	v14 =	vld [tilespmem:s29+$0xA540]  }
0x12c: {  	v12 =	vand.u32 $0xFFFF0000, v12;
	v13 =	vmul.f32 v7, v5;
	v8 =	vmul.f32 v8, v6  }
0x12d: {  	s16 =	simm.s32 $0x200;
	v11 =	vmul.f32 v11, v5;
	v12 =	vmul.f32 v12, v6  }
0x12e: {  	v7 =	vld [tilespmem:s16+$0x0];
	v13 =	vadd.f32 v8, v13  }
0x12f: {  	v15 =	vld [tilespmem:s31+$0xA100];
	s17 =	simm.s32 $0x2200;
	v11 =	vadd.f32 v12, v11;
	v12 =	vshll.u32 v9, $0x10  }
0x130: {  	v8 =	vld [tilespmem:s17+$0x0];
	[tilespmem:s12+$0x50] =	vst v13;
	v13 =	vshll.u32 v10, $0x10;
	v10 =	vand.u32 $0xFFFF0000, v10;
	v16 =	vshll.u32 v14, $0x10  }
0x131: {  	[tilespmem:s21+$0x50] =	vst v11;
	v11 =	vand.u32 $0xFFFF0000, v14;
	v13 =	vmul.f32 v13, v3;
	v14 =	vmul.f32 v16, v4  }
0x132: {  	v9 =	vand.u32 $0xFFFF0000, v9;
	v17 =	vld [tilespmem:s30+$0x4160];
	v10 =	vmul.f32 v10, v3;
	v11 =	vmul.f32 v11, v4  }
0x133: {  	v12 =	vmul.f32 v12, v7;
	v9 =	vmul.f32 v9, v7;
	v18 =	vld [tilespmem:s30+$0xA160];
	v13 =	vadd.f32 v14, v13  }
0x134: {  	v16 =	vshll.u32 v15, $0x10;
	v14 =	vand.u32 $0xFFFF0000, v15;
	v10 =	vadd.f32 v11, v10  }
0x135: {  	s13 =	smul.u32 $0x6000, s23;
	v16 =	vmul.f32 v16, v8;
	v11 =	vmul.f32 v14, v8;
	[tilespmem:s18+$0x440] =	vst v13  }
0x136: {  	[tilespmem:s20+$0x40] =	vst v10  }
0x137: {  	s13 =	sshra.s32 s13, $0x2;
	v10 =	vadd.f32 v16, v12;
	v9 =	vadd.f32 v11, v9;
	v11 =	vld [tilespmem:s29+$0x4550]  }
0x138: {  	s13 =	sor.u32 s19, s13;
	v12 =	vshll.u32 v17, $0x10;
	v13 =	vand.u32 $0xFFFF0000, v17;
	v14 =	vshll.u32 v18, $0x10;
	v15 =	vld [tilespmem:s29+$0xA550]  }
0x139: {  	v12 =	vmul.f32 v12, v5;
	v14 =	vmul.f32 v14, v6;
	[tilespmem:s13+$0x10100] =	vst v10;
	v10 =	vand.u32 $0xFFFF0000, v18  }
0x13a: {  	[tilespmem:s13+$0x10D00] =	vst v9;
	v9 =	vmul.f32 v13, v5;
	v10 =	vmul.f32 v10, v6  }
0x13b: {  	v13 =	vld [tilespmem:s31+$0x4110]  }
0x13c: {  	v16 =	vld [tilespmem:s31+$0xA110];
	v12 =	vadd.f32 v14, v12;
	v9 =	vadd.f32 v10, v9  }
0x13d: {  	v10 =	vshll.u32 v11, $0x10;
	v11 =	vand.u32 $0xFFFF0000, v11;
	v14 =	vshll.u32 v15, $0x10  }
0x13e: {  	[tilespmem:s12+$0x60] =	vst v12;
	v15 =	vand.u32 $0xFFFF0000, v15;
	v10 =	vmul.f32 v10, v3;
	v14 =	vmul.f32 v14, v4  }
0x13f: {  	v11 =	vmul.f32 v11, v3;
	v12 =	vmul.f32 v15, v4;
	[tilespmem:s21+$0x60] =	vst v9  }
0x140: {  	v9 =	vshll.u32 v13, $0x10;
	v10 =	vadd.f32 v14, v10;
	v14 =	vld [tilespmem:s30+$0x4170]  }
0x141: {  	v15 =	vshll.u32 v16, $0x10;
	v13 =	vand.u32 $0xFFFF0000, v13;
	v11 =	vadd.f32 v12, v11;
	v12 =	vld [tilespmem:s30+$0xA170]  }
0x142: {  	v16 =	vand.u32 $0xFFFF0000, v16;
	v9 =	vmul.f32 v9, v7;
	v15 =	vmul.f32 v15, v8;
	[tilespmem:s18+$0x450] =	vst v10  }
0x143: {  	v10 =	vmul.f32 v13, v7;
	v13 =	vmul.f32 v16, v8;
	[tilespmem:s20+$0x50] =	vst v11  }
0x144: {  	v9 =	vadd.f32 v15, v9;
	v11 =	vld [tilespmem:s29+$0x4560]  }
0x145: {  	s14 =	sadd.s32 $0x10100, s13;
	v10 =	vadd.f32 v13, v10;
	v13 =	vld [tilespmem:s29+$0xA560]  }
0x146: {  	s19 =	sadd.s32 $0x10D00, s13;
	[tilespmem:s14+$0x10] =	vst v9;
	v9 =	vshll.u32 v14, $0x10;
	v14 =	vand.u32 $0xFFFF0000, v14;
	v15 =	vshll.u32 v12, $0x10  }
0x147: {  	[tilespmem:s19+$0x10] =	vst v10;
	v10 =	vand.u32 $0xFFFF0000, v12;
	v9 =	vmul.f32 v9, v5;
	v12 =	vmul.f32 v15, v6  }
0x148: {  	v14 =	vmul.f32 v14, v5;
	v15 =	vld [tilespmem:s31+$0x4120];
	v10 =	vmul.f32 v10, v6  }
0x149: {  	v16 =	vld [tilespmem:s31+$0xA120];
	v9 =	vadd.f32 v12, v9;
	v17 =	vshll.u32 v11, $0x10  }
0x14a: {  	v11 =	vand.u32 $0xFFFF0000, v11;
	v12 =	vshll.u32 v13, $0x10;
	v10 =	vadd.f32 v10, v14  }
0x14b: {  	v13 =	vand.u32 $0xFFFF0000, v13;
	v14 =	vmul.f32 v17, v3;
	v12 =	vmul.f32 v12, v4;
	[tilespmem:s12+$0x70] =	vst v9  }
0x14c: {  	v9 =	vmul.f32 v11, v3;
	[tilespmem:s21+$0x70] =	vst v10;
	v10 =	vmul.f32 v13, v4  }
0x14d: {  	v11 =	vshll.u32 v15, $0x10;
	v12 =	vadd.f32 v12, v14;
	v13 =	vld [tilespmem:s30+$0x4500]  }
0x14e: {  	v14 =	vand.u32 $0xFFFF0000, v15;
	v15 =	vshll.u32 v16, $0x10;
	v9 =	vadd.f32 v10, v9;
	v10 =	vld [tilespmem:s30+$0xA500]  }
0x14f: {  	v11 =	vmul.f32 v11, v7;
	v15 =	vmul.f32 v15, v8;
	[tilespmem:s18+$0x460] =	vst v12;
	v12 =	vand.u32 $0xFFFF0000, v16  }
0x150: {  	[tilespmem:s20+$0x60] =	vst v9;
	v9 =	vmul.f32 v14, v7;
	v12 =	vmul.f32 v12, v8  }
0x151: {  	v14 =	vld [tilespmem:s29+$0x4570]  }
0x152: {  	v11 =	vadd.f32 v15, v11;
	v16 =	vld [tilespmem:s29+$0xA570];
	v9 =	vadd.f32 v12, v9  }
0x153: {  	v12 =	vshll.u32 v13, $0x10;
	v13 =	vand.u32 $0xFFFF0000, v13;
	v15 =	vshll.u32 v10, $0x10  }
0x154: {  	[tilespmem:s14+$0x20] =	vst v11;
	v12 =	vmul.f32 v12, v5;
	v10 =	vand.u32 $0xFFFF0000, v10;
	v15 =	vmul.f32 v15, v6  }
0x155: {  	v11 =	vmul.f32 v13, v5;
	v10 =	vmul.f32 v10, v6;
	[tilespmem:s19+$0x20] =	vst v9  }
0x156: {  	v13 =	vld [tilespmem:s31+$0x4130];
	v9 =	vshll.u32 v14, $0x10;
	v12 =	vadd.f32 v15, v12  }
0x157: {  	v15 =	vshll.u32 v16, $0x10;
	v10 =	vadd.f32 v10, v11;
	v11 =	vld [tilespmem:s31+$0xA130];
	v14 =	vand.u32 $0xFFFF0000, v14  }
0x158: {  	v16 =	vand.u32 $0xFFFF0000, v16;
	v9 =	vmul.f32 v9, v3;
	v15 =	vmul.f32 v15, v4  }
0x159: {  	[tilespmem:s12+$0x400] =	vst v12;
	v12 =	vmul.f32 v14, v3;
	v14 =	vmul.f32 v16, v4  }
0x15a: {  	[tilespmem:s1+$0x11100] =	vst v10  }
0x15b: {  	v9 =	vadd.f32 v15, v9;
	v10 =	vld [tilespmem:s30+$0x4510];
	v12 =	vadd.f32 v14, v12  }
0x15c: {  	v15 =	vld [tilespmem:s30+$0xA510];
	v14 =	vshll.u32 v13, $0x10;
	v13 =	vand.u32 $0xFFFF0000, v13;
	v16 =	vshll.u32 v11, $0x10  }
0x15d: {  	[tilespmem:s18+$0x470] =	vst v9;
	v9 =	vand.u32 $0xFFFF0000, v11;
	v11 =	vmul.f32 v14, v7;
	v14 =	vmul.f32 v16, v8  }
0x15e: {  	[tilespmem:s20+$0x70] =	vst v12;
	v12 =	vmul.f32 v13, v7;
	v9 =	vmul.f32 v9, v8;
	_ =	sdelay $0x1  }
0x15f: {  	v13 =	vld [tilespmem:s29+$0x4900];
	v11 =	vadd.f32 v14, v11;
	v9 =	vadd.f32 v9, v12  }
0x160: {  	v14 =	vld [tilespmem:s29+$0xA900];
	v16 =	vshll.u32 v10, $0x10;
	v10 =	vand.u32 $0xFFFF0000, v10;
	v17 =	vshll.u32 v15, $0x10  }
0x161: {  	v12 =	vand.u32 $0xFFFF0000, v15;
	v15 =	vmul.f32 v16, v5;
	v16 =	vmul.f32 v17, v6;
	[tilespmem:s14+$0x30] =	vst v11  }
0x162: {  	v10 =	vmul.f32 v10, v5;
	v11 =	vmul.f32 v12, v6;
	[tilespmem:s19+$0x30] =	vst v9  }
0x163: {  	v9 =	vadd.f32 v16, v15;
	v12 =	vld [tilespmem:s31+$0x4140]  }
0x164: {  	v10 =	vadd.f32 v11, v10;
	v11 =	vld [tilespmem:s31+$0xA140]  }
0x165: {  	s18 =	sadd.s32 $0x11100, s1;
	v15 =	vshll.u32 v13, $0x10;
	v13 =	vand.u32 $0xFFFF0000, v13;
	v16 =	vshll.u32 v14, $0x10;
	[tilespmem:s12+$0x410] =	vst v9  }
0x166: {  	v9 =	vand.u32 $0xFFFF0000, v14;
	v14 =	vmul.f32 v16, v4;
	[tilespmem:s18+$0x10] =	vst v10;
	v10 =	vmul.f32 v15, v3  }
0x167: {  	v13 =	vmul.f32 v13, v3;
	v9 =	vmul.f32 v9, v4;
	v15 =	vld [tilespmem:s30+$0x4520]  }
0x168: {  	v16 =	vld [tilespmem:s30+$0xA520];
	v10 =	vadd.f32 v14, v10  }
0x169: {  	v14 =	vshll.u32 v12, $0x10;
	v17 =	vshll.u32 v11, $0x10;
	v9 =	vadd.f32 v9, v13  }
0x16a: {  	v13 =	vmul.f32 v14, v7;
	v14 =	vmul.f32 v17, v8;
	[tilespmem:s0+$0x10900] =	vst v10  }
0x16b: {  	v11 =	vand.u32 $0xFFFF0000, v11;
	v10 =	vand.u32 $0xFFFF0000, v12;
	[tilespmem:s0+$0x11500] =	vst v9  }
0x16c: {  	v11 =	vmul.f32 v11, v8;
	v9 =	vadd.f32 v14, v13;
	v10 =	vmul.f32 v10, v7;
	v17 =	vld [tilespmem:s29+$0xA910]  }
0x16d: {  	v12 =	vld [tilespmem:s29+$0x4910];
	v13 =	vshll.u32 v15, $0x10;
	v14 =	vand.u32 $0xFFFF0000, v15;
	v15 =	vshll.u32 v16, $0x10  }
0x16e: {  	v16 =	vand.u32 $0xFFFF0000, v16;
	v13 =	vmul.f32 v13, v5;
	v15 =	vmul.f32 v15, v6  }
0x16f: {  	v10 =	vadd.f32 v11, v10;
	v11 =	vmul.f32 v14, v5;
	v14 =	vmul.f32 v16, v6  }
0x170: {  	[tilespmem:s14+$0x40] =	vst v9;
	v9 =	vadd.f32 v15, v13  }
0x171: {  	[tilespmem:s19+$0x40] =	vst v10;
	v10 =	vadd.f32 v14, v11;
	v11 =	vshll.u32 v17, $0x10  }
0x172: {  	v14 =	vld [tilespmem:s31+$0x4150];
	[tilespmem:s12+$0x420] =	vst v9;
	v9 =	vshll.u32 v12, $0x10;
	v16 =	vmul.f32 v11, v4  }
0x173: {  	v15 =	vld [tilespmem:s31+$0xA150];
	v11 =	vand.u32 $0xFFFF0000, v17;
	[tilespmem:s18+$0x20] =	vst v10;
	v10 =	vmul.f32 v9, v3;
	v9 =	vand.u32 $0xFFFF0000, v12  }
0x174: {  	v11 =	vmul.f32 v11, v4;
	v12 =	vld [tilespmem:s30+$0x4530];
	v9 =	vmul.f32 v9, v3  }
0x175: {  	s20 =	simm.s32 $0x3;
	v13 =	vld [tilespmem:s30+$0xA530];
	v10 =	vadd.f32 v16, v10  }
.LBB2_2:
0x176: {  	p0 =	sne.s32 s20, $0x3F;
	s22 =	sadd.s32 $0x10900, s0;
	v9 =	vadd.f32 v11, v9  }
0x177: {  	s21 =	sadd.s32 $0x11500, s0;
	s0 =	smov.u32 s1;
	s1 =	smov.u32 s13;
	[tilespmem:s22+$0x10] =	vst v10  }
0x178: {  	v10 =	vshll.u32 v14, $0x10;
	v11 =	vshll.u32 v15, $0x10;
	[tilespmem:s21+$0x10] =	vst v9  }
0x179: {  	s26 =	sshrl.u32 s20, $0x3;
	v10 =	vmul.f32 v10, v7;
	v11 =	vmul.f32 v11, v8;
	v16 =	vld [tilespmem:s29+$0x4920]  }
0x17a: {  	s15 =	sadd.s32 $0x80, s15;
	s23 =	smul.u32 $0xC00, s26;
	v9 =	vshll.u32 v12, $0x10;
	v12 =	vand.u32 $0xFFFF0000, v12;
	v17 =	vshll.u32 v13, $0x10;
	v18 =	vld [tilespmem:s29+$0xA920]  }
0x17b: {  	s16 =	sadd.s32 $0x80, s16;
	s13 =	sand.u32 $0x380, s15;
	v13 =	vand.u32 $0xFFFF0000, v13;
	v19 =	vmul.f32 v9, v5;
	v17 =	vmul.f32 v17, v6  }
0x17c: {  	v14 =	vand.u32 $0xFFFF0000, v14;
	s23 =	sor.u32 s13, s23;
	v12 =	vmul.f32 v12, v5;
	v13 =	vmul.f32 v13, v6;
	v9 =	vld [tilespmem:s16+$0x0]  }
0x17d: {  	v15 =	vand.u32 $0xFFFF0000, v15;
	v14 =	vmul.f32 v14, v7;
	v20 =	vld [tilespmem:s23+$0x4100];
	v17 =	vadd.f32 v17, v19  }
0x17e: {  	s17 =	sadd.s32 $0x80, s17;
	v15 =	vmul.f32 v15, v8;
	v11 =	vadd.f32 v11, v10;
	v12 =	vadd.f32 v13, v12;
	v19 =	vld [tilespmem:s23+$0xA100]  }
0x17f: {  	v13 =	vshll.u32 v16, $0x10;
	v16 =	vand.u32 $0xFFFF0000, v16;
	v10 =	vld [tilespmem:s17+$0x0];
	[tilespmem:s12+$0x430] =	vst v17;
	v17 =	vshll.u32 v18, $0x10  }
0x180: {  	v13 =	vmul.f32 v13, v3;
	[tilespmem:s18+$0x30] =	vst v12;
	v12 =	vand.u32 $0xFFFF0000, v18;
	v17 =	vmul.f32 v17, v4  }
0x181: {  	v14 =	vadd.f32 v15, v14;
	v16 =	vmul.f32 v16, v3;
	v15 =	vld [tilespmem:s30+$0x4540];
	v12 =	vmul.f32 v12, v4  }
0x182: {  	[tilespmem:s14+$0x50] =	vst v11;
	v11 =	vld [tilespmem:s30+$0xA540];
	v13 =	vadd.f32 v17, v13  }
0x183: {  	v17 =	vshll.u32 v20, $0x10;
	v18 =	vshll.u32 v19, $0x10;
	[tilespmem:s19+$0x50] =	vst v14;
	v12 =	vadd.f32 v12, v16  }
0x184: {  	v14 =	vmul.f32 v17, v9;
	v16 =	vmul.f32 v18, v10;
	[tilespmem:s22+$0x20] =	vst v13  }
0x185: {  	v17 =	vand.u32 $0xFFFF0000, v19;
	v13 =	vand.u32 $0xFFFF0000, v20;
	v18 =	vld [tilespmem:s31+$0x4160];
	[tilespmem:s21+$0x20] =	vst v12  }
0x186: {  	s26 =	smul.u32 $0x6000, s26;
	v13 =	vmul.f32 v13, v9;
	v12 =	vadd.f32 v16, v14;
	v14 =	vmul.f32 v17, v10;
	v16 =	vld [tilespmem:s29+$0x4930]  }
0x187: {  	v17 =	vshll.u32 v15, $0x10;
	v15 =	vand.u32 $0xFFFF0000, v15;
	v19 =	vshll.u32 v11, $0x10;
	v20 =	vld [tilespmem:s29+$0xA930]  }
0x188: {  	s26 =	sshra.s32 s26, $0x2;
	v11 =	vand.u32 $0xFFFF0000, v11;
	v17 =	vmul.f32 v17, v5;
	v19 =	vmul.f32 v19, v6  }
0x189: {  	s13 =	sor.u32 s13, s26;
	v13 =	vadd.f32 v14, v13;
	v14 =	vmul.f32 v15, v5;
	v11 =	vmul.f32 v11, v6  }
0x18a: {  	[tilespmem:s13+$0x10100] =	vst v12;
	v12 =	vld [tilespmem:s31+$0xA160];
	v15 =	vadd.f32 v19, v17  }
0x18b: {  	v11 =	vadd.f32 v11, v14;
	[tilespmem:s13+$0x10D00] =	vst v13;
	v13 =	vshll.u32 v18, $0x10  }
0x18c: {  	v14 =	vld [tilespmem:s23+$0x4110];
	[tilespmem:s12+$0x440] =	vst v15;
	v15 =	vshll.u32 v16, $0x10;
	v16 =	vand.u32 $0xFFFF0000, v16;
	v17 =	vshll.u32 v20, $0x10  }
0x18d: {  	v19 =	vld [tilespmem:s23+$0xA110];
	[tilespmem:s18+$0x40] =	vst v11;
	v11 =	vand.u32 $0xFFFF0000, v20;
	v15 =	vmul.f32 v15, v3;
	v17 =	vmul.f32 v17, v4  }
0x18e: {  	v18 =	vand.u32 $0xFFFF0000, v18;
	v16 =	vmul.f32 v16, v3;
	v20 =	vld [tilespmem:s30+$0x4550];
	v11 =	vmul.f32 v11, v4  }
0x18f: {  	v21 =	vshll.u32 v12, $0x10;
	v12 =	vand.u32 $0xFFFF0000, v12;
	v22 =	vld [tilespmem:s30+$0xA550];
	v15 =	vadd.f32 v17, v15  }
0x190: {  	v13 =	vmul.f32 v13, v7;
	v17 =	vmul.f32 v21, v8;
	v11 =	vadd.f32 v11, v16  }
0x191: {  	v18 =	vmul.f32 v18, v7;
	v12 =	vmul.f32 v12, v8;
	v16 =	vshll.u32 v14, $0x10;
	[tilespmem:s22+$0x30] =	vst v15  }
0x192: {  	v15 =	vshll.u32 v19, $0x10;
	v16 =	vmul.f32 v16, v9;
	[tilespmem:s21+$0x30] =	vst v11  }
0x193: {  	v13 =	vadd.f32 v17, v13;
	v12 =	vadd.f32 v12, v18;
	v11 =	vmul.f32 v15, v10;
	v15 =	vld [tilespmem:s29+$0x4940]  }
0x194: {  	v17 =	vshll.u32 v20, $0x10;
	v18 =	vand.u32 $0xFFFF0000, v20;
	v20 =	vshll.u32 v22, $0x10;
	v21 =	vld [tilespmem:s29+$0xA940]  }
0x195: {  	v22 =	vand.u32 $0xFFFF0000, v22;
	v17 =	vmul.f32 v17, v5;
	v20 =	vmul.f32 v20, v6  }
0x196: {  	v14 =	vand.u32 $0xFFFF0000, v14;
	[tilespmem:s14+$0x60] =	vst v13;
	v13 =	vmul.f32 v18, v5;
	v18 =	vmul.f32 v22, v6  }
0x197: {  	v19 =	vand.u32 $0xFFFF0000, v19;
	v14 =	vmul.f32 v14, v9;
	[tilespmem:s19+$0x60] =	vst v12;
	v12 =	vadd.f32 v20, v17  }
0x198: {  	v11 =	vadd.f32 v11, v16;
	v16 =	vmul.f32 v19, v10;
	v17 =	vld [tilespmem:s31+$0x4170];
	v13 =	vadd.f32 v18, v13  }
0x199: {  	v18 =	vld [tilespmem:s31+$0xA170];
	[tilespmem:s12+$0x450] =	vst v12;
	v12 =	vshll.u32 v15, $0x10;
	v15 =	vand.u32 $0xFFFF0000, v15;
	v19 =	vshll.u32 v21, $0x10  }
0x19a: {  	[tilespmem:s18+$0x50] =	vst v13;
	v13 =	vand.u32 $0xFFFF0000, v21;
	v12 =	vmul.f32 v12, v3;
	v19 =	vmul.f32 v19, v4  }
0x19b: {  	s26 =	sadd.s32 $0x10100, s13;
	v14 =	vadd.f32 v16, v14;
	v15 =	vmul.f32 v15, v3;
	v16 =	vld [tilespmem:s30+$0x4560];
	v13 =	vmul.f32 v13, v4  }
0x19c: {  	s4 =	sadd.s32 $0x10D00, s13;
	[tilespmem:s26+$0x10] =	vst v11;
	v11 =	vld [tilespmem:s30+$0xA560];
	v12 =	vadd.f32 v19, v12  }
0x19d: {  	[tilespmem:s4+$0x10] =	vst v14;
	v13 =	vadd.f32 v13, v15  }
0x19e: {  	v15 =	vshll.u32 v17, $0x10;
	v17 =	vand.u32 $0xFFFF0000, v17;
	v14 =	vld [tilespmem:s23+$0x4120];
	v19 =	vshll.u32 v18, $0x10;
	[tilespmem:s22+$0x40] =	vst v12  }
0x19f: {  	v18 =	vand.u32 $0xFFFF0000, v18;
	v15 =	vmul.f32 v15, v7;
	v12 =	vld [tilespmem:s23+$0xA120];
	v19 =	vmul.f32 v19, v8;
	[tilespmem:s21+$0x40] =	vst v13  }
0x1a0: {  	v13 =	vmul.f32 v17, v7;
	v17 =	vmul.f32 v18, v8;
	v18 =	vld [tilespmem:s29+$0x4950]  }
0x1a1: {  	v20 =	vshll.u32 v16, $0x10;
	v16 =	vand.u32 $0xFFFF0000, v16;
	v21 =	vshll.u32 v11, $0x10;
	v22 =	vld [tilespmem:s29+$0xA950]  }
0x1a2: {  	v11 =	vand.u32 $0xFFFF0000, v11;
	v20 =	vmul.f32 v20, v5;
	v21 =	vmul.f32 v21, v6  }
0x1a3: {  	v15 =	vadd.f32 v19, v15;
	v16 =	vmul.f32 v16, v5;
	v11 =	vmul.f32 v11, v6  }
0x1a4: {  	v13 =	vadd.f32 v17, v13;
	v19 =	vshll.u32 v14, $0x10;
	v14 =	vand.u32 $0xFFFF0000, v14  }
0x1a5: {  	v17 =	vshll.u32 v12, $0x10;
	v11 =	vadd.f32 v11, v16;
	[tilespmem:s14+$0x70] =	vst v15;
	v15 =	vadd.f32 v21, v20  }
0x1a6: {  	v16 =	vand.u32 $0xFFFF0000, v18;
	[tilespmem:s19+$0x70] =	vst v13;
	v13 =	vshll.u32 v18, $0x10;
	v18 =	vshll.u32 v22, $0x10;
	s19 =	smov.u32 s4  }
0x1a7: {  	v20 =	vld [tilespmem:s31+$0x4500];
	[tilespmem:s12+$0x460] =	vst v15;
	v15 =	vand.u32 $0xFFFF0000, v22;
	v13 =	vmul.f32 v13, v3;
	v18 =	vmul.f32 v18, v4  }
0x1a8: {  	v12 =	vand.u32 $0xFFFF0000, v12;
	v21 =	vld [tilespmem:s31+$0xA500];
	[tilespmem:s18+$0x60] =	vst v11;
	v11 =	vmul.f32 v16, v3;
	v15 =	vmul.f32 v15, v4  }
0x1a9: {  	v17 =	vmul.f32 v17, v10;
	v16 =	vmul.f32 v19, v9;
	v19 =	vld [tilespmem:s30+$0x4570];
	v13 =	vadd.f32 v18, v13  }
0x1aa: {  	v14 =	vmul.f32 v14, v9;
	v12 =	vmul.f32 v12, v10;
	v18 =	vld [tilespmem:s30+$0xA570];
	v11 =	vadd.f32 v15, v11  }
0x1ab: {  	[tilespmem:s22+$0x50] =	vst v13  }
0x1ac: {  	v12 =	vadd.f32 v12, v14;
	v13 =	vadd.f32 v17, v16;
	v14 =	vshll.u32 v20, $0x10;
	[tilespmem:s21+$0x50] =	vst v11  }
0x1ad: {  	v11 =	vand.u32 $0xFFFF0000, v20;
	v15 =	vshll.u32 v21, $0x10;
	v14 =	vmul.f32 v14, v7;
	v16 =	vld [tilespmem:s29+$0x4960]  }
0x1ae: {  	v17 =	vand.u32 $0xFFFF0000, v21;
	v11 =	vmul.f32 v11, v7;
	v15 =	vmul.f32 v15, v8;
	v20 =	vld [tilespmem:s29+$0xA960]  }
0x1af: {  	[tilespmem:s26+$0x20] =	vst v13;
	v13 =	vmul.f32 v17, v8;
	v17 =	vshll.u32 v19, $0x10;
	v21 =	vshll.u32 v18, $0x10  }
0x1b0: {  	[tilespmem:s19+$0x20] =	vst v12;
	v12 =	vadd.f32 v15, v14;
	v14 =	vmul.f32 v17, v5;
	v15 =	vmul.f32 v21, v6  }
0x1b1: {  	v18 =	vand.u32 $0xFFFF0000, v18;
	v17 =	vld [tilespmem:s23+$0x4130];
	v11 =	vadd.f32 v13, v11;
	v13 =	vand.u32 $0xFFFF0000, v19  }
0x1b2: {  	v19 =	vld [tilespmem:s23+$0xA130];
	[tilespmem:s14+$0x400] =	vst v12;
	v12 =	vadd.f32 v15, v14;
	v13 =	vmul.f32 v13, v5;
	v14 =	vmul.f32 v18, v6  }
0x1b3: {  	v15 =	vand.u32 $0xFFFF0000, v16;
	[tilespmem:s1+$0x11100] =	vst v11;
	v11 =	vshll.u32 v16, $0x10;
	v16 =	vshll.u32 v20, $0x10  }
0x1b4: {  	v20 =	vand.u32 $0xFFFF0000, v20;
	v18 =	vld [tilespmem:s31+$0x4510];
	v11 =	vmul.f32 v11, v3;
	v16 =	vmul.f32 v16, v4  }
0x1b5: {  	v13 =	vadd.f32 v14, v13;
	v14 =	vmul.f32 v15, v3;
	v15 =	vmul.f32 v20, v4;
	v21 =	vld [tilespmem:s31+$0xA510]  }
0x1b6: {  	v20 =	vshll.u32 v17, $0x10;
	[tilespmem:s12+$0x470] =	vst v12;
	v11 =	vadd.f32 v16, v11;
	s12 =	smov.u32 s14;
	s14 =	smov.u32 s26  }
0x1b7: {  	v12 =	vand.u32 $0xFFFF0000, v17;
	v16 =	vshll.u32 v19, $0x10;
	[tilespmem:s18+$0x70] =	vst v13;
	v13 =	vadd.f32 v15, v14  }
0x1b8: {  	v14 =	vand.u32 $0xFFFF0000, v19;
	v15 =	vmul.f32 v20, v9;
	v16 =	vmul.f32 v16, v10;
	v17 =	vld [tilespmem:s30+$0x4900];
	[tilespmem:s22+$0x60] =	vst v11  }
0x1b9: {  	v11 =	vmul.f32 v12, v9;
	v12 =	vmul.f32 v14, v10;
	v14 =	vld [tilespmem:s30+$0xA900];
	[tilespmem:s21+$0x60] =	vst v13  }
0x1ba: {  	v13 =	vshll.u32 v18, $0x10;
	v18 =	vand.u32 $0xFFFF0000, v18;
	v19 =	vshll.u32 v21, $0x10;
	v20 =	vld [tilespmem:s29+$0x4970]  }
0x1bb: {  	v21 =	vand.u32 $0xFFFF0000, v21;
	v13 =	vmul.f32 v13, v7;
	v19 =	vmul.f32 v19, v8;
	v22 =	vld [tilespmem:s29+$0xA970];
	s29 =	smov.u32 s30;
	s30 =	smov.u32 s31;
	s31 =	smov.u32 s23  }
0x1bc: {  	v15 =	vadd.f32 v16, v15;
	v16 =	vmul.f32 v18, v7;
	v18 =	vmul.f32 v21, v8  }
0x1bd: {  	v11 =	vadd.f32 v12, v11  }
0x1be: {  	v12 =	vadd.f32 v19, v13;
	v13 =	vadd.f32 v18, v16;
	[tilespmem:s14+$0x30] =	vst v15  }
0x1bf: {  	v15 =	vand.u32 $0xFFFF0000, v17;
	v16 =	vshll.u32 v14, $0x10;
	[tilespmem:s19+$0x30] =	vst v11;
	v11 =	vshll.u32 v17, $0x10  }
0x1c0: {  	v18 =	vshll.u32 v20, $0x10;
	v19 =	vand.u32 $0xFFFF0000, v20;
	v17 =	vld [tilespmem:s31+$0x4140];
	v20 =	vshll.u32 v22, $0x10  }
0x1c1: {  	v22 =	vand.u32 $0xFFFF0000, v22;
	v18 =	vmul.f32 v18, v3;
	v21 =	vld [tilespmem:s31+$0xA140];
	v20 =	vmul.f32 v20, v4  }
0x1c2: {  	s18 =	sadd.s32 $0x11100, s1;
	v22 =	vmul.f32 v22, v4;
	[tilespmem:s12+$0x410] =	vst v12;
	v12 =	vand.u32 $0xFFFF0000, v14;
	v14 =	vmul.f32 v19, v3;
	v3 =	vmovc v5  }
0x1c3: {  	[tilespmem:s18+$0x10] =	vst v13;
	v11 =	vmul.f32 v11, v3;
	v13 =	vmul.f32 v16, v6;
	v16 =	vadd.f32 v20, v18  }
0x1c4: {  	v5 =	vmovc v7;
	v15 =	vmul.f32 v15, v3;
	v12 =	vmul.f32 v12, v6;
	v18 =	vld [tilespmem:s30+$0x4520];
	v14 =	vadd.f32 v22, v14  }
0x1c5: {  	v4 =	vmovc v6;
	v7 =	vmovc v9;
	v6 =	vmov v8;
	v8 =	vmov v10;
	v19 =	vld [tilespmem:s30+$0xA520];
	v11 =	vadd.f32 v13, v11;
	[tilespmem:s22+$0x70] =	vst v16  }
0x1c6: {  	v9 =	vshll.u32 v17, $0x10;
	v12 =	vadd.f32 v12, v15;
	v10 =	vshll.u32 v21, $0x10;
	[tilespmem:s21+$0x70] =	vst v14  }
0x1c7: {  	v9 =	vmul.f32 v9, v7;
	v10 =	vmul.f32 v10, v8;
	[tilespmem:s0+$0x10900] =	vst v11  }
0x1c8: {  	v13 =	vand.u32 $0xFFFF0000, v21;
	v11 =	vand.u32 $0xFFFF0000, v17;
	[tilespmem:s0+$0x11500] =	vst v12  }
0x1c9: {  	v9 =	vadd.f32 v10, v9;
	v10 =	vmul.f32 v11, v7;
	v11 =	vmul.f32 v13, v8;
	v12 =	vld [tilespmem:s29+$0x4910]  }
0x1ca: {  	v13 =	vshll.u32 v18, $0x10;
	v14 =	vand.u32 $0xFFFF0000, v18;
	v15 =	vshll.u32 v19, $0x10;
	v16 =	vld [tilespmem:s29+$0xA910]  }
0x1cb: {  	v17 =	vand.u32 $0xFFFF0000, v19;
	v13 =	vmul.f32 v13, v5;
	v15 =	vmul.f32 v15, v6  }
0x1cc: {  	v10 =	vadd.f32 v11, v10;
	v11 =	vmul.f32 v14, v5;
	v14 =	vmul.f32 v17, v6  }
0x1cd: {  	[tilespmem:s14+$0x40] =	vst v9;
	v9 =	vadd.f32 v15, v13  }
.Ltmp0:
0x1ce: {  	[tilespmem:s19+$0x40] =	vst v10;
	v10 =	vadd.f32 v14, v11;
	(pc) =	sbr.rel @p0 .LBB2_2-.Ltmp0, $4  }
0x1cf: {  	v11 =	vand.u32 $0xFFFF0000, v12;
	v14 =	vld [tilespmem:s31+$0x4150];
	[tilespmem:s12+$0x420] =	vst v9;
	v9 =	vshll.u32 v12, $0x10;
	v12 =	vshll.u32 v16, $0x10  }
0x1d0: {  	v15 =	vld [tilespmem:s31+$0xA150];
	[tilespmem:s18+$0x20] =	vst v10;
	v10 =	vand.u32 $0xFFFF0000, v16;
	v16 =	vmul.f32 v9, v3;
	v17 =	vmul.f32 v12, v4  }
0x1d1: {  	v9 =	vmul.f32 v11, v3;
	v12 =	vld [tilespmem:s30+$0x4530];
	v11 =	vmul.f32 v10, v4  }
0x1d2: {  	s20 =	sadd.s32 $0x1, s20;
	v13 =	vld [tilespmem:s30+$0xA530];
	v10 =	vadd.f32 v17, v16  }
0x1d3: {  	_ =	sdelay $0x1  }
0x1d4: {  	v16 =	vshll.u32 v14, $0x10;
	v33 =	vand.u32 $0xFFFF0000, v14;
	v17 =	vshll.u32 v15, $0x10  }
0x1d5: {  	v16 =	vmul.f32 v16, v7;
	v34 =	vand.u32 $0xFFFF0000, v15;
	v17 =	vmul.f32 v17, v8  }
0x1d6: {  	v14 =	vmul.f32 v33, v7;
	v15 =	vmul.f32 v34, v8  }
0x1d7: {  	v16 =	vadd.f32 v17, v16  }
0x1d8: {  	v14 =	vadd.f32 v15, v14  }
0x1d9: {  	[tilespmem:s14+$0x50] =	vst v16  }
0x1da: {  	[tilespmem:s19+$0x50] =	vst v14  }
0x1db: {  	v14 =	vld [tilespmem:s31+$0x4160]  }
0x1dc: {  	v35 =	vld [tilespmem:s31+$0xA160];
	_ =	sdelay $0x4  }
0x1dd: {  	v36 =	vshll.u32 v14, $0x10;
	v14 =	vand.u32 $0xFFFF0000, v14;
	v37 =	vshll.u32 v35, $0x10  }
0x1de: {  	v15 =	vand.u32 $0xFFFF0000, v35;
	v16 =	vmul.f32 v36, v7;
	v17 =	vmul.f32 v37, v8  }
0x1df: {  	v14 =	vmul.f32 v14, v7;
	v15 =	vmul.f32 v15, v8  }
0x1e0: {  	v16 =	vadd.f32 v17, v16  }
0x1e1: {  	v14 =	vadd.f32 v15, v14  }
0x1e2: {  	[tilespmem:s14+$0x60] =	vst v16  }
0x1e3: {  	[tilespmem:s19+$0x60] =	vst v14  }
0x1e4: {  	v14 =	vld [tilespmem:s31+$0x4170]  }
0x1e5: {  	v38 =	vld [tilespmem:s31+$0xA170];
	_ =	sdelay $0x4  }
0x1e6: {  	v39 =	vshll.u32 v14, $0x10;
	v14 =	vand.u32 $0xFFFF0000, v14;
	v40 =	vshll.u32 v38, $0x10  }
0x1e7: {  	v15 =	vand.u32 $0xFFFF0000, v38;
	v16 =	vmul.f32 v39, v7;
	v17 =	vmul.f32 v40, v8  }
0x1e8: {  	v14 =	vmul.f32 v14, v7;
	v15 =	vmul.f32 v15, v8  }
0x1e9: {  	v16 =	vadd.f32 v17, v16  }
0x1ea: {  	v14 =	vadd.f32 v15, v14  }
0x1eb: {  	[tilespmem:s14+$0x70] =	vst v16  }
0x1ec: {  	[tilespmem:s19+$0x70] =	vst v14  }
0x1ed: {  	v14 =	vld [tilespmem:s31+$0x4500]  }
0x1ee: {  	v41 =	vld [tilespmem:s31+$0xA500];
	_ =	sdelay $0x4  }
0x1ef: {  	v42 =	vshll.u32 v14, $0x10;
	v14 =	vand.u32 $0xFFFF0000, v14;
	v43 =	vshll.u32 v41, $0x10  }
0x1f0: {  	v15 =	vand.u32 $0xFFFF0000, v41;
	v16 =	vmul.f32 v42, v7;
	v17 =	vmul.f32 v43, v8  }
0x1f1: {  	v14 =	vmul.f32 v14, v7;
	v15 =	vmul.f32 v15, v8  }
0x1f2: {  	v16 =	vadd.f32 v17, v16  }
0x1f3: {  	v14 =	vadd.f32 v15, v14  }
0x1f4: {  	[tilespmem:s14+$0x400] =	vst v16  }
0x1f5: {  	[tilespmem:s13+$0x11100] =	vst v14  }
0x1f6: {  	v14 =	vld [tilespmem:s31+$0x4510]  }
0x1f7: {  	v44 =	vld [tilespmem:s31+$0xA510];
	_ =	sdelay $0x4  }
0x1f8: {  	v45 =	vshll.u32 v14, $0x10;
	v14 =	vand.u32 $0xFFFF0000, v14;
	v46 =	vshll.u32 v44, $0x10  }
0x1f9: {  	v15 =	vand.u32 $0xFFFF0000, v44;
	v16 =	vmul.f32 v45, v7;
	v17 =	vmul.f32 v46, v8  }
0x1fa: {  	v14 =	vmul.f32 v14, v7;
	v15 =	vmul.f32 v15, v8  }
0x1fb: {  	v16 =	vadd.f32 v17, v16  }
0x1fc: {  	v14 =	vadd.f32 v15, v14  }
0x1fd: {  	s15 =	sadd.s32 $0x11100, s13;
	[tilespmem:s14+$0x410] =	vst v16  }
0x1fe: {  	[tilespmem:s15+$0x10] =	vst v14  }
0x1ff: {  	v14 =	vld [tilespmem:s31+$0x4520]  }
0x200: {  	v47 =	vld [tilespmem:s31+$0xA520];
	_ =	sdelay $0x4  }
0x201: {  	v48 =	vshll.u32 v14, $0x10;
	v14 =	vand.u32 $0xFFFF0000, v14;
	v49 =	vshll.u32 v47, $0x10  }
0x202: {  	v15 =	vand.u32 $0xFFFF0000, v47;
	v16 =	vmul.f32 v48, v7;
	v17 =	vmul.f32 v49, v8  }
0x203: {  	v14 =	vmul.f32 v14, v7;
	v15 =	vmul.f32 v15, v8  }
0x204: {  	v16 =	vadd.f32 v17, v16  }
0x205: {  	v14 =	vadd.f32 v15, v14  }
0x206: {  	[tilespmem:s14+$0x420] =	vst v16  }
0x207: {  	[tilespmem:s15+$0x20] =	vst v14  }
0x208: {  	v14 =	vld [tilespmem:s31+$0x4530]  }
0x209: {  	v50 =	vshll.u32 v12, $0x10;
	v51 =	vand.u32 $0xFFFF0000, v12;
	v52 =	vshll.u32 v13, $0x10;
	v53 =	vld [tilespmem:s31+$0xA530]  }
0x20a: {  	v54 =	vand.u32 $0xFFFF0000, v13;
	v15 =	vmul.f32 v50, v5;
	v16 =	vmul.f32 v52, v6  }
0x20b: {  	v12 =	vmul.f32 v51, v5;
	v13 =	vmul.f32 v54, v6  }
0x20c: {  	v15 =	vadd.f32 v16, v15  }
0x20d: {  	v12 =	vadd.f32 v13, v12  }
0x20e: {  	[tilespmem:s12+$0x430] =	vst v15;
	v55 =	vshll.u32 v14, $0x10;
	v14 =	vand.u32 $0xFFFF0000, v14;
	v56 =	vshll.u32 v53, $0x10  }
0x20f: {  	[tilespmem:s18+$0x30] =	vst v12;
	v57 =	vand.u32 $0xFFFF0000, v53;
	v13 =	vmul.f32 v55, v7;
	v15 =	vmul.f32 v56, v8  }
0x210: {  	v58 =	vld [tilespmem:s30+$0x4540];
	v14 =	vmul.f32 v14, v7;
	v12 =	vmul.f32 v57, v8  }
0x211: {  	v59 =	vld [tilespmem:s30+$0xA540];
	v13 =	vadd.f32 v15, v13  }
0x212: {  	v12 =	vadd.f32 v12, v14  }
0x213: {  	[tilespmem:s14+$0x430] =	vst v13  }
0x214: {  	[tilespmem:s15+$0x30] =	vst v12  }
0x215: {  	v12 =	vld [tilespmem:s31+$0x4540]  }
0x216: {  	v60 =	vshll.u32 v58, $0x10;
	v61 =	vand.u32 $0xFFFF0000, v58;
	v62 =	vshll.u32 v59, $0x10;
	v63 =	vld [tilespmem:s31+$0xA540]  }
0x217: {  	v17 =	vand.u32 $0xFFFF0000, v59;
	v13 =	vmul.f32 v60, v5;
	v15 =	vmul.f32 v62, v6  }
0x218: {  	v14 =	vmul.f32 v61, v5;
	v17 =	vmul.f32 v17, v6  }
0x219: {  	v13 =	vadd.f32 v15, v13  }
0x21a: {  	v14 =	vadd.f32 v17, v14  }
0x21b: {  	[tilespmem:s12+$0x440] =	vst v13;
	v18 =	vshll.u32 v12, $0x10;
	v12 =	vand.u32 $0xFFFF0000, v12;
	v19 =	vshll.u32 v63, $0x10  }
0x21c: {  	[tilespmem:s18+$0x40] =	vst v14;
	v20 =	vand.u32 $0xFFFF0000, v63;
	v13 =	vmul.f32 v18, v7;
	v15 =	vmul.f32 v19, v8  }
0x21d: {  	v21 =	vld [tilespmem:s30+$0x4550];
	v12 =	vmul.f32 v12, v7;
	v14 =	vmul.f32 v20, v8  }
0x21e: {  	v22 =	vld [tilespmem:s30+$0xA550];
	v13 =	vadd.f32 v15, v13  }
0x21f: {  	v12 =	vadd.f32 v14, v12  }
0x220: {  	[tilespmem:s14+$0x440] =	vst v13  }
0x221: {  	[tilespmem:s15+$0x40] =	vst v12  }
0x222: {  	v12 =	vld [tilespmem:s31+$0x4550]  }
0x223: {  	v23 =	vshll.u32 v21, $0x10;
	v24 =	vand.u32 $0xFFFF0000, v21;
	v25 =	vshll.u32 v22, $0x10;
	v26 =	vld [tilespmem:s31+$0xA550]  }
0x224: {  	v17 =	vand.u32 $0xFFFF0000, v22;
	v13 =	vmul.f32 v23, v5;
	v15 =	vmul.f32 v25, v6  }
0x225: {  	v14 =	vmul.f32 v24, v5;
	v17 =	vmul.f32 v17, v6  }
0x226: {  	v13 =	vadd.f32 v15, v13  }
0x227: {  	v14 =	vadd.f32 v17, v14  }
0x228: {  	[tilespmem:s12+$0x450] =	vst v13;
	v27 =	vshll.u32 v12, $0x10;
	v12 =	vand.u32 $0xFFFF0000, v12;
	v28 =	vshll.u32 v26, $0x10  }
0x229: {  	[tilespmem:s18+$0x50] =	vst v14;
	v29 =	vand.u32 $0xFFFF0000, v26;
	v13 =	vmul.f32 v27, v7;
	v15 =	vmul.f32 v28, v8  }
0x22a: {  	v30 =	vld [tilespmem:s30+$0x4560];
	v12 =	vmul.f32 v12, v7;
	v14 =	vmul.f32 v29, v8  }
0x22b: {  	v31 =	vld [tilespmem:s30+$0xA560];
	v13 =	vadd.f32 v15, v13  }
0x22c: {  	v12 =	vadd.f32 v14, v12  }
0x22d: {  	[tilespmem:s14+$0x450] =	vst v13  }
0x22e: {  	[tilespmem:s15+$0x50] =	vst v12  }
0x22f: {  	v12 =	vld [tilespmem:s31+$0x4560]  }
0x230: {  	v32 =	vshll.u32 v30, $0x10;
	v33 =	vand.u32 $0xFFFF0000, v30;
	v34 =	vshll.u32 v31, $0x10;
	v35 =	vld [tilespmem:s31+$0xA560]  }
0x231: {  	v17 =	vand.u32 $0xFFFF0000, v31;
	v13 =	vmul.f32 v32, v5;
	v15 =	vmul.f32 v34, v6  }
0x232: {  	v14 =	vmul.f32 v33, v5;
	v17 =	vmul.f32 v17, v6  }
0x233: {  	v13 =	vadd.f32 v15, v13  }
0x234: {  	v14 =	vadd.f32 v17, v14  }
0x235: {  	[tilespmem:s12+$0x460] =	vst v13;
	v36 =	vshll.u32 v12, $0x10;
	v12 =	vand.u32 $0xFFFF0000, v12;
	v37 =	vshll.u32 v35, $0x10  }
0x236: {  	[tilespmem:s18+$0x60] =	vst v14;
	v38 =	vand.u32 $0xFFFF0000, v35;
	v13 =	vmul.f32 v36, v7;
	v15 =	vmul.f32 v37, v8  }
0x237: {  	v39 =	vld [tilespmem:s30+$0x4570];
	v12 =	vmul.f32 v12, v7;
	v14 =	vmul.f32 v38, v8  }
0x238: {  	v40 =	vld [tilespmem:s30+$0xA570];
	v13 =	vadd.f32 v15, v13  }
0x239: {  	v12 =	vadd.f32 v14, v12  }
0x23a: {  	[tilespmem:s14+$0x460] =	vst v13  }
0x23b: {  	[tilespmem:s15+$0x60] =	vst v12  }
0x23c: {  	v13 =	vld [tilespmem:s31+$0x4570]  }
0x23d: {  	v41 =	vshll.u32 v39, $0x10;
	v42 =	vshll.u32 v40, $0x10;
	v16 =	vand.u32 $0xFFFF0000, v39;
	v43 =	vld [tilespmem:s31+$0xA570]  }
0x23e: {  	v17 =	vand.u32 $0xFFFF0000, v40;
	v14 =	vmul.f32 v42, v6;
	v12 =	vmul.f32 v41, v5  }
0x23f: {  	v16 =	vmul.f32 v16, v5;
	v17 =	vmul.f32 v17, v6  }
0x240: {  	v12 =	vadd.f32 v14, v12  }
0x241: {  	v44 =	vadd.f32 v17, v16  }
0x242: {  	[tilespmem:s12+$0x470] =	vst v12;
	v45 =	vshll.u32 v13, $0x10;
	v46 =	vshll.u32 v43, $0x10;
	v13 =	vand.u32 $0xFFFF0000, v13  }
0x243: {  	[tilespmem:s18+$0x70] =	vst v44;
	v47 =	vand.u32 $0xFFFF0000, v43;
	v16 =	vmul.f32 v45, v7;
	v12 =	vmul.f32 v46, v8  }
0x244: {  	v9 =	vadd.f32 v11, v9;
	s19 =	sadd.s32 $0x10900, s0;
	v48 =	vld [tilespmem:s30+$0x4900];
	v13 =	vmul.f32 v13, v7;
	v14 =	vmul.f32 v47, v8  }
0x245: {  	s20 =	sadd.s32 $0x11500, s0;
	[tilespmem:s19+$0x10] =	vst v10;
	v49 =	vld [tilespmem:s30+$0xA900];
	v12 =	vadd.f32 v12, v16  }
0x246: {  	[tilespmem:s20+$0x10] =	vst v9;
	v50 =	vadd.f32 v14, v13  }
0x247: {  	[tilespmem:s14+$0x470] =	vst v12  }
0x248: {  	v51 =	vld [tilespmem:s29+$0x4920];
	[tilespmem:s15+$0x70] =	vst v50  }
0x249: {  	v9 =	vld [tilespmem:s31+$0x4900]  }
0x24a: {  	v52 =	vshll.u32 v48, $0x10;
	v11 =	vand.u32 $0xFFFF0000, v48;
	v53 =	vshll.u32 v49, $0x10;
	v54 =	vld [tilespmem:s31+$0xA900]  }
0x24b: {  	v10 =	vand.u32 $0xFFFF0000, v49;
	v13 =	vmul.f32 v52, v5;
	v14 =	vmul.f32 v53, v6  }
0x24c: {  	v55 =	vld [tilespmem:s29+$0xA920];
	v11 =	vmul.f32 v11, v5;
	v10 =	vmul.f32 v10, v6  }
0x24d: {  	v13 =	vadd.f32 v14, v13  }
0x24e: {  	v56 =	vshll.u32 v51, $0x10;
	v10 =	vadd.f32 v10, v11  }
0x24f: {  	[tilespmem:s1+$0x10900] =	vst v13;
	v57 =	vshll.u32 v9, $0x10;
	v9 =	vand.u32 $0xFFFF0000, v9;
	v58 =	vshll.u32 v54, $0x10  }
0x250: {  	[tilespmem:s1+$0x11500] =	vst v10;
	v59 =	vand.u32 $0xFFFF0000, v54;
	v11 =	vmul.f32 v57, v7;
	v13 =	vmul.f32 v58, v8  }
0x251: {  	v61 =	vshll.u32 v55, $0x10;
	v60 =	vld [tilespmem:s30+$0x4910];
	v9 =	vmul.f32 v9, v7;
	v10 =	vmul.f32 v59, v8  }
0x252: {  	v62 =	vmul.f32 v56, v3;
	v63 =	vmul.f32 v61, v4;
	v18 =	vld [tilespmem:s30+$0xA910];
	v11 =	vadd.f32 v13, v11  }
0x253: {  	v16 =	vand.u32 $0xFFFF0000, v55;
	v12 =	vand.u32 $0xFFFF0000, v51;
	v9 =	vadd.f32 v10, v9  }
0x254: {  	v19 =	vmul.f32 v16, v4;
	v17 =	vmul.f32 v12, v3;
	[tilespmem:s13+$0x10900] =	vst v11  }
0x255: {  	[tilespmem:s13+$0x11500] =	vst v9  }
0x256: {  	v20 =	vadd.f32 v63, v62;
	v10 =	vadd.f32 v19, v17;
	v11 =	vld [tilespmem:s31+$0x4910]  }
0x257: {  	v21 =	vshll.u32 v60, $0x10;
	v22 =	vand.u32 $0xFFFF0000, v60;
	v23 =	vshll.u32 v18, $0x10;
	v24 =	vld [tilespmem:s31+$0xA910]  }
0x258: {  	[tilespmem:s19+$0x20] =	vst v20;
	v25 =	vand.u32 $0xFFFF0000, v18;
	v12 =	vmul.f32 v21, v5;
	v14 =	vmul.f32 v23, v6  }
0x259: {  	[tilespmem:s20+$0x20] =	vst v10;
	v26 =	vmul.f32 v22, v5;
	v9 =	vmul.f32 v25, v6  }
0x25a: {  	v27 =	vld [tilespmem:s29+$0x4930];
	v12 =	vadd.f32 v14, v12  }
0x25b: {  	s21 =	sadd.s32 $0x10900, s1;
	v28 =	vld [tilespmem:s29+$0xA930];
	v9 =	vadd.f32 v9, v26  }
0x25c: {  	s22 =	sadd.s32 $0x11500, s1;
	[tilespmem:s21+$0x10] =	vst v12;
	v29 =	vshll.u32 v11, $0x10;
	v11 =	vand.u32 $0xFFFF0000, v11;
	v30 =	vshll.u32 v24, $0x10  }
0x25d: {  	[tilespmem:s22+$0x10] =	vst v9;
	v31 =	vand.u32 $0xFFFF0000, v24;
	v10 =	vmul.f32 v29, v7;
	v12 =	vmul.f32 v30, v8  }
0x25e: {  	v32 =	vld [tilespmem:s30+$0x4920];
	v11 =	vmul.f32 v11, v7;
	v9 =	vmul.f32 v31, v8  }
0x25f: {  	v33 =	vld [tilespmem:s30+$0xA920];
	v10 =	vadd.f32 v12, v10  }
0x260: {  	s23 =	sadd.s32 $0x10900, s13;
	v34 =	vshll.u32 v27, $0x10;
	v35 =	vshll.u32 v28, $0x10;
	v9 =	vadd.f32 v9, v11  }
0x261: {  	s26 =	sadd.s32 $0x11500, s13;
	v36 =	vmul.f32 v34, v3;
	v37 =	vmul.f32 v35, v4;
	[tilespmem:s23+$0x10] =	vst v10  }
0x262: {  	v38 =	vand.u32 $0xFFFF0000, v27;
	v39 =	vand.u32 $0xFFFF0000, v28;
	[tilespmem:s26+$0x10] =	vst v9  }
0x263: {  	v40 =	vmul.f32 v38, v3;
	v41 =	vmul.f32 v39, v4;
	v11 =	vadd.f32 v37, v36;
	v42 =	vld [tilespmem:s31+$0x4920]  }
0x264: {  	v43 =	vshll.u32 v32, $0x10;
	v44 =	vand.u32 $0xFFFF0000, v32;
	v45 =	vshll.u32 v33, $0x10;
	v46 =	vld [tilespmem:s31+$0xA920]  }
0x265: {  	v16 =	vand.u32 $0xFFFF0000, v33;
	v13 =	vmul.f32 v43, v5;
	v15 =	vmul.f32 v45, v6  }
0x266: {  	v9 =	vadd.f32 v41, v40;
	v47 =	vmul.f32 v44, v5;
	v48 =	vmul.f32 v16, v6  }
0x267: {  	[tilespmem:s19+$0x30] =	vst v11;
	v49 =	vadd.f32 v15, v13  }
0x268: {  	[tilespmem:s20+$0x30] =	vst v9;
	v50 =	vadd.f32 v48, v47  }
0x269: {  	v51 =	vld [tilespmem:s29+$0x4940];
	[tilespmem:s21+$0x20] =	vst v49;
	v52 =	vshll.u32 v42, $0x10;
	v12 =	vand.u32 $0xFFFF0000, v42;
	v53 =	vshll.u32 v46, $0x10  }
0x26a: {  	v54 =	vld [tilespmem:s29+$0xA940];
	[tilespmem:s22+$0x20] =	vst v50;
	v55 =	vand.u32 $0xFFFF0000, v46;
	v11 =	vmul.f32 v52, v7;
	v13 =	vmul.f32 v53, v8  }
0x26b: {  	v56 =	vld [tilespmem:s30+$0x4930];
	v12 =	vmul.f32 v12, v7;
	v9 =	vmul.f32 v55, v8  }
0x26c: {  	v57 =	vld [tilespmem:s30+$0xA930];
	v11 =	vadd.f32 v13, v11  }
0x26d: {  	v9 =	vadd.f32 v9, v12  }
0x26e: {  	[tilespmem:s23+$0x20] =	vst v11  }
0x26f: {  	v58 =	vshll.u32 v51, $0x10;
	v59 =	vshll.u32 v54, $0x10;
	[tilespmem:s26+$0x20] =	vst v9  }
0x270: {  	v60 =	vmul.f32 v58, v3;
	v61 =	vmul.f32 v59, v4;
	v62 =	vld [tilespmem:s31+$0x4930]  }
0x271: {  	v63 =	vshll.u32 v56, $0x10;
	v15 =	vand.u32 $0xFFFF0000, v56;
	v21 =	vshll.u32 v57, $0x10;
	v22 =	vld [tilespmem:s31+$0xA930]  }
0x272: {  	v16 =	vand.u32 $0xFFFF0000, v57;
	v13 =	vmul.f32 v63, v5;
	v17 =	vmul.f32 v21, v6  }
0x273: {  	v10 =	vand.u32 $0xFFFF0000, v51;
	v15 =	vmul.f32 v15, v5;
	v16 =	vmul.f32 v16, v6  }
0x274: {  	v14 =	vand.u32 $0xFFFF0000, v54;
	v10 =	vmul.f32 v10, v3;
	v13 =	vadd.f32 v17, v13  }
0x275: {  	v14 =	vmul.f32 v14, v4;
	v9 =	vadd.f32 v61, v60;
	v23 =	vadd.f32 v16, v15  }
0x276: {  	[tilespmem:s21+$0x30] =	vst v13;
	v24 =	vshll.u32 v62, $0x10;
	v12 =	vand.u32 $0xFFFF0000, v62;
	v25 =	vshll.u32 v22, $0x10  }
0x277: {  	[tilespmem:s22+$0x30] =	vst v23;
	v26 =	vand.u32 $0xFFFF0000, v22;
	v13 =	vmul.f32 v24, v7;
	v15 =	vmul.f32 v25, v8  }
0x278: {  	v10 =	vadd.f32 v14, v10;
	v27 =	vld [tilespmem:s30+$0x4940];
	v12 =	vmul.f32 v12, v7;
	v11 =	vmul.f32 v26, v8  }
0x279: {  	[tilespmem:s19+$0x40] =	vst v9;
	v28 =	vld [tilespmem:s30+$0xA940];
	v13 =	vadd.f32 v15, v13  }
0x27a: {  	[tilespmem:s20+$0x40] =	vst v10;
	v29 =	vadd.f32 v11, v12  }
0x27b: {  	[tilespmem:s23+$0x30] =	vst v13  }
0x27c: {  	v30 =	vld [tilespmem:s29+$0x4950];
	[tilespmem:s26+$0x30] =	vst v29  }
0x27d: {  	v10 =	vld [tilespmem:s31+$0x4940]  }
0x27e: {  	v31 =	vshll.u32 v27, $0x10;
	v32 =	vand.u32 $0xFFFF0000, v27;
	v33 =	vshll.u32 v28, $0x10;
	v34 =	vld [tilespmem:s31+$0xA940]  }
0x27f: {  	v9 =	vand.u32 $0xFFFF0000, v28;
	v12 =	vmul.f32 v31, v5;
	v14 =	vmul.f32 v33, v6  }
0x280: {  	v13 =	vmul.f32 v32, v5;
	v9 =	vmul.f32 v9, v6  }
0x281: {  	v35 =	vld [tilespmem:s29+$0xA950];
	v12 =	vadd.f32 v14, v12  }
0x282: {  	v36 =	vshll.u32 v30, $0x10;
	v9 =	vadd.f32 v9, v13  }
0x283: {  	[tilespmem:s21+$0x40] =	vst v12;
	v37 =	vshll.u32 v10, $0x10;
	v10 =	vand.u32 $0xFFFF0000, v10;
	v38 =	vshll.u32 v34, $0x10  }
0x284: {  	[tilespmem:s22+$0x40] =	vst v9;
	v39 =	vand.u32 $0xFFFF0000, v34;
	v12 =	vmul.f32 v37, v7;
	v13 =	vmul.f32 v38, v8  }
0x285: {  	v11 =	vand.u32 $0xFFFF0000, v30;
	v40 =	vld [tilespmem:s30+$0x4950];
	v10 =	vmul.f32 v10, v7;
	v9 =	vmul.f32 v39, v8  }
0x286: {  	v41 =	vshll.u32 v35, $0x10;
	v16 =	vand.u32 $0xFFFF0000, v35;
	v42 =	vld [tilespmem:s30+$0xA950];
	v12 =	vadd.f32 v13, v12  }
0x287: {  	v43 =	vmul.f32 v36, v3;
	v44 =	vmul.f32 v41, v4;
	v9 =	vadd.f32 v9, v10  }
0x288: {  	v45 =	vmul.f32 v11, v3;
	v46 =	vmul.f32 v16, v4;
	[tilespmem:s23+$0x40] =	vst v12  }
0x289: {  	[tilespmem:s26+$0x40] =	vst v9  }
0x28a: {  	v47 =	vadd.f32 v44, v43;
	v10 =	vadd.f32 v46, v45;
	v48 =	vld [tilespmem:s31+$0x4950]  }
0x28b: {  	v49 =	vshll.u32 v40, $0x10;
	v50 =	vand.u32 $0xFFFF0000, v40;
	v51 =	vshll.u32 v42, $0x10;
	v52 =	vld [tilespmem:s31+$0xA950]  }
0x28c: {  	v53 =	vand.u32 $0xFFFF0000, v42;
	v12 =	vmul.f32 v49, v5;
	v14 =	vmul.f32 v51, v6  }
0x28d: {  	[tilespmem:s19+$0x50] =	vst v47;
	v54 =	vmul.f32 v50, v5;
	v55 =	vmul.f32 v53, v6  }
0x28e: {  	[tilespmem:s20+$0x50] =	vst v10;
	v56 =	vadd.f32 v14, v12  }
0x28f: {  	v57 =	vld [tilespmem:s29+$0x4960];
	v9 =	vadd.f32 v55, v54  }
0x290: {  	v58 =	vld [tilespmem:s29+$0xA960];
	[tilespmem:s21+$0x50] =	vst v56;
	v59 =	vshll.u32 v48, $0x10;
	v11 =	vand.u32 $0xFFFF0000, v48;
	v60 =	vshll.u32 v52, $0x10  }
0x291: {  	[tilespmem:s22+$0x50] =	vst v9;
	v61 =	vand.u32 $0xFFFF0000, v52;
	v10 =	vmul.f32 v59, v7;
	v14 =	vmul.f32 v60, v8  }
0x292: {  	v62 =	vld [tilespmem:s30+$0x4960];
	v11 =	vmul.f32 v11, v7;
	v9 =	vmul.f32 v61, v8  }
0x293: {  	v63 =	vld [tilespmem:s30+$0xA960];
	v10 =	vadd.f32 v14, v10  }
0x294: {  	v9 =	vadd.f32 v9, v11  }
0x295: {  	v20 =	vshll.u32 v57, $0x10;
	v12 =	vand.u32 $0xFFFF0000, v57;
	v21 =	vshll.u32 v58, $0x10;
	[tilespmem:s23+$0x50] =	vst v10  }
0x296: {  	v22 =	vand.u32 $0xFFFF0000, v58;
	v23 =	vmul.f32 v21, v4;
	v24 =	vmul.f32 v12, v3;
	[tilespmem:s26+$0x50] =	vst v9  }
0x297: {  	v11 =	vmul.f32 v20, v3;
	v10 =	vmul.f32 v22, v4;
	v25 =	vld [tilespmem:s31+$0x4960]  }
0x298: {  	v26 =	vshll.u32 v62, $0x10;
	v15 =	vand.u32 $0xFFFF0000, v62;
	v27 =	vshll.u32 v63, $0x10;
	v28 =	vld [tilespmem:s31+$0xA960]  }
0x299: {  	v16 =	vand.u32 $0xFFFF0000, v63;
	v14 =	vmul.f32 v26, v5;
	v17 =	vmul.f32 v27, v6  }
0x29a: {  	v11 =	vadd.f32 v23, v11;
	v29 =	vmul.f32 v15, v5;
	v30 =	vmul.f32 v16, v6  }
0x29b: {  	v9 =	vadd.f32 v10, v24  }
0x29c: {  	[tilespmem:s19+$0x60] =	vst v11;
	v31 =	vadd.f32 v17, v14;
	v32 =	vadd.f32 v30, v29  }
0x29d: {  	[tilespmem:s20+$0x60] =	vst v9;
	v33 =	vshll.u32 v25, $0x10;
	v12 =	vand.u32 $0xFFFF0000, v25;
	v34 =	vshll.u32 v28, $0x10  }
0x29e: {  	[tilespmem:s21+$0x60] =	vst v31;
	v37 =	vld [tilespmem:s29+$0xA970];
	v36 =	vand.u32 $0xFFFF0000, v28;
	v9 =	vmul.f32 v33, v7;
	v13 =	vmul.f32 v34, v8  }
0x29f: {  	v35 =	vld [tilespmem:s29+$0x4970];
	[tilespmem:s22+$0x60] =	vst v32;
	v38 =	vmul.f32 v12, v7;
	v10 =	vmul.f32 v36, v8  }
0x2a0: {  	v39 =	vld [tilespmem:s30+$0x4970];
	v9 =	vadd.f32 v13, v9  }
0x2a1: {  	v40 =	vld [tilespmem:s30+$0xA970];
	v10 =	vadd.f32 v10, v38  }
0x2a2: {  	[tilespmem:s23+$0x60] =	vst v9  }
0x2a3: {  	v43 =	vshll.u32 v37, $0x10;
	[tilespmem:s26+$0x60] =	vst v10  }
0x2a4: {  	v41 =	vshll.u32 v35, $0x10;
	v15 =	vand.u32 $0xFFFF0000, v37;
	v11 =	vmul.f32 v43, v4;
	v44 =	vld [tilespmem:s31+$0x4970]  }
0x2a5: {  	v42 =	vand.u32 $0xFFFF0000, v35;
	v46 =	vmul.f32 v15, v4;
	v9 =	vmul.f32 v41, v3;
	v45 =	vld [tilespmem:s31+$0xA970]  }
0x2a6: {  	v3 =	vmul.f32 v42, v3;
	v47 =	vshll.u32 v39, $0x10;
	v48 =	vshll.u32 v40, $0x10  }
0x2a7: {  	v51 =	vand.u32 $0xFFFF0000, v39;
	v49 =	vmul.f32 v47, v5;
	v50 =	vmul.f32 v48, v6  }
0x2a8: {  	v52 =	vand.u32 $0xFFFF0000, v40;
	v4 =	vmul.f32 v51, v5;
	v9 =	vadd.f32 v11, v9  }
0x2a9: {  	v53 =	vmul.f32 v52, v6;
	v3 =	vadd.f32 v46, v3;
	v54 =	vadd.f32 v50, v49  }
0x2aa: {  	v55 =	vshll.u32 v44, $0x10;
	v56 =	vand.u32 $0xFFFF0000, v44;
	v57 =	vshll.u32 v45, $0x10  }
0x2ab: {  	[tilespmem:s19+$0x70] =	vst v9;
	v58 =	vand.u32 $0xFFFF0000, v45;
	v59 =	vmul.f32 v55, v7;
	v60 =	vmul.f32 v57, v8  }
0x2ac: {  	[tilespmem:s20+$0x70] =	vst v3;
	v3 =	vadd.f32 v53, v4;
	v61 =	vmul.f32 v56, v7;
	v62 =	vmul.f32 v58, v8  }
0x2ad: {  	[tilespmem:s21+$0x70] =	vst v54;
	v63 =	vadd.f32 v60, v59  }
0x2ae: {  	s28 =	sadd.s32 $0x1, s28;
	[tilespmem:s22+$0x70] =	vst v3;
	v3 =	vadd.f32 v62, v61  }
0x2af: {  	p0 =	sne.s32 s28, s10;
	[tilespmem:s23+$0x70] =	vst v63  }
.Ltmp1:
0x2b0: {  	s31 =	simm.s32 $0x10100;
	[tilespmem:s26+$0x70] =	vst v3;
	(pc) =	sbr.rel @p0 .LBB2_1-.Ltmp1, $4  }
0x2b1: {  	[hbm4b:s9+s2] =	stream.linear.scatter [tilespmem:s31], [sflag:$0x3], $0xC000, $0x38;
	[tilespmem:$0x1C100] =	vst v63  }
0x2b2: {  	_ =	swait.ge [sflag:s11], $0xC000  }
0x2b3: {  	[sflag:s11] =	ssyncset.done $0x0  }
0x2b4: {  	[sflag:s11] =	ssyncadd.s32 $0xFFFF4000  }
0x2b5: {  	_ =	sfence.sel $0x180000  }
0x2b6: {  	[bflag:$0x0] =	sbarrier.arrive $0xFFFF  }
0x2b7: {  	_ =	strace $0x9000004A  }
0x2b8: {  	s0 =	stileid.u32;
	[bflag:$0x2] =	sbarrier.arrive $0xFFFF  }
0x2b9: {  	p0 =	sne.s32 s0, $0x0;
	s0 =	rddreg [dreg:$0x2]  }
0x2ba: {  	s0 =	sadd.s32 @!p0 $0x100000, s0  }
0x2bb: {  	[sflag:s0] =	ssyncadd.tile.s32 @!p0 $0x1;
	_ =	shalt  }
.Lfunc_end2:
_tile_overlayer_lowered:
.L_overlay_start_2:
0x2bc: {  	(tag) =	ssettag $0x2  }
0x2bd: {  	s0 =	rddreg [dreg:$0x0];
	s2 =	stileid.u32  }
0x2be: {  	s1 =	rddreg [dreg:$0x1];
	p0 =	sne.s32 s2, $0x0  }
0x2bf: {  	s3 =	rddreg [dreg:$0x2];
	[bflag:$0x3] =	sbarrier.arrive $0xFFFF;
	s2 =	simm.s32 @!p0 $0x1C03  }
0x2c0: {  	[timem:s3], [sflag:s2] =	dma.local @!p0 [hbm:s0], s1  }
0x2c1: {  	s0 =	simm.s32 @!p0 $0x3  }
0x2c2: {  	_ =	swait.ge @!p0 [sflag:s0], s1  }
0x2c3: {  	s1 =	ssub.s32 @!p0 $0x0, s1;
	[sflag:s0] =	ssyncset.done @!p0 $0x0  }
0x2c4: {  	[sflag:s0] =	ssyncadd.s32 @!p0 s1  }
0x2c5: {  	[bflag:$0x3] =	sbarrier.arrive $0xFFFF  }
0x2c6: {  	_ =	shalt  }

</sc_bundles>
